<compile_context>
chip_gen: v7x
topology: tpu7x:2x2x1
jax: 0.10.2.dev20260603
libtpu: 0.0.44.dev20260713+nightly
codegen_flags: <defaults>
</compile_context>

<pallas_src>
import functools

import jax
import jax.numpy as jnp
from jax import lax
from jax.experimental import pallas as pl
from jax.experimental.pallas import tpu as pltpu
from jax.experimental.pallas import tpu_sc as plsc

_CUT = 5.0
_WID = 0.5
_P = 160000
_P2 = 163840
_N = 10000
_NACC = 10112
_E = 2048
_NB = _P2 // _E
_G = 64
_NBATCH = _P2 // _G
_BPT = _NBATCH // 16
_BPT_E = _NBATCH // 32


def _tc_body(R_b, spec_v, W_v, an_ref, ant_ref, nembT_ref):
    b = pl.program_id(0)

    @pl.when(b == 0)
    def _emb():
        iot = lax.broadcasted_iota(jnp.int32, (100, _N), 0)
        oh = (iot == spec_v[...]).astype(jnp.float32)
        nembT_ref[...] = lax.dot_general(
            W_v[...], oh, (((0,), (0,)), ((), ())),
            preferred_element_type=jnp.float32)

    R = R_b[...]
    x = R[:, 0:1]
    y = R[:, 1:2]
    z = R[:, 2:3]
    r2 = x * x + y * y + z * z + 1e-20
    r = jnp.sqrt(r2)
    inv = 1.0 / (r + 1e-10)
    ux = x * inv
    uy = y * inv
    uz = z * inv

    inner = _CUT - _WID
    t = jnp.clip((r - inner) / _WID, 0.0, 1.0)
    smooth = 0.5 * (1.0 + jnp.cos(jnp.pi * t))
    cut = jnp.where(r < inner, 1.0, jnp.where(r < _CUT, smooth, 0.0))

    nvec = (lax.broadcasted_iota(jnp.int32, (1, 9), 1) + 1).astype(
        jnp.float32) * (jnp.pi / _CUT)
    rad = jnp.sqrt(2.0 / _CUT) * jnp.sin(r * nvec) * inv * cut

    zz2 = uz * uz
    ang = jnp.concatenate([
        0.28209479177387814 * jnp.ones_like(x),
        0.4886025119029199 * uy,
        0.4886025119029199 * uz,
        0.4886025119029199 * ux,
        1.0925484305920792 * ux * uy,
        1.0925484305920792 * uy * uz,
        0.31539156525252005 * (3.0 * zz2 - 1.0),
        1.0925484305920792 * ux * uz,
        0.5462742152960396 * (ux * ux - uy * uy),
        0.5900435899266435 * uy * (3.0 * ux * ux - uy * uy),
        2.890611442640554 * ux * uy * uz,
        0.4570457994644658 * uy * (5.0 * zz2 - 1.0),
        0.3731763325901154 * uz * (5.0 * zz2 - 3.0),
        0.4570457994644658 * ux * (5.0 * zz2 - 1.0),
        1.445305721320277 * uz * (ux * ux - uy * uy),
        0.5900435899266435 * ux * (ux * ux - 3.0 * uy * uy),
    ], axis=1)

    for n in range(8):
        an_ref[:, 16 * n:16 * (n + 1)] = rad[:, n:n + 1] * ang
    ant_ref[...] = rad[:, 8:9] * ang


def _tc_stage(R_pad, species, W_species):
    return pl.pallas_call(
        _tc_body,
        grid=(_NB,),
        in_specs=[
            pl.BlockSpec((_E, 3), lambda b: (b, 0)),
            pl.BlockSpec((1, _N), lambda b: (0, 0)),
            pl.BlockSpec((100, 4), lambda b: (0, 0)),
        ],
        out_specs=[
            pl.BlockSpec((_E, 128), lambda b: (b, 0)),
            pl.BlockSpec((_E, 16), lambda b: (b, 0)),
            pl.BlockSpec((4, _N), lambda b: (0, 0)),
        ],
        out_shape=[
            jax.ShapeDtypeStruct((_P2, 128), jnp.float32),
            jax.ShapeDtypeStruct((_P2, 16), jnp.float32),
            jax.ShapeDtypeStruct((4, _N), jnp.float32),
        ],
    )(R_pad, species.reshape(1, _N).astype(jnp.int32), W_species)


def _sc_full(an_hbm, ant_hbm, i3_hbm, j2_hbm, nembw_hbm, nemba_hbm,
             outm_hbm, outt_hbm,
             an0, an1, eb0, eb1, ib0, ib1, jb0, jb1, tb0, tb1,
             ls0, ls1, gs0, gs1, ss0, ss1, acc_sh):
    cid = lax.axis_index("c")
    sid = lax.axis_index("s")
    base = sid * 632
    anb = (an0, an1)
    ebb = (eb0, eb1)
    ibb = (ib0, ib1)
    jbb = (jb0, jb1)
    tbb = (tb0, tb1)
    lss = (ls0, ls1)
    gss = (gs0, gs1)
    sss = (ss0, ss1)

    def zero_an0():
        def zrow(e, _):
            for n in range(8):
                an0[e, 16 * n:16 * (n + 1)] = jnp.zeros((16,), jnp.float32)
            return 0
        lax.fori_loop(0, _G, zrow, 0)

    def zero_acc():
        for q in range(9):
            pltpu.sync_copy(an0, acc_sh.at[pl.ds(base + q * _G, _G)])
        pltpu.sync_copy(an0.at[pl.ds(0, 56)],
                        acc_sh.at[pl.ds(base + 9 * _G, 56)])
        plsc.subcore_barrier()

    def lin_start(q, gb, tail):
        src = ant_hbm if tail else an_hbm
        dst = tbb[q] if tail else anb[q]
        pltpu.async_copy(src.at[pl.ds(gb * _G, _G)], dst, lss[q])
        pltpu.async_copy(i3_hbm.at[gb], ibb[q], lss[q])
        pltpu.async_copy(j2_hbm.at[gb], jbb[q], lss[q])

    def lin_wait(q, gb, tail):
        src = ant_hbm if tail else an_hbm
        dst = tbb[q] if tail else anb[q]
        pltpu.make_async_copy(src.at[pl.ds(gb * _G, _G)], dst, lss[q]).wait()
        pltpu.make_async_copy(i3_hbm.at[gb], ibb[q], lss[q]).wait()
        pltpu.make_async_copy(j2_hbm.at[gb], jbb[q], lss[q]).wait()

    def gather_start(q, c_val, tail):
        if tail:
            pltpu.async_copy(nemba_hbm.at[jbb[q]], ebb[q], gss[q])
        else:
            pltpu.async_copy(nembw_hbm.at[c_val].at[jbb[q]], ebb[q], gss[q])

    def gather_wait(q, c_val, tail):
        src = nemba_hbm.at[jbb[q]] if tail else nembw_hbm.at[c_val].at[jbb[q]]
        pltpu.make_async_copy(src, ebb[q], gss[q]).wait()

    def scatter_start(q):
        pltpu.async_copy(anb[q], acc_sh.at[ibb[q].at[0]], sss[q], add=True)

    def scatter_wait(q):
        pltpu.make_async_copy(anb[q], acc_sh.at[ibb[q].at[0]], sss[q]).wait()

    def compute_main(q):
        buf = anb[q]
        emb = ebb[q]

        def edge(p, _):
            sv = emb[p, 0:16]
            vals = [buf[p, 16 * n:16 * (n + 1)] for n in range(8)]
            prods = [v * sv for v in vals]
            for n in range(8):
                buf[p, 16 * n:16 * (n + 1)] = prods[n]
            return 0
        lax.fori_loop(0, _G, edge, 0)

    def compute_tail(q):
        buf = anb[q]
        emb = ebb[q]
        tb = tbb[q]

        def edge(p, _):
            tv = tb[p]
            prods = [emb[p, 16 * c:16 * (c + 1)] * tv for c in range(4)]
            for c in range(4):
                buf[p, 16 * c:16 * (c + 1)] = prods[c]
            return 0
        lax.fori_loop(0, _G, edge, 0)

    def run_chunk(c_val, tail, gbase, nbatch):
        compute = compute_tail if tail else compute_main
        npair = nbatch // 2
        lin_start(0, gbase, tail)

        def pair(t, _):
            gb0 = gbase + 2 * t
            gb1 = gb0 + 1
            lin_wait(0, gb0, tail)
            gather_start(0, c_val, tail)

            @pl.when(t > 0)
            def _():
                scatter_wait(1)
            lin_start(1, gb1, tail)
            gather_wait(0, c_val, tail)
            compute(0)
            scatter_start(0)

            lin_wait(1, gb1, tail)
            gather_start(1, c_val, tail)
            scatter_wait(0)

            @pl.when(t + 1 < npair)
            def _():
                lin_start(0, gb0 + 2, tail)
            gather_wait(1, c_val, tail)
            compute(1)
            scatter_start(1)
            return 0

        lax.fori_loop(0, npair, pair, 0)
        scatter_wait(1)
        plsc.subcore_barrier()

    for chunk in range(2):
        c_val = cid * 2 + chunk
        zero_an0()
        zero_acc()
        run_chunk(c_val, False, sid * _BPT, _BPT)
        pltpu.sync_copy(acc_sh.at[pl.ds(base, 632)],
                        outm_hbm.at[c_val, pl.ds(base, 632)])
        plsc.subcore_barrier()

    zero_an0()
    zero_acc()
    run_chunk(0, True, cid * (_NBATCH // 2) + sid * _BPT_E, _BPT_E)
    pltpu.sync_copy(acc_sh.at[pl.ds(base, 632)],
                    outt_hbm.at[cid, pl.ds(base, 632)])


def _sc_stage(an, ant, i3, j2, nembw, nemba):
    mesh = plsc.VectorSubcoreMesh(core_axis_name="c", subcore_axis_name="s")
    run = functools.partial(
        pl.kernel,
        mesh=mesh,
        out_type=[
            jax.ShapeDtypeStruct((4, _NACC, 128), jnp.float32),
            jax.ShapeDtypeStruct((2, _NACC, 128), jnp.float32),
        ],
        scratch_types=[
            pltpu.VMEM((_G, 128), jnp.float32),
            pltpu.VMEM((_G, 128), jnp.float32),
            pltpu.VMEM((_G, 128), jnp.float32),
            pltpu.VMEM((_G, 128), jnp.float32),
            pltpu.VMEM((1, _G), jnp.int32),
            pltpu.VMEM((1, _G), jnp.int32),
            pltpu.VMEM((_G,), jnp.int32),
            pltpu.VMEM((_G,), jnp.int32),
            pltpu.VMEM((_G, 16), jnp.float32),
            pltpu.VMEM((_G, 16), jnp.float32),
            pltpu.SemaphoreType.DMA,
            pltpu.SemaphoreType.DMA,
            pltpu.SemaphoreType.DMA,
            pltpu.SemaphoreType.DMA,
            pltpu.SemaphoreType.DMA,
            pltpu.SemaphoreType.DMA,
            pltpu.VMEM_SHARED((_NACC, 128), jnp.float32),
        ],
    )
    return run(_sc_full)(an, ant, i3, j2, nembw, nemba)


def kernel(R_ij, i, j, species, W_species):
    pad = _P2 - _P
    R_far = jnp.concatenate(
        [jnp.full((pad, 1), 10.0, R_ij.dtype), jnp.zeros((pad, 2), R_ij.dtype)],
        axis=1)
    R_pad = jnp.concatenate([R_ij, R_far], axis=0)
    i_pad = jnp.concatenate(
        [i.astype(jnp.int32), jnp.full((pad,), _N, jnp.int32)])
    j_pad = jnp.concatenate(
        [j.astype(jnp.int32), jnp.zeros((pad,), jnp.int32)])
    i3 = i_pad.reshape(_NBATCH, 1, _G)
    j2 = j_pad.reshape(_NBATCH, _G)

    an, ant, nembT = _tc_stage(R_pad, species, W_species)
    nembw = jnp.broadcast_to(nembT[:, :, None], (4, _N, 128))
    nemba = jnp.concatenate([
        jnp.broadcast_to(nembT.T[:, :, None], (_N, 4, 16)).reshape(_N, 64),
        jnp.zeros((_N, 64), jnp.float32),
    ], axis=1)

    outm, outt = _sc_stage(an, ant, i3, j2, nembw, nemba)

    tm = outm[:, :_N, :].reshape(4, _N, 8, 16).transpose(1, 3, 2, 0)
    tail = (outt[0, :_N, :64] + outt[1, :_N, :64]).reshape(_N, 4, 16)
    tt = tail.transpose(0, 2, 1)[:, :, None, :]
    t = jnp.concatenate([tm, tt], axis=2)
    return (t[:, 0:1], t[:, 1:4], t[:, 4:9], t[:, 9:16])

# --- scband reference (transcript-rebuilt; emitter-appended) ---
"""Pipeline reference for scband-spherical-expansion-34127810134280 (READ-ONLY COPY).

The authoritative reference and input builder live on the scoring server;
editing this copy changes nothing except your own understanding.
"""

import jax, jax.numpy as jnp
import numpy as np

CUTOFF = 5.0
WIDTH = 0.5
MAX_ANGULAR = 3
MAX_RADIAL = 8  # -> 9 radial functions per l (LaplacianEigenstates)
N_PSEUDO = 4    # Alchemical pseudo_species
N_SPECIES = 100
N_NODES = 10000
N_EDGES = 160000


def _radial(r):
    # Laplacian-eigenstate-style radial basis: sqrt(2/c) * sin(n*pi*r/c)/r, n=1..9, shared across l
    n = jnp.arange(1, MAX_RADIAL + 2, dtype=jnp.float32)
    z = n * jnp.pi / CUTOFF
    basis = jnp.sqrt(2.0 / CUTOFF) * jnp.sin(r[:, None] * z) / (r[:, None] + 1e-10)
    return [basis for _ in range(MAX_ANGULAR + 1)]


def _cutoff(r):
    # ShiftedCosine cutoff with width 0.5
    inner = CUTOFF - WIDTH
    t = jnp.clip((r - inner) / WIDTH, 0.0, 1.0)
    smooth = 0.5 * (1.0 + jnp.cos(jnp.pi * t))
    return jnp.where(r < inner, 1.0, jnp.where(r < CUTOFF, smooth, 0.0))


def _spherical_harmonics(R, r):
    # real spherical harmonics up to l=3 on unit directions
    u = R / (r[:, None] + 1e-10)
    x, y, z = u[:, 0], u[:, 1], u[:, 2]
    l0 = 0.28209479177387814 * jnp.ones_like(x)[:, None]
    l1 = 0.4886025119029199 * jnp.stack([y, z, x], axis=-1)
    l2 = jnp.stack([
        1.0925484305920792 * x * y,
        1.0925484305920792 * y * z,
        0.31539156525252005 * (3.0 * z * z - 1.0),
        1.0925484305920792 * x * z,
        0.5462742152960396 * (x * x - y * y),
    ], axis=-1)
    l3 = jnp.stack([
        0.5900435899266435 * y * (3.0 * x * x - y * y),
        2.890611442640554 * x * y * z,
        0.4570457994644658 * y * (5.0 * z * z - 1.0),
        0.3731763325901154 * z * (5.0 * z * z - 3.0),
        0.4570457994644658 * x * (5.0 * z * z - 1.0),
        1.445305721320277 * z * (x * x - y * y),
        0.5900435899266435 * x * (x * x - 3.0 * y * y),
    ], axis=-1)
    return [l0, l1, l2, l3]


def setup_inputs(seed: int = 0):
    key = jax.random.key(seed)
    k1, k2, k3, k4, k5 = jax.random.split(key, 5)
    R_ij = jax.random.normal(k1, (N_EDGES, 3), dtype=jnp.float32)
    i = jax.random.randint(k2, (N_EDGES,), 0, N_NODES)
    j = jax.random.randint(k3, (N_EDGES,), 0, N_NODES)
    species = jax.random.randint(k4, (N_NODES,), 0, N_SPECIES)
    # Alchemical species embedding table (learned parameter): [N_SPECIES, N_PSEUDO]
    W_species = jax.random.normal(k5, (N_SPECIES, N_PSEUDO), dtype=jnp.float32) * 0.1
    return {"R_ij": R_ij, "i": i, "j": j, "species": species, "W_species": W_species}


def reference(R_ij, i, j, species, W_species):
    r_ij = jnp.sqrt(jnp.sum(R_ij * R_ij, axis=-1) + 1e-20)
    Z_j = species[j]                      # gather neighbour species
    radial_ij = _radial(r_ij)             # list of [P, n]
    cutoff_ij = _cutoff(r_ij)             # [P]
    angular_ij = _spherical_harmonics(R_ij, r_ij)  # list of [P, 2l+1]
    species_ij = jnp.take(W_species, Z_j, axis=0)  # [P, c] embedding gather
    radial_ij = [rb * cutoff_ij[:, None] for rb in radial_ij]
    radial_and_angular_ij = [jnp.einsum('pn,pm->pmn', rb, ang) for rb, ang in zip(radial_ij, angular_ij)]
    full_expansion_ij = [jnp.einsum('pln,pc->plnc', ra, species_ij) for ra in radial_and_angular_ij]
    n_centers = species.shape[0]
    full_expansion = [jnp.zeros((n_centers,) + e.shape[1:], dtype=e.dtype).at[i].add(e) for e in full_expansion_ij]
    return tuple(full_expansion)

if __name__ == "__main__":
    import jax
    _d = setup_inputs()
    print(jax.jit(kernel)(*tuple(_d.values())))

</pallas_src>

<mosaic_0001>
#map = affine_map<(d0, d1) -> (0, 0)>
#map1 = affine_map<(d0, d1) -> (0, 0, 0)>
module attributes {stable_mosaic.version = 14 : i64} {
  func.func @_sc_full(%arg0: i32, %arg1: i32, %arg2: memref<163840x128xf32, #tpu.memory_space<hbm>>, %arg3: memref<163840x16xf32, #tpu.memory_space<hbm>>, %arg4: memref<2560x1x64xi32, #tpu.memory_space<hbm>>, %arg5: memref<2560x64xi32, #tpu.memory_space<hbm>>, %arg6: memref<4x10000x128xf32, #tpu.memory_space<hbm>>, %arg7: memref<10000x128xf32, #tpu.memory_space<hbm>>, %arg8: memref<4x10112x128xf32, #tpu.memory_space<hbm>>, %arg9: memref<2x10112x128xf32, #tpu.memory_space<hbm>>, %arg10: memref<64x128xf32, #tpu.memory_space<vmem>>, %arg11: memref<64x128xf32, #tpu.memory_space<vmem>>, %arg12: memref<64x128xf32, #tpu.memory_space<vmem>>, %arg13: memref<64x128xf32, #tpu.memory_space<vmem>>, %arg14: memref<1x64xi32, #tpu.memory_space<vmem>>, %arg15: memref<1x64xi32, #tpu.memory_space<vmem>>, %arg16: memref<64xi32, #tpu.memory_space<vmem>>, %arg17: memref<64xi32, #tpu.memory_space<vmem>>, %arg18: memref<64x16xf32, #tpu.memory_space<vmem>>, %arg19: memref<64x16xf32, #tpu.memory_space<vmem>>, %arg20: memref<!tpu.dma_semaphore, #tpu.memory_space<semaphore_mem>>, %arg21: memref<!tpu.dma_semaphore, #tpu.memory_space<semaphore_mem>>, %arg22: memref<!tpu.dma_semaphore, #tpu.memory_space<semaphore_mem>>, %arg23: memref<!tpu.dma_semaphore, #tpu.memory_space<semaphore_mem>>, %arg24: memref<!tpu.dma_semaphore, #tpu.memory_space<semaphore_mem>>, %arg25: memref<!tpu.dma_semaphore, #tpu.memory_space<semaphore_mem>>, %arg26: memref<10112x128xf32, #tpu.memory_space<vmem_shared>>) attributes {dimension_semantics = [#tpu.dimension_semantics<core_parallel>, #tpu.dimension_semantics<subcore_parallel>], iteration_bounds = array<i64: 2, 16>, scalar_prefetch = 0 : i64, scratch_operands = 17 : i64, tpu.core_type = #tpu.core_type<sc_vector_subcore>, window_params = [{transform_indices = #map}, {transform_indices = #map}, {transform_indices = #map1}, {transform_indices = #map}, {transform_indices = #map1}, {transform_indices = #map}, {transform_indices = #map1}, {transform_indices = #map1}]} {
    %mul3A = arith.constant 632 : i32
    %mul3A_0 = arith.muli %arg1, %mul3A : i32
    %mul3A_1 = arith.constant 2 : i32
    %mul3A_2 = arith.muli %arg0, %mul3A_1 : i32
    %add3A = arith.constant 0 : i32
    %add3A_3 = arith.addi %mul3A_2, %add3A : i32
    %scan3A = arith.constant 0 : i32
    %scan3A_4 = arith.constant 0 : i32
    %scan3A_5 = arith.constant 64 : i32
    %scan3A_6 = arith.addi %scan3A_4, %scan3A_5 : i32
    %scan3A_7 = arith.constant 1 : i32
    %scan3A_8 = scf.for %scan3A_204 = %scan3A_4 to %scan3A_6 step %scan3A_7 iter_args(%scan3A_205 = %scan3A) -> (i32)  : i32 {
      %broadcast_in_dim3A = arith.constant 0.000000e+00 : f32
      %broadcast_in_dim3A_206 = vector.broadcast %broadcast_in_dim3A : f32 to vector<16xf32>
      %swap3A = arith.index_cast %scan3A_204 : i32 to index
      %swap3A_207 = arith.constant 0 : index
      %swap3A_208 = tpu.vector_load %arg10[%swap3A, %swap3A_207] {strides = array<i32>} : memref<64x128xf32, #tpu.memory_space<vmem>>, vector<1x16xf32>,
      %swap3A_209 = vector.shape_cast %swap3A_208 : vector<1x16xf32> to vector<16xf32>
      %swap3A_210 = vector.shape_cast %broadcast_in_dim3A_206 : vector<16xf32> to vector<1x16xf32>
      tpu.vector_store %arg10[%swap3A, %swap3A_207], %swap3A_210 {strides = array<i32>} : memref<64x128xf32, #tpu.memory_space<vmem>>, vector<1x16xf32>,
      %broadcast_in_dim3A_211 = arith.constant 0.000000e+00 : f32
      %broadcast_in_dim3A_212 = vector.broadcast %broadcast_in_dim3A_211 : f32 to vector<16xf32>
      %swap3A_213 = arith.index_cast %scan3A_204 : i32 to index
      %swap3A_214 = arith.constant 16 : index
      %swap3A_215 = tpu.vector_load %arg10[%swap3A_213, %swap3A_214] {strides = array<i32>} : memref<64x128xf32, #tpu.memory_space<vmem>>, vector<1x16xf32>,
      %swap3A_216 = vector.shape_cast %swap3A_215 : vector<1x16xf32> to vector<16xf32>
      %swap3A_217 = vector.shape_cast %broadcast_in_dim3A_212 : vector<16xf32> to vector<1x16xf32>
      tpu.vector_store %arg10[%swap3A_213, %swap3A_214], %swap3A_217 {strides = array<i32>} : memref<64x128xf32, #tpu.memory_space<vmem>>, vector<1x16xf32>,
      %broadcast_in_dim3A_218 = arith.constant 0.000000e+00 : f32
      %broadcast_in_dim3A_219 = vector.broadcast %broadcast_in_dim3A_218 : f32 to vector<16xf32>
      %swap3A_220 = arith.index_cast %scan3A_204 : i32 to index
      %swap3A_221 = arith.constant 32 : index
      %swap3A_222 = tpu.vector_load %arg10[%swap3A_220, %swap3A_221] {strides = array<i32>} : memref<64x128xf32, #tpu.memory_space<vmem>>, vector<1x16xf32>,
      %swap3A_223 = vector.shape_cast %swap3A_222 : vector<1x16xf32> to vector<16xf32>
      %swap3A_224 = vector.shape_cast %broadcast_in_dim3A_219 : vector<16xf32> to vector<1x16xf32>
      tpu.vector_store %arg10[%swap3A_220, %swap3A_221], %swap3A_224 {strides = array<i32>} : memref<64x128xf32, #tpu.memory_space<vmem>>, vector<1x16xf32>,
      %broadcast_in_dim3A_225 = arith.constant 0.000000e+00 : f32
      %broadcast_in_dim3A_226 = vector.broadcast %broadcast_in_dim3A_225 : f32 to vector<16xf32>
      %swap3A_227 = arith.index_cast %scan3A_204 : i32 to index
      %swap3A_228 = arith.constant 48 : index
      %swap3A_229 = tpu.vector_load %arg10[%swap3A_227, %swap3A_228] {strides = array<i32>} : memref<64x128xf32, #tpu.memory_space<vmem>>, vector<1x16xf32>,
      %swap3A_230 = vector.shape_cast %swap3A_229 : vector<1x16xf32> to vector<16xf32>
      %swap3A_231 = vector.shape_cast %broadcast_in_dim3A_226 : vector<16xf32> to vector<1x16xf32>
      tpu.vector_store %arg10[%swap3A_227, %swap3A_228], %swap3A_231 {strides = array<i32>} : memref<64x128xf32, #tpu.memory_space<vmem>>, vector<1x16xf32>,
      %broadcast_in_dim3A_232 = arith.constant 0.000000e+00 : f32
      %broadcast_in_dim3A_233 = vector.broadcast %broadcast_in_dim3A_232 : f32 to vector<16xf32>
      %swap3A_234 = arith.index_cast %scan3A_204 : i32 to index
      %swap3A_235 = arith.constant 64 : index
      %swap3A_236 = tpu.vector_load %arg10[%swap3A_234, %swap3A_235] {strides = array<i32>} : memref<64x128xf32, #tpu.memory_space<vmem>>, vector<1x16xf32>,
      %swap3A_237 = vector.shape_cast %swap3A_236 : vector<1x16xf32> to vector<16xf32>
      %swap3A_238 = vector.shape_cast %broadcast_in_dim3A_233 : vector<16xf32> to vector<1x16xf32>
      tpu.vector_store %arg10[%swap3A_234, %swap3A_235], %swap3A_238 {strides = array<i32>} : memref<64x128xf32, #tpu.memory_space<vmem>>, vector<1x16xf32>,
      %broadcast_in_dim3A_239 = arith.constant 0.000000e+00 : f32
      %broadcast_in_dim3A_240 = vector.broadcast %broadcast_in_dim3A_239 : f32 to vector<16xf32>
      %swap3A_241 = arith.index_cast %scan3A_204 : i32 to index
      %swap3A_242 = arith.constant 80 : index
      %swap3A_243 = tpu.vector_load %arg10[%swap3A_241, %swap3A_242] {strides = array<i32>} : memref<64x128xf32, #tpu.memory_space<vmem>>, vector<1x16xf32>,
      %swap3A_244 = vector.shape_cast %swap3A_243 : vector<1x16xf32> to vector<16xf32>
      %swap3A_245 = vector.shape_cast %broadcast_in_dim3A_240 : vector<16xf32> to vector<1x16xf32>
      tpu.vector_store %arg10[%swap3A_241, %swap3A_242], %swap3A_245 {strides = array<i32>} : memref<64x128xf32, #tpu.memory_space<vmem>>, vector<1x16xf32>,
      %broadcast_in_dim3A_246 = arith.constant 0.000000e+00 : f32
      %broadcast_in_dim3A_247 = vector.broadcast %broadcast_in_dim3A_246 : f32 to vector<16xf32>
      %swap3A_248 = arith.index_cast %scan3A_204 : i32 to index
      %swap3A_249 = arith.constant 96 : index
      %swap3A_250 = tpu.vector_load %arg10[%swap3A_248, %swap3A_249] {strides = array<i32>} : memref<64x128xf32, #tpu.memory_space<vmem>>, vector<1x16xf32>,
      %swap3A_251 = vector.shape_cast %swap3A_250 : vector<1x16xf32> to vector<16xf32>
      %swap3A_252 = vector.shape_cast %broadcast_in_dim3A_247 : vector<16xf32> to vector<1x16xf32>
      tpu.vector_store %arg10[%swap3A_248, %swap3A_249], %swap3A_252 {strides = array<i32>} : memref<64x128xf32, #tpu.memory_space<vmem>>, vector<1x16xf32>,
      %broadcast_in_dim3A_253 = arith.constant 0.000000e+00 : f32
      %broadcast_in_dim3A_254 = vector.broadcast %broadcast_in_dim3A_253 : f32 to vector<16xf32>
      %swap3A_255 = arith.index_cast %scan3A_204 : i32 to index
      %swap3A_256 = arith.constant 112 : index
      %swap3A_257 = tpu.vector_load %arg10[%swap3A_255, %swap3A_256] {strides = array<i32>} : memref<64x128xf32, #tpu.memory_space<vmem>>, vector<1x16xf32>,
      %swap3A_258 = vector.shape_cast %swap3A_257 : vector<1x16xf32> to vector<16xf32>
      %swap3A_259 = vector.shape_cast %broadcast_in_dim3A_254 : vector<16xf32> to vector<1x16xf32>
      tpu.vector_store %arg10[%swap3A_255, %swap3A_256], %swap3A_259 {strides = array<i32>} : memref<64x128xf32, #tpu.memory_space<vmem>>, vector<1x16xf32>,
      %scan3A_260 = arith.constant 0 : i32
      scf.yield %scan3A_260 : i32
    }
    %scan3A_9 = arith.constant 64 : i32
    %add3A_10 = arith.constant 0 : i32
    %add3A_11 = arith.addi %mul3A_0, %add3A_10 : i32
    "tpu.region"() ({
      %run_scoped3A = tpu.sem_alloc : memref<!tpu.dma_semaphore, #tpu.memory_space<semaphore_mem>>
      %dma_start3A_204 = arith.constant 0 : i32
      %dma_start3A_205 = tpu.memref_slice %arg26[%add3A_11, %dma_start3A_204] : memref<10112x128xf32, #tpu.memory_space<vmem_shared>> -> memref<64x128xf32, #tpu.memory_space<vmem_shared>>
      %dma_start3A_206 = arith.constant 0 : i32
      %dma_start3A_207 = tpu.memref_slice %arg26[%add3A_11, %dma_start3A_206] : memref<10112x128xf32, #tpu.memory_space<vmem_shared>> -> memref<64x128xf32, #tpu.memory_space<vmem_shared>>
      tpu.enqueue_dma source(%arg10 : memref<64x128xf32, #tpu.memory_space<vmem>>) target(%dma_start3A_207 : memref<64x128xf32, #tpu.memory_space<vmem_shared>>) target_semaphore(%run_scoped3A : memref<!tpu.dma_semaphore, #tpu.memory_space<semaphore_mem>>)
      %dma_wait3A_208 = arith.constant 0 : i32
      %dma_wait3A_209 = tpu.memref_slice %arg26[%add3A_11, %dma_wait3A_208] : memref<10112x128xf32, #tpu.memory_space<vmem_shared>> -> memref<64x128xf32, #tpu.memory_space<vmem_shared>>
      %dma_wait3A_210 = arith.constant 0 : i32
      %dma_wait3A_211 = tpu.memref_slice %arg26[%add3A_11, %dma_wait3A_210] : memref<10112x128xf32, #tpu.memory_space<vmem_shared>> -> memref<64x128xf32, #tpu.memory_space<vmem_shared>>
      tpu.wait_dma2 semaphore(%run_scoped3A : memref<!tpu.dma_semaphore, #tpu.memory_space<semaphore_mem>>) src(%arg10 : memref<64x128xf32, #tpu.memory_space<vmem>>) dst(%dma_wait3A_211 : memref<64x128xf32, #tpu.memory_space<vmem_shared>>)
      tpu.yield
    }) : () -> ()
    %add3A_12 = arith.constant 64 : i32
    %add3A_13 = arith.addi %mul3A_0, %add3A_12 : i32
    "tpu.region"() ({
      %run_scoped3A = tpu.sem_alloc : memref<!tpu.dma_semaphore, #tpu.memory_space<semaphore_mem>>
      %dma_start3A_204 = arith.constant 0 : i32
      %dma_start3A_205 = tpu.memref_slice %arg26[%add3A_13, %dma_start3A_204] : memref<10112x128xf32, #tpu.memory_space<vmem_shared>> -> memref<64x128xf32, #tpu.memory_space<vmem_shared>>
      %dma_start3A_206 = arith.constant 0 : i32
      %dma_start3A_207 = tpu.memref_slice %arg26[%add3A_13, %dma_start3A_206] : memref<10112x128xf32, #tpu.memory_space<vmem_shared>> -> memref<64x128xf32, #tpu.memory_space<vmem_shared>>
      tpu.enqueue_dma source(%arg10 : memref<64x128xf32, #tpu.memory_space<vmem>>) target(%dma_start3A_207 : memref<64x128xf32, #tpu.memory_space<vmem_shared>>) target_semaphore(%run_scoped3A : memref<!tpu.dma_semaphore, #tpu.memory_space<semaphore_mem>>)
      %dma_wait3A_208 = arith.constant 0 : i32
      %dma_wait3A_209 = tpu.memref_slice %arg26[%add3A_13, %dma_wait3A_208] : memref<10112x128xf32, #tpu.memory_space<vmem_shared>> -> memref<64x128xf32, #tpu.memory_space<vmem_shared>>
      %dma_wait3A_210 = arith.constant 0 : i32
      %dma_wait3A_211 = tpu.memref_slice %arg26[%add3A_13, %dma_wait3A_210] : memref<10112x128xf32, #tpu.memory_space<vmem_shared>> -> memref<64x128xf32, #tpu.memory_space<vmem_shared>>
      tpu.wait_dma2 semaphore(%run_scoped3A : memref<!tpu.dma_semaphore, #tpu.memory_space<semaphore_mem>>) src(%arg10 : memref<64x128xf32, #tpu.memory_space<vmem>>) dst(%dma_wait3A_211 : memref<64x128xf32, #tpu.memory_space<vmem_shared>>)
      tpu.yield
    }) : () -> ()
    %add3A_14 = arith.constant 128 : i32
    %add3A_15 = arith.addi %mul3A_0, %add3A_14 : i32
    "tpu.region"() ({
      %run_scoped3A = tpu.sem_alloc : memref<!tpu.dma_semaphore, #tpu.memory_space<semaphore_mem>>
      %dma_start3A_204 = arith.constant 0 : i32
      %dma_start3A_205 = tpu.memref_slice %arg26[%add3A_15, %dma_start3A_204] : memref<10112x128xf32, #tpu.memory_space<vmem_shared>> -> memref<64x128xf32, #tpu.memory_space<vmem_shared>>
      %dma_start3A_206 = arith.constant 0 : i32
      %dma_start3A_207 = tpu.memref_slice %arg26[%add3A_15, %dma_start3A_206] : memref<10112x128xf32, #tpu.memory_space<vmem_shared>> -> memref<64x128xf32, #tpu.memory_space<vmem_shared>>
      tpu.enqueue_dma source(%arg10 : memref<64x128xf32, #tpu.memory_space<vmem>>) target(%dma_start3A_207 : memref<64x128xf32, #tpu.memory_space<vmem_shared>>) target_semaphore(%run_scoped3A : memref<!tpu.dma_semaphore, #tpu.memory_space<semaphore_mem>>)
      %dma_wait3A_208 = arith.constant 0 : i32
      %dma_wait3A_209 = tpu.memref_slice %arg26[%add3A_15, %dma_wait3A_208] : memref<10112x128xf32, #tpu.memory_space<vmem_shared>> -> memref<64x128xf32, #tpu.memory_space<vmem_shared>>
      %dma_wait3A_210 = arith.constant 0 : i32
      %dma_wait3A_211 = tpu.memref_slice %arg26[%add3A_15, %dma_wait3A_210] : memref<10112x128xf32, #tpu.memory_space<vmem_shared>> -> memref<64x128xf32, #tpu.memory_space<vmem_shared>>
      tpu.wait_dma2 semaphore(%run_scoped3A : memref<!tpu.dma_semaphore, #tpu.memory_space<semaphore_mem>>) src(%arg10 : memref<64x128xf32, #tpu.memory_space<vmem>>) dst(%dma_wait3A_211 : memref<64x128xf32, #tpu.memory_space<vmem_shared>>)
      tpu.yield
    }) : () -> ()
    %add3A_16 = arith.constant 192 : i32
    %add3A_17 = arith.addi %mul3A_0, %add3A_16 : i32
    "tpu.region"() ({
      %run_scoped3A = tpu.sem_alloc : memref<!tpu.dma_semaphore, #tpu.memory_space<semaphore_mem>>
      %dma_start3A_204 = arith.constant 0 : i32
      %dma_start3A_205 = tpu.memref_slice %arg26[%add3A_17, %dma_start3A_204] : memref<10112x128xf32, #tpu.memory_space<vmem_shared>> -> memref<64x128xf32, #tpu.memory_space<vmem_shared>>
      %dma_start3A_206 = arith.constant 0 : i32
      %dma_start3A_207 = tpu.memref_slice %arg26[%add3A_17, %dma_start3A_206] : memref<10112x128xf32, #tpu.memory_space<vmem_shared>> -> memref<64x128xf32, #tpu.memory_space<vmem_shared>>
      tpu.enqueue_dma source(%arg10 : memref<64x128xf32, #tpu.memory_space<vmem>>) target(%dma_start3A_207 : memref<64x128xf32, #tpu.memory_space<vmem_shared>>) target_semaphore(%run_scoped3A : memref<!tpu.dma_semaphore, #tpu.memory_space<semaphore_mem>>)
      %dma_wait3A_208 = arith.constant 0 : i32
      %dma_wait3A_209 = tpu.memref_slice %arg26[%add3A_17, %dma_wait3A_208] : memref<10112x128xf32, #tpu.memory_space<vmem_shared>> -> memref<64x128xf32, #tpu.memory_space<vmem_shared>>
      %dma_wait3A_210 = arith.constant 0 : i32
      %dma_wait3A_211 = tpu.memref_slice %arg26[%add3A_17, %dma_wait3A_210] : memref<10112x128xf32, #tpu.memory_space<vmem_shared>> -> memref<64x128xf32, #tpu.memory_space<vmem_shared>>
      tpu.wait_dma2 semaphore(%run_scoped3A : memref<!tpu.dma_semaphore, #tpu.memory_space<semaphore_mem>>) src(%arg10 : memref<64x128xf32, #tpu.memory_space<vmem>>) dst(%dma_wait3A_211 : memref<64x128xf32, #tpu.memory_space<vmem_shared>>)
      tpu.yield
    }) : () -> ()
    %add3A_18 = arith.constant 256 : i32
    %add3A_19 = arith.addi %mul3A_0, %add3A_18 : i32
    "tpu.region"() ({
      %run_scoped3A = tpu.sem_alloc : memref<!tpu.dma_semaphore, #tpu.memory_space<semaphore_mem>>
      %dma_start3A_204 = arith.constant 0 : i32
      %dma_start3A_205 = tpu.memref_slice %arg26[%add3A_19, %dma_start3A_204] : memref<10112x128xf32, #tpu.memory_space<vmem_shared>> -> memref<64x128xf32, #tpu.memory_space<vmem_shared>>
      %dma_start3A_206 = arith.constant 0 : i32
      %dma_start3A_207 = tpu.memref_slice %arg26[%add3A_19, %dma_start3A_206] : memref<10112x128xf32, #tpu.memory_space<vmem_shared>> -> memref<64x128xf32, #tpu.memory_space<vmem_shared>>
      tpu.enqueue_dma source(%arg10 : memref<64x128xf32, #tpu.memory_space<vmem>>) target(%dma_start3A_207 : memref<64x128xf32, #tpu.memory_space<vmem_shared>>) target_semaphore(%run_scoped3A : memref<!tpu.dma_semaphore, #tpu.memory_space<semaphore_mem>>)
      %dma_wait3A_208 = arith.constant 0 : i32
      %dma_wait3A_209 = tpu.memref_slice %arg26[%add3A_19, %dma_wait3A_208] : memref<10112x128xf32, #tpu.memory_space<vmem_shared>> -> memref<64x128xf32, #tpu.memory_space<vmem_shared>>
      %dma_wait3A_210 = arith.constant 0 : i32
      %dma_wait3A_211 = tpu.memref_slice %arg26[%add3A_19, %dma_wait3A_210] : memref<10112x128xf32, #tpu.memory_space<vmem_shared>> -> memref<64x128xf32, #tpu.memory_space<vmem_shared>>
      tpu.wait_dma2 semaphore(%run_scoped3A : memref<!tpu.dma_semaphore, #tpu.memory_space<semaphore_mem>>) src(%arg10 : memref<64x128xf32, #tpu.memory_space<vmem>>) dst(%dma_wait3A_211 : memref<64x128xf32, #tpu.memory_space<vmem_shared>>)
      tpu.yield
    }) : () -> ()
    %add3A_20 = arith.constant 320 : i32
    %add3A_21 = arith.addi %mul3A_0, %add3A_20 : i32
    "tpu.region"() ({
      %run_scoped3A = tpu.sem_alloc : memref<!tpu.dma_semaphore, #tpu.memory_space<semaphore_mem>>
      %dma_start3A_204 = arith.constant 0 : i32
      %dma_start3A_205 = tpu.memref_slice %arg26[%add3A_21, %dma_start3A_204] : memref<10112x128xf32, #tpu.memory_space<vmem_shared>> -> memref<64x128xf32, #tpu.memory_space<vmem_shared>>
      %dma_start3A_206 = arith.constant 0 : i32
      %dma_start3A_207 = tpu.memref_slice %arg26[%add3A_21, %dma_start3A_206] : memref<10112x128xf32, #tpu.memory_space<vmem_shared>> -> memref<64x128xf32, #tpu.memory_space<vmem_shared>>
      tpu.enqueue_dma source(%arg10 : memref<64x128xf32, #tpu.memory_space<vmem>>) target(%dma_start3A_207 : memref<64x128xf32, #tpu.memory_space<vmem_shared>>) target_semaphore(%run_scoped3A : memref<!tpu.dma_semaphore, #tpu.memory_space<semaphore_mem>>)
      %dma_wait3A_208 = arith.constant 0 : i32
      %dma_wait3A_209 = tpu.memref_slice %arg26[%add3A_21, %dma_wait3A_208] : memref<10112x128xf32, #tpu.memory_space<vmem_shared>> -> memref<64x128xf32, #tpu.memory_space<vmem_shared>>
      %dma_wait3A_210 = arith.constant 0 : i32
      %dma_wait3A_211 = tpu.memref_slice %arg26[%add3A_21, %dma_wait3A_210] : memref<10112x128xf32, #tpu.memory_space<vmem_shared>> -> memref<64x128xf32, #tpu.memory_space<vmem_shared>>
      tpu.wait_dma2 semaphore(%run_scoped3A : memref<!tpu.dma_semaphore, #tpu.memory_space<semaphore_mem>>) src(%arg10 : memref<64x128xf32, #tpu.memory_space<vmem>>) dst(%dma_wait3A_211 : memref<64x128xf32, #tpu.memory_space<vmem_shared>>)
      tpu.yield
    }) : () -> ()
    %add3A_22 = arith.constant 384 : i32
    %add3A_23 = arith.addi %mul3A_0, %add3A_22 : i32
    "tpu.region"() ({
      %run_scoped3A = tpu.sem_alloc : memref<!tpu.dma_semaphore, #tpu.memory_space<semaphore_mem>>
      %dma_start3A_204 = arith.constant 0 : i32
      %dma_start3A_205 = tpu.memref_slice %arg26[%add3A_23, %dma_start3A_204] : memref<10112x128xf32, #tpu.memory_space<vmem_shared>> -> memref<64x128xf32, #tpu.memory_space<vmem_shared>>
      %dma_start3A_206 = arith.constant 0 : i32
      %dma_start3A_207 = tpu.memref_slice %arg26[%add3A_23, %dma_start3A_206] : memref<10112x128xf32, #tpu.memory_space<vmem_shared>> -> memref<64x128xf32, #tpu.memory_space<vmem_shared>>
      tpu.enqueue_dma source(%arg10 : memref<64x128xf32, #tpu.memory_space<vmem>>) target(%dma_start3A_207 : memref<64x128xf32, #tpu.memory_space<vmem_shared>>) target_semaphore(%run_scoped3A : memref<!tpu.dma_semaphore, #tpu.memory_space<semaphore_mem>>)
      %dma_wait3A_208 = arith.constant 0 : i32
      %dma_wait3A_209 = tpu.memref_slice %arg26[%add3A_23, %dma_wait3A_208] : memref<10112x128xf32, #tpu.memory_space<vmem_shared>> -> memref<64x128xf32, #tpu.memory_space<vmem_shared>>
      %dma_wait3A_210 = arith.constant 0 : i32
      %dma_wait3A_211 = tpu.memref_slice %arg26[%add3A_23, %dma_wait3A_210] : memref<10112x128xf32, #tpu.memory_space<vmem_shared>> -> memref<64x128xf32, #tpu.memory_space<vmem_shared>>
      tpu.wait_dma2 semaphore(%run_scoped3A : memref<!tpu.dma_semaphore, #tpu.memory_space<semaphore_mem>>) src(%arg10 : memref<64x128xf32, #tpu.memory_space<vmem>>) dst(%dma_wait3A_211 : memref<64x128xf32, #tpu.memory_space<vmem_shared>>)
      tpu.yield
    }) : () -> ()
    %add3A_24 = arith.constant 448 : i32
    %add3A_25 = arith.addi %mul3A_0, %add3A_24 : i32
    "tpu.region"() ({
      %run_scoped3A = tpu.sem_alloc : memref<!tpu.dma_semaphore, #tpu.memory_space<semaphore_mem>>
      %dma_start3A_204 = arith.constant 0 : i32
      %dma_start3A_205 = tpu.memref_slice %arg26[%add3A_25, %dma_start3A_204] : memref<10112x128xf32, #tpu.memory_space<vmem_shared>> -> memref<64x128xf32, #tpu.memory_space<vmem_shared>>
      %dma_start3A_206 = arith.constant 0 : i32
      %dma_start3A_207 = tpu.memref_slice %arg26[%add3A_25, %dma_start3A_206] : memref<10112x128xf32, #tpu.memory_space<vmem_shared>> -> memref<64x128xf32, #tpu.memory_space<vmem_shared>>
      tpu.enqueue_dma source(%arg10 : memref<64x128xf32, #tpu.memory_space<vmem>>) target(%dma_start3A_207 : memref<64x128xf32, #tpu.memory_space<vmem_shared>>) target_semaphore(%run_scoped3A : memref<!tpu.dma_semaphore, #tpu.memory_space<semaphore_mem>>)
      %dma_wait3A_208 = arith.constant 0 : i32
      %dma_wait3A_209 = tpu.memref_slice %arg26[%add3A_25, %dma_wait3A_208] : memref<10112x128xf32, #tpu.memory_space<vmem_shared>> -> memref<64x128xf32, #tpu.memory_space<vmem_shared>>
      %dma_wait3A_210 = arith.constant 0 : i32
      %dma_wait3A_211 = tpu.memref_slice %arg26[%add3A_25, %dma_wait3A_210] : memref<10112x128xf32, #tpu.memory_space<vmem_shared>> -> memref<64x128xf32, #tpu.memory_space<vmem_shared>>
      tpu.wait_dma2 semaphore(%run_scoped3A : memref<!tpu.dma_semaphore, #tpu.memory_space<semaphore_mem>>) src(%arg10 : memref<64x128xf32, #tpu.memory_space<vmem>>) dst(%dma_wait3A_211 : memref<64x128xf32, #tpu.memory_space<vmem_shared>>)
      tpu.yield
    }) : () -> ()
    %add3A_26 = arith.constant 512 : i32
    %add3A_27 = arith.addi %mul3A_0, %add3A_26 : i32
    "tpu.region"() ({
      %run_scoped3A = tpu.sem_alloc : memref<!tpu.dma_semaphore, #tpu.memory_space<semaphore_mem>>
      %dma_start3A_204 = arith.constant 0 : i32
      %dma_start3A_205 = tpu.memref_slice %arg26[%add3A_27, %dma_start3A_204] : memref<10112x128xf32, #tpu.memory_space<vmem_shared>> -> memref<64x128xf32, #tpu.memory_space<vmem_shared>>
      %dma_start3A_206 = arith.constant 0 : i32
      %dma_start3A_207 = tpu.memref_slice %arg26[%add3A_27, %dma_start3A_206] : memref<10112x128xf32, #tpu.memory_space<vmem_shared>> -> memref<64x128xf32, #tpu.memory_space<vmem_shared>>
      tpu.enqueue_dma source(%arg10 : memref<64x128xf32, #tpu.memory_space<vmem>>) target(%dma_start3A_207 : memref<64x128xf32, #tpu.memory_space<vmem_shared>>) target_semaphore(%run_scoped3A : memref<!tpu.dma_semaphore, #tpu.memory_space<semaphore_mem>>)
      %dma_wait3A_208 = arith.constant 0 : i32
      %dma_wait3A_209 = tpu.memref_slice %arg26[%add3A_27, %dma_wait3A_208] : memref<10112x128xf32, #tpu.memory_space<vmem_shared>> -> memref<64x128xf32, #tpu.memory_space<vmem_shared>>
      %dma_wait3A_210 = arith.constant 0 : i32
      %dma_wait3A_211 = tpu.memref_slice %arg26[%add3A_27, %dma_wait3A_210] : memref<10112x128xf32, #tpu.memory_space<vmem_shared>> -> memref<64x128xf32, #tpu.memory_space<vmem_shared>>
      tpu.wait_dma2 semaphore(%run_scoped3A : memref<!tpu.dma_semaphore, #tpu.memory_space<semaphore_mem>>) src(%arg10 : memref<64x128xf32, #tpu.memory_space<vmem>>) dst(%dma_wait3A_211 : memref<64x128xf32, #tpu.memory_space<vmem_shared>>)
      tpu.yield
    }) : () -> ()
    %add3A_28 = arith.constant 576 : i32
    %add3A_29 = arith.addi %mul3A_0, %add3A_28 : i32
    "tpu.region"() ({
      %run_scoped3A = tpu.sem_alloc : memref<!tpu.dma_semaphore, #tpu.memory_space<semaphore_mem>>
      %dma_start3A_204 = arith.constant 0 : i32
      %dma_start3A_205 = arith.constant 0 : i32
      %dma_start3A_206 = tpu.memref_slice %arg10[%dma_start3A_204, %dma_start3A_205] : memref<64x128xf32, #tpu.memory_space<vmem>> -> memref<56x128xf32, #tpu.memory_space<vmem>>
      %dma_start3A_207 = arith.constant 0 : i32
      %dma_start3A_208 = tpu.memref_slice %arg26[%add3A_29, %dma_start3A_207] : memref<10112x128xf32, #tpu.memory_space<vmem_shared>> -> memref<56x128xf32, #tpu.memory_space<vmem_shared>>
      %dma_start3A_209 = arith.constant 0 : i32
      %dma_start3A_210 = tpu.memref_slice %arg26[%add3A_29, %dma_start3A_209] : memref<10112x128xf32, #tpu.memory_space<vmem_shared>> -> memref<56x128xf32, #tpu.memory_space<vmem_shared>>
      %dma_start3A_211 = arith.constant 0 : i32
      %dma_start3A_212 = arith.constant 0 : i32
      %dma_start3A_213 = tpu.memref_slice %arg10[%dma_start3A_211, %dma_start3A_212] : memref<64x128xf32, #tpu.memory_space<vmem>> -> memref<56x128xf32, #tpu.memory_space<vmem>>
      tpu.enqueue_dma source(%dma_start3A_213 : memref<56x128xf32, #tpu.memory_space<vmem>>) target(%dma_start3A_210 : memref<56x128xf32, #tpu.memory_space<vmem_shared>>) target_semaphore(%run_scoped3A : memref<!tpu.dma_semaphore, #tpu.memory_space<semaphore_mem>>)
      %dma_wait3A_214 = arith.constant 0 : i32
      %dma_wait3A_215 = arith.constant 0 : i32
      %dma_wait3A_216 = tpu.memref_slice %arg10[%dma_wait3A_214, %dma_wait3A_215] : memref<64x128xf32, #tpu.memory_space<vmem>> -> memref<56x128xf32, #tpu.memory_space<vmem>>
      %dma_wait3A_217 = arith.constant 0 : i32
      %dma_wait3A_218 = tpu.memref_slice %arg26[%add3A_29, %dma_wait3A_217] : memref<10112x128xf32, #tpu.memory_space<vmem_shared>> -> memref<56x128xf32, #tpu.memory_space<vmem_shared>>
      %dma_wait3A_219 = arith.constant 0 : i32
      %dma_wait3A_220 = tpu.memref_slice %arg26[%add3A_29, %dma_wait3A_219] : memref<10112x128xf32, #tpu.memory_space<vmem_shared>> -> memref<56x128xf32, #tpu.memory_space<vmem_shared>>
      %dma_wait3A_221 = arith.constant 0 : i32
      %dma_wait3A_222 = arith.constant 0 : i32
      %dma_wait3A_223 = tpu.memref_slice %arg10[%dma_wait3A_221, %dma_wait3A_222] : memref<64x128xf32, #tpu.memory_space<vmem>> -> memref<56x128xf32, #tpu.memory_space<vmem>>
      tpu.wait_dma2 semaphore(%run_scoped3A : memref<!tpu.dma_semaphore, #tpu.memory_space<semaphore_mem>>) src(%dma_wait3A_223 : memref<56x128xf32, #tpu.memory_space<vmem>>) dst(%dma_wait3A_220 : memref<56x128xf32, #tpu.memory_space<vmem_shared>>)
      tpu.yield
    }) : () -> ()
    %barrier3A = arith.constant 0 : index
    tpu.barrier barrier_id(%barrier3A)
    %mul3A_30 = arith.constant 160 : i32
    %mul3A_31 = arith.muli %arg1, %mul3A_30 : i32
    %mul3A_32 = arith.constant 64 : i32
    %mul3A_33 = arith.muli %mul3A_31, %mul3A_32 : i32
    %dma_start3A = arith.constant 0 : i32
    %dma_start3A_34 = tpu.memref_slice %arg2[%mul3A_33, %dma_start3A] : memref<163840x128xf32, #tpu.memory_space<hbm>> -> memref<64x128xf32, #tpu.memory_space<hbm>>
    %dma_start3A_35 = arith.constant 0 : i32
    %dma_start3A_36 = tpu.memref_slice %arg2[%mul3A_33, %dma_start3A_35] : memref<163840x128xf32, #tpu.memory_space<hbm>> -> memref<64x128xf32, #tpu.memory_space<hbm>>
    tpu.enqueue_dma source(%dma_start3A_36 : memref<64x128xf32, #tpu.memory_space<hbm>>) target(%arg10 : memref<64x128xf32, #tpu.memory_space<vmem>>) target_semaphore(%arg20 : memref<!tpu.dma_semaphore, #tpu.memory_space<semaphore_mem>>)
    %dma_start3A_37 = arith.constant 0 : i32
    %dma_start3A_38 = arith.constant 0 : i32
    %dma_start3A_39 = tpu.memref_slice %arg4[%mul3A_31, %dma_start3A_37, %dma_start3A_38] : memref<2560x1x64xi32, #tpu.memory_space<hbm>> -> memref<1x1x64xi32, #tpu.memory_space<hbm>>
    %dma_start3A_40 = tpu.memref_squeeze %dma_start3A_39 : memref<1x1x64xi32, #tpu.memory_space<hbm>> -> memref<1x64xi32, #tpu.memory_space<hbm>>
    %dma_start3A_41 = arith.constant 0 : i32
    %dma_start3A_42 = arith.constant 0 : i32
    %dma_start3A_43 = tpu.memref_slice %arg4[%mul3A_31, %dma_start3A_41, %dma_start3A_42] : memref<2560x1x64xi32, #tpu.memory_space<hbm>> -> memref<1x1x64xi32, #tpu.memory_space<hbm>>
    %dma_start3A_44 = tpu.memref_squeeze %dma_start3A_43 : memref<1x1x64xi32, #tpu.memory_space<hbm>> -> memref<1x64xi32, #tpu.memory_space<hbm>>
    tpu.enqueue_dma source(%dma_start3A_44 : memref<1x64xi32, #tpu.memory_space<hbm>>) target(%arg14 : memref<1x64xi32, #tpu.memory_space<vmem>>) target_semaphore(%arg20 : memref<!tpu.dma_semaphore, #tpu.memory_space<semaphore_mem>>)
    %dma_start3A_45 = arith.constant 0 : i32
    %dma_start3A_46 = tpu.memref_slice %arg5[%mul3A_31, %dma_start3A_45] : memref<2560x64xi32, #tpu.memory_space<hbm>> -> memref<1x64xi32, #tpu.memory_space<hbm>>
    %dma_start3A_47 = tpu.memref_squeeze %dma_start3A_46 : memref<1x64xi32, #tpu.memory_space<hbm>> -> memref<64xi32, #tpu.memory_space<hbm>>
    %dma_start3A_48 = arith.constant 0 : i32
    %dma_start3A_49 = tpu.memref_slice %arg5[%mul3A_31, %dma_start3A_48] : memref<2560x64xi32, #tpu.memory_space<hbm>> -> memref<1x64xi32, #tpu.memory_space<hbm>>
    %dma_start3A_50 = tpu.memref_squeeze %dma_start3A_49 : memref<1x64xi32, #tpu.memory_space<hbm>> -> memref<64xi32, #tpu.memory_space<hbm>>
    tpu.enqueue_dma source(%dma_start3A_50 : memref<64xi32, #tpu.memory_space<hbm>>) target(%arg16 : memref<64xi32, #tpu.memory_space<vmem>>) target_semaphore(%arg20 : memref<!tpu.dma_semaphore, #tpu.memory_space<semaphore_mem>>)
    %scan3A_51 = arith.constant 0 : i32
    %scan3A_52 = arith.constant 0 : i32
    %scan3A_53 = arith.constant 80 : i32
    %scan3A_54 = arith.addi %scan3A_52, %scan3A_53 : i32
    %scan3A_55 = arith.constant 1 : i32
    %scan3A_56 = scf.for %scan3A_204 = %scan3A_52 to %scan3A_54 step %scan3A_55 iter_args(%scan3A_205 = %scan3A_51) -> (i32)  : i32 {
      %mul3A_206 = arith.constant 2 : i32
      %mul3A_207 = arith.muli %mul3A_206, %scan3A_204 : i32
      %add3A_208 = arith.addi %mul3A_31, %mul3A_207 : i32
      %add3A_209 = arith.constant 1 : i32
      %add3A_210 = arith.addi %add3A_208, %add3A_209 : i32
      %mul3A_211 = arith.constant 64 : i32
      %mul3A_212 = arith.muli %add3A_208, %mul3A_211 : i32
      %dma_wait3A_213 = arith.constant 0 : i32
      %dma_wait3A_214 = tpu.memref_slice %arg2[%mul3A_212, %dma_wait3A_213] : memref<163840x128xf32, #tpu.memory_space<hbm>> -> memref<64x128xf32, #tpu.memory_space<hbm>>
      %dma_wait3A_215 = arith.constant 0 : i32
      %dma_wait3A_216 = tpu.memref_slice %arg2[%mul3A_212, %dma_wait3A_215] : memref<163840x128xf32, #tpu.memory_space<hbm>> -> memref<64x128xf32, #tpu.memory_space<hbm>>
      tpu.wait_dma2 semaphore(%arg20 : memref<!tpu.dma_semaphore, #tpu.memory_space<semaphore_mem>>) src(%dma_wait3A_216 : memref<64x128xf32, #tpu.memory_space<hbm>>) dst(%arg10 : memref<64x128xf32, #tpu.memory_space<vmem>>)
      %dma_wait3A_217 = arith.constant 0 : i32
      %dma_wait3A_218 = arith.constant 0 : i32
      %dma_wait3A_219 = tpu.memref_slice %arg4[%add3A_208, %dma_wait3A_217, %dma_wait3A_218] : memref<2560x1x64xi32, #tpu.memory_space<hbm>> -> memref<1x1x64xi32, #tpu.memory_space<hbm>>
      %dma_wait3A_220 = tpu.memref_squeeze %dma_wait3A_219 : memref<1x1x64xi32, #tpu.memory_space<hbm>> -> memref<1x64xi32, #tpu.memory_space<hbm>>
      %dma_wait3A_221 = arith.constant 0 : i32
      %dma_wait3A_222 = arith.constant 0 : i32
      %dma_wait3A_223 = tpu.memref_slice %arg4[%add3A_208, %dma_wait3A_221, %dma_wait3A_222] : memref<2560x1x64xi32, #tpu.memory_space<hbm>> -> memref<1x1x64xi32, #tpu.memory_space<hbm>>
      %dma_wait3A_224 = tpu.memref_squeeze %dma_wait3A_223 : memref<1x1x64xi32, #tpu.memory_space<hbm>> -> memref<1x64xi32, #tpu.memory_space<hbm>>
      tpu.wait_dma2 semaphore(%arg20 : memref<!tpu.dma_semaphore, #tpu.memory_space<semaphore_mem>>) src(%dma_wait3A_224 : memref<1x64xi32, #tpu.memory_space<hbm>>) dst(%arg14 : memref<1x64xi32, #tpu.memory_space<vmem>>)
      %dma_wait3A_225 = arith.constant 0 : i32
      %dma_wait3A_226 = tpu.memref_slice %arg5[%add3A_208, %dma_wait3A_225] : memref<2560x64xi32, #tpu.memory_space<hbm>> -> memref<1x64xi32, #tpu.memory_space<hbm>>
      %dma_wait3A_227 = tpu.memref_squeeze %dma_wait3A_226 : memref<1x64xi32, #tpu.memory_space<hbm>> -> memref<64xi32, #tpu.memory_space<hbm>>
      %dma_wait3A_228 = arith.constant 0 : i32
      %dma_wait3A_229 = tpu.memref_slice %arg5[%add3A_208, %dma_wait3A_228] : memref<2560x64xi32, #tpu.memory_space<hbm>> -> memref<1x64xi32, #tpu.memory_space<hbm>>
      %dma_wait3A_230 = tpu.memref_squeeze %dma_wait3A_229 : memref<1x64xi32, #tpu.memory_space<hbm>> -> memref<64xi32, #tpu.memory_space<hbm>>
      tpu.wait_dma2 semaphore(%arg20 : memref<!tpu.dma_semaphore, #tpu.memory_space<semaphore_mem>>) src(%dma_wait3A_230 : memref<64xi32, #tpu.memory_space<hbm>>) dst(%arg16 : memref<64xi32, #tpu.memory_space<vmem>>)
      %dma_start3A_231 = arith.constant 0 : i32
      %dma_start3A_232 = arith.constant 0 : i32
      %dma_start3A_233 = tpu.memref_slice %arg6[%add3A_3, %dma_start3A_231, %dma_start3A_232] : memref<4x10000x128xf32, #tpu.memory_space<hbm>> -> memref<1x10000x128xf32, #tpu.memory_space<hbm>>
      %dma_start3A_234 = tpu.memref_squeeze %dma_start3A_233 : memref<1x10000x128xf32, #tpu.memory_space<hbm>> -> memref<10000x128xf32, #tpu.memory_space<hbm>>
      %dma_start3A_235 = arith.constant 0 : i32
      %dma_start3A_236 = arith.constant 0 : i32
      %dma_start3A_237 = tpu.memref_slice %dma_start3A_234[%dma_start3A_235, %dma_start3A_236] : memref<10000x128xf32, #tpu.memory_space<hbm>> -> memref<10000x128xf32, #tpu.memory_space<hbm>>
      tpu.enqueue_indirect_dma source(%dma_start3A_237 : memref<10000x128xf32, #tpu.memory_space<hbm>>) target(%arg12 : memref<64x128xf32, #tpu.memory_space<vmem>>) offsets(%arg16 : memref<64xi32, #tpu.memory_space<vmem>>) semaphore(%arg22 : memref<!tpu.dma_semaphore, #tpu.memory_space<semaphore_mem>>)
      %gt3A = arith.constant 0 : i32
      %gt3A_238 = arith.cmpi sgt, %scan3A_204, %gt3A : i32
      %convert_element_type3A = arith.extui %gt3A_238 : i1 to i32
      %cond3A = arith.constant 0 : i32
      %cond3A_239 = arith.cmpi ne, %convert_element_type3A, %cond3A : i32
      scf.if %cond3A_239 {
        %dma_wait3A_343 = arith.constant 0 : i32
        %dma_wait3A_344 = arith.constant 0 : i32
        %dma_wait3A_345 = tpu.memref_slice %arg15[%dma_wait3A_343, %dma_wait3A_344] : memref<1x64xi32, #tpu.memory_space<vmem>> -> memref<1x64xi32, #tpu.memory_space<vmem>>
        %dma_wait3A_346 = tpu.memref_squeeze %dma_wait3A_345 : memref<1x64xi32, #tpu.memory_space<vmem>> -> memref<64xi32, #tpu.memory_space<vmem>>
        %dma_wait3A_347 = arith.constant 0 : i32
        %dma_wait3A_348 = arith.constant 0 : i32
        %dma_wait3A_349 = tpu.memref_slice %arg26[%dma_wait3A_347, %dma_wait3A_348] : memref<10112x128xf32, #tpu.memory_space<vmem_shared>> -> memref<10112x128xf32, #tpu.memory_space<vmem_shared>>
        tpu.wait_indirect_dma semaphore(%arg25 : memref<!tpu.dma_semaphore, #tpu.memory_space<semaphore_mem>>) src(%arg11 : memref<64x128xf32, #tpu.memory_space<vmem>>) dst(%dma_wait3A_349 : memref<10112x128xf32, #tpu.memory_space<vmem_shared>>)
      } else {
      }
      %mul3A_240 = arith.constant 64 : i32
      %mul3A_241 = arith.muli %add3A_210, %mul3A_240 : i32
      %dma_start3A_242 = arith.constant 0 : i32
      %dma_start3A_243 = tpu.memref_slice %arg2[%mul3A_241, %dma_start3A_242] : memref<163840x128xf32, #tpu.memory_space<hbm>> -> memref<64x128xf32, #tpu.memory_space<hbm>>
      %dma_start3A_244 = arith.constant 0 : i32
      %dma_start3A_245 = tpu.memref_slice %arg2[%mul3A_241, %dma_start3A_244] : memref<163840x128xf32, #tpu.memory_space<hbm>> -> memref<64x128xf32, #tpu.memory_space<hbm>>
      tpu.enqueue_dma source(%dma_start3A_245 : memref<64x128xf32, #tpu.memory_space<hbm>>) target(%arg11 : memref<64x128xf32, #tpu.memory_space<vmem>>) target_semaphore(%arg21 : memref<!tpu.dma_semaphore, #tpu.memory_space<semaphore_mem>>)
      %dma_start3A_246 = arith.constant 0 : i32
      %dma_start3A_247 = arith.constant 0 : i32
      %dma_start3A_248 = tpu.memref_slice %arg4[%add3A_210, %dma_start3A_246, %dma_start3A_247] : memref<2560x1x64xi32, #tpu.memory_space<hbm>> -> memref<1x1x64xi32, #tpu.memory_space<hbm>>
      %dma_start3A_249 = tpu.memref_squeeze %dma_start3A_248 : memref<1x1x64xi32, #tpu.memory_space<hbm>> -> memref<1x64xi32, #tpu.memory_space<hbm>>
      %dma_start3A_250 = arith.constant 0 : i32
      %dma_start3A_251 = arith.constant 0 : i32
      %dma_start3A_252 = tpu.memref_slice %arg4[%add3A_210, %dma_start3A_250, %dma_start3A_251] : memref<2560x1x64xi32, #tpu.memory_space<hbm>> -> memref<1x1x64xi32, #tpu.memory_space<hbm>>
      %dma_start3A_253 = tpu.memref_squeeze %dma_start3A_252 : memref<1x1x64xi32, #tpu.memory_space<hbm>> -> memref<1x64xi32, #tpu.memory_space<hbm>>
      tpu.enqueue_dma source(%dma_start3A_253 : memref<1x64xi32, #tpu.memory_space<hbm>>) target(%arg15 : memref<1x64xi32, #tpu.memory_space<vmem>>) target_semaphore(%arg21 : memref<!tpu.dma_semaphore, #tpu.memory_space<semaphore_mem>>)
      %dma_start3A_254 = arith.constant 0 : i32
      %dma_start3A_255 = tpu.memref_slice %arg5[%add3A_210, %dma_start3A_254] : memref<2560x64xi32, #tpu.memory_space<hbm>> -> memref<1x64xi32, #tpu.memory_space<hbm>>
      %dma_start3A_256 = tpu.memref_squeeze %dma_start3A_255 : memref<1x64xi32, #tpu.memory_space<hbm>> -> memref<64xi32, #tpu.memory_space<hbm>>
      %dma_start3A_257 = arith.constant 0 : i32
      %dma_start3A_258 = tpu.memref_slice %arg5[%add3A_210, %dma_start3A_257] : memref<2560x64xi32, #tpu.memory_space<hbm>> -> memref<1x64xi32, #tpu.memory_space<hbm>>
      %dma_start3A_259 = tpu.memref_squeeze %dma_start3A_258 : memref<1x64xi32, #tpu.memory_space<hbm>> -> memref<64xi32, #tpu.memory_space<hbm>>
      tpu.enqueue_dma source(%dma_start3A_259 : memref<64xi32, #tpu.memory_space<hbm>>) target(%arg17 : memref<64xi32, #tpu.memory_space<vmem>>) target_semaphore(%arg21 : memref<!tpu.dma_semaphore, #tpu.memory_space<semaphore_mem>>)
      %dma_wait3A_260 = arith.constant 0 : i32
      %dma_wait3A_261 = arith.constant 0 : i32
      %dma_wait3A_262 = tpu.memref_slice %arg6[%add3A_3, %dma_wait3A_260, %dma_wait3A_261] : memref<4x10000x128xf32, #tpu.memory_space<hbm>> -> memref<1x10000x128xf32, #tpu.memory_space<hbm>>
      %dma_wait3A_263 = tpu.memref_squeeze %dma_wait3A_262 : memref<1x10000x128xf32, #tpu.memory_space<hbm>> -> memref<10000x128xf32, #tpu.memory_space<hbm>>
      %dma_wait3A_264 = arith.constant 0 : i32
      %dma_wait3A_265 = arith.constant 0 : i32
      %dma_wait3A_266 = tpu.memref_slice %dma_wait3A_263[%dma_wait3A_264, %dma_wait3A_265] : memref<10000x128xf32, #tpu.memory_space<hbm>> -> memref<10000x128xf32, #tpu.memory_space<hbm>>
      tpu.wait_indirect_dma semaphore(%arg22 : memref<!tpu.dma_semaphore, #tpu.memory_space<semaphore_mem>>) src(%dma_wait3A_266 : memref<10000x128xf32, #tpu.memory_space<hbm>>) dst(%arg12 : memref<64x128xf32, #tpu.memory_space<vmem>>)
      %scan3A_267 = arith.constant 0 : i32
      %scan3A_268 = arith.constant 0 : i32
      %scan3A_269 = arith.constant 64 : i32
      %scan3A_270 = arith.addi %scan3A_268, %scan3A_269 : i32
      %scan3A_271 = arith.constant 1 : i32
      %scan3A_272 = scf.for %scan3A_343 = %scan3A_268 to %scan3A_270 step %scan3A_271 iter_args(%scan3A_344 = %scan3A_267) -> (i32)  : i32 {
        %get3A = arith.index_cast %scan3A_343 : i32 to index
        %get3A_345 = arith.constant 0 : index
        %get3A_346 = tpu.vector_load %arg12[%get3A, %get3A_345] {strides = array<i32>} : memref<64x128xf32, #tpu.memory_space<vmem>>, vector<1x16xf32>,
        %get3A_347 = vector.shape_cast %get3A_346 : vector<1x16xf32> to vector<16xf32>
        %get3A_348 = arith.index_cast %scan3A_343 : i32 to index
        %get3A_349 = arith.constant 0 : index
        %get3A_350 = tpu.vector_load %arg10[%get3A_348, %get3A_349] {strides = array<i32>} : memref<64x128xf32, #tpu.memory_space<vmem>>, vector<1x16xf32>,
        %get3A_351 = vector.shape_cast %get3A_350 : vector<1x16xf32> to vector<16xf32>
        %get3A_352 = arith.index_cast %scan3A_343 : i32 to index
        %get3A_353 = arith.constant 16 : index
        %get3A_354 = tpu.vector_load %arg10[%get3A_352, %get3A_353] {strides = array<i32>} : memref<64x128xf32, #tpu.memory_space<vmem>>, vector<1x16xf32>,
        %get3A_355 = vector.shape_cast %get3A_354 : vector<1x16xf32> to vector<16xf32>
        %get3A_356 = arith.index_cast %scan3A_343 : i32 to index
        %get3A_357 = arith.constant 32 : index
        %get3A_358 = tpu.vector_load %arg10[%get3A_356, %get3A_357] {strides = array<i32>} : memref<64x128xf32, #tpu.memory_space<vmem>>, vector<1x16xf32>,
        %get3A_359 = vector.shape_cast %get3A_358 : vector<1x16xf32> to vector<16xf32>
        %get3A_360 = arith.index_cast %scan3A_343 : i32 to index
        %get3A_361 = arith.constant 48 : index
        %get3A_362 = tpu.vector_load %arg10[%get3A_360, %get3A_361] {strides = array<i32>} : memref<64x128xf32, #tpu.memory_space<vmem>>, vector<1x16xf32>,
        %get3A_363 = vector.shape_cast %get3A_362 : vector<1x16xf32> to vector<16xf32>
        %get3A_364 = arith.index_cast %scan3A_343 : i32 to index
        %get3A_365 = arith.constant 64 : index
        %get3A_366 = tpu.vector_load %arg10[%get3A_364, %get3A_365] {strides = array<i32>} : memref<64x128xf32, #tpu.memory_space<vmem>>, vector<1x16xf32>,
        %get3A_367 = vector.shape_cast %get3A_366 : vector<1x16xf32> to vector<16xf32>
        %get3A_368 = arith.index_cast %scan3A_343 : i32 to index
        %get3A_369 = arith.constant 80 : index
        %get3A_370 = tpu.vector_load %arg10[%get3A_368, %get3A_369] {strides = array<i32>} : memref<64x128xf32, #tpu.memory_space<vmem>>, vector<1x16xf32>,
        %get3A_371 = vector.shape_cast %get3A_370 : vector<1x16xf32> to vector<16xf32>
        %get3A_372 = arith.index_cast %scan3A_343 : i32 to index
        %get3A_373 = arith.constant 96 : index
        %get3A_374 = tpu.vector_load %arg10[%get3A_372, %get3A_373] {strides = array<i32>} : memref<64x128xf32, #tpu.memory_space<vmem>>, vector<1x16xf32>,
        %get3A_375 = vector.shape_cast %get3A_374 : vector<1x16xf32> to vector<16xf32>
        %get3A_376 = arith.index_cast %scan3A_343 : i32 to index
        %get3A_377 = arith.constant 112 : index
        %get3A_378 = tpu.vector_load %arg10[%get3A_376, %get3A_377] {strides = array<i32>} : memref<64x128xf32, #tpu.memory_space<vmem>>, vector<1x16xf32>,
        %get3A_379 = vector.shape_cast %get3A_378 : vector<1x16xf32> to vector<16xf32>
        %mul3A_380 = arith.mulf %get3A_351, %get3A_347 : vector<16xf32>
        %mul3A_381 = arith.mulf %get3A_355, %get3A_347 : vector<16xf32>
        %mul3A_382 = arith.mulf %get3A_359, %get3A_347 : vector<16xf32>
        %mul3A_383 = arith.mulf %get3A_363, %get3A_347 : vector<16xf32>
        %mul3A_384 = arith.mulf %get3A_367, %get3A_347 : vector<16xf32>
        %mul3A_385 = arith.mulf %get3A_371, %get3A_347 : vector<16xf32>
        %mul3A_386 = arith.mulf %get3A_375, %get3A_347 : vector<16xf32>
        %mul3A_387 = arith.mulf %get3A_379, %get3A_347 : vector<16xf32>
        %swap3A = arith.index_cast %scan3A_343 : i32 to index
        %swap3A_388 = arith.constant 0 : index
        %swap3A_389 = tpu.vector_load %arg10[%swap3A, %swap3A_388] {strides = array<i32>} : memref<64x128xf32, #tpu.memory_space<vmem>>, vector<1x16xf32>,
        %swap3A_390 = vector.shape_cast %swap3A_389 : vector<1x16xf32> to vector<16xf32>
        %swap3A_391 = vector.shape_cast %mul3A_380 : vector<16xf32> to vector<1x16xf32>
        tpu.vector_store %arg10[%swap3A, %swap3A_388], %swap3A_391 {strides = array<i32>} : memref<64x128xf32, #tpu.memory_space<vmem>>, vector<1x16xf32>,
        %swap3A_392 = arith.index_cast %scan3A_343 : i32 to index
        %swap3A_393 = arith.constant 16 : index
        %swap3A_394 = tpu.vector_load %arg10[%swap3A_392, %swap3A_393] {strides = array<i32>} : memref<64x128xf32, #tpu.memory_space<vmem>>, vector<1x16xf32>,
        %swap3A_395 = vector.shape_cast %swap3A_394 : vector<1x16xf32> to vector<16xf32>
        %swap3A_396 = vector.shape_cast %mul3A_381 : vector<16xf32> to vector<1x16xf32>
        tpu.vector_store %arg10[%swap3A_392, %swap3A_393], %swap3A_396 {strides = array<i32>} : memref<64x128xf32, #tpu.memory_space<vmem>>, vector<1x16xf32>,
        %swap3A_397 = arith.index_cast %scan3A_343 : i32 to index
        %swap3A_398 = arith.constant 32 : index
        %swap3A_399 = tpu.vector_load %arg10[%swap3A_397, %swap3A_398] {strides = array<i32>} : memref<64x128xf32, #tpu.memory_space<vmem>>, vector<1x16xf32>,
        %swap3A_400 = vector.shape_cast %swap3A_399 : vector<1x16xf32> to vector<16xf32>
        %swap3A_401 = vector.shape_cast %mul3A_382 : vector<16xf32> to vector<1x16xf32>
        tpu.vector_store %arg10[%swap3A_397, %swap3A_398], %swap3A_401 {strides = array<i32>} : memref<64x128xf32, #tpu.memory_space<vmem>>, vector<1x16xf32>,
        %swap3A_402 = arith.index_cast %scan3A_343 : i32 to index
        %swap3A_403 = arith.constant 48 : index
        %swap3A_404 = tpu.vector_load %arg10[%swap3A_402, %swap3A_403] {strides = array<i32>} : memref<64x128xf32, #tpu.memory_space<vmem>>, vector<1x16xf32>,
        %swap3A_405 = vector.shape_cast %swap3A_404 : vector<1x16xf32> to vector<16xf32>
        %swap3A_406 = vector.shape_cast %mul3A_383 : vector<16xf32> to vector<1x16xf32>
        tpu.vector_store %arg10[%swap3A_402, %swap3A_403], %swap3A_406 {strides = array<i32>} : memref<64x128xf32, #tpu.memory_space<vmem>>, vector<1x16xf32>,
        %swap3A_407 = arith.index_cast %scan3A_343 : i32 to index
        %swap3A_408 = arith.constant 64 : index
        %swap3A_409 = tpu.vector_load %arg10[%swap3A_407, %swap3A_408] {strides = array<i32>} : memref<64x128xf32, #tpu.memory_space<vmem>>, vector<1x16xf32>,
        %swap3A_410 = vector.shape_cast %swap3A_409 : vector<1x16xf32> to vector<16xf32>
        %swap3A_411 = vector.shape_cast %mul3A_384 : vector<16xf32> to vector<1x16xf32>
        tpu.vector_store %arg10[%swap3A_407, %swap3A_408], %swap3A_411 {strides = array<i32>} : memref<64x128xf32, #tpu.memory_space<vmem>>, vector<1x16xf32>,
        %swap3A_412 = arith.index_cast %scan3A_343 : i32 to index
        %swap3A_413 = arith.constant 80 : index
        %swap3A_414 = tpu.vector_load %arg10[%swap3A_412, %swap3A_413] {strides = array<i32>} : memref<64x128xf32, #tpu.memory_space<vmem>>, vector<1x16xf32>,
        %swap3A_415 = vector.shape_cast %swap3A_414 : vector<1x16xf32> to vector<16xf32>
        %swap3A_416 = vector.shape_cast %mul3A_385 : vector<16xf32> to vector<1x16xf32>
        tpu.vector_store %arg10[%swap3A_412, %swap3A_413], %swap3A_416 {strides = array<i32>} : memref<64x128xf32, #tpu.memory_space<vmem>>, vector<1x16xf32>,
        %swap3A_417 = arith.index_cast %scan3A_343 : i32 to index
        %swap3A_418 = arith.constant 96 : index
        %swap3A_419 = tpu.vector_load %arg10[%swap3A_417, %swap3A_418] {strides = array<i32>} : memref<64x128xf32, #tpu.memory_space<vmem>>, vector<1x16xf32>,
        %swap3A_420 = vector.shape_cast %swap3A_419 : vector<1x16xf32> to vector<16xf32>
        %swap3A_421 = vector.shape_cast %mul3A_386 : vector<16xf32> to vector<1x16xf32>
        tpu.vector_store %arg10[%swap3A_417, %swap3A_418], %swap3A_421 {strides = array<i32>} : memref<64x128xf32, #tpu.memory_space<vmem>>, vector<1x16xf32>,
        %swap3A_422 = arith.index_cast %scan3A_343 : i32 to index
        %swap3A_423 = arith.constant 112 : index
        %swap3A_424 = tpu.vector_load %arg10[%swap3A_422, %swap3A_423] {strides = array<i32>} : memref<64x128xf32, #tpu.memory_space<vmem>>, vector<1x16xf32>,
        %swap3A_425 = vector.shape_cast %swap3A_424 : vector<1x16xf32> to vector<16xf32>
        %swap3A_426 = vector.shape_cast %mul3A_387 : vector<16xf32> to vector<1x16xf32>
        tpu.vector_store %arg10[%swap3A_422, %swap3A_423], %swap3A_426 {strides = array<i32>} : memref<64x128xf32, #tpu.memory_space<vmem>>, vector<1x16xf32>,
        %scan3A_427 = arith.constant 0 : i32
        scf.yield %scan3A_427 : i32
      }
      %scan3A_273 = arith.constant 64 : i32
      %dma_start3A_274 = arith.constant 0 : i32
      %dma_start3A_275 = arith.constant 0 : i32
      %dma_start3A_276 = tpu.memref_slice %arg14[%dma_start3A_274, %dma_start3A_275] : memref<1x64xi32, #tpu.memory_space<vmem>> -> memref<1x64xi32, #tpu.memory_space<vmem>>
      %dma_start3A_277 = tpu.memref_squeeze %dma_start3A_276 : memref<1x64xi32, #tpu.memory_space<vmem>> -> memref<64xi32, #tpu.memory_space<vmem>>
      %dma_start3A_278 = arith.constant 0 : i32
      %dma_start3A_279 = arith.constant 0 : i32
      %dma_start3A_280 = tpu.memref_slice %arg26[%dma_start3A_278, %dma_start3A_279] : memref<10112x128xf32, #tpu.memory_space<vmem_shared>> -> memref<10112x128xf32, #tpu.memory_space<vmem_shared>>
      tpu.enqueue_indirect_dma source(%arg10 : memref<64x128xf32, #tpu.memory_space<vmem>>) target(%dma_start3A_280 : memref<10112x128xf32, #tpu.memory_space<vmem_shared>>) offsets(%dma_start3A_277 : memref<64xi32, #tpu.memory_space<vmem>>) semaphore(%arg24 : memref<!tpu.dma_semaphore, #tpu.memory_space<semaphore_mem>>) {add = true}
      %mul3A_281 = arith.constant 64 : i32
      %mul3A_282 = arith.muli %add3A_210, %mul3A_281 : i32
      %dma_wait3A_283 = arith.constant 0 : i32
      %dma_wait3A_284 = tpu.memref_slice %arg2[%mul3A_282, %dma_wait3A_283] : memref<163840x128xf32, #tpu.memory_space<hbm>> -> memref<64x128xf32, #tpu.memory_space<hbm>>
      %dma_wait3A_285 = arith.constant 0 : i32
      %dma_wait3A_286 = tpu.memref_slice %arg2[%mul3A_282, %dma_wait3A_285] : memref<163840x128xf32, #tpu.memory_space<hbm>> -> memref<64x128xf32, #tpu.memory_space<hbm>>
      tpu.wait_dma2 semaphore(%arg21 : memref<!tpu.dma_semaphore, #tpu.memory_space<semaphore_mem>>) src(%dma_wait3A_286 : memref<64x128xf32, #tpu.memory_space<hbm>>) dst(%arg11 : memref<64x128xf32, #tpu.memory_space<vmem>>)
      %dma_wait3A_287 = arith.constant 0 : i32
      %dma_wait3A_288 = arith.constant 0 : i32
      %dma_wait3A_289 = tpu.memref_slice %arg4[%add3A_210, %dma_wait3A_287, %dma_wait3A_288] : memref<2560x1x64xi32, #tpu.memory_space<hbm>> -> memref<1x1x64xi32, #tpu.memory_space<hbm>>
      %dma_wait3A_290 = tpu.memref_squeeze %dma_wait3A_289 : memref<1x1x64xi32, #tpu.memory_space<hbm>> -> memref<1x64xi32, #tpu.memory_space<hbm>>
      %dma_wait3A_291 = arith.constant 0 : i32
      %dma_wait3A_292 = arith.constant 0 : i32
      %dma_wait3A_293 = tpu.memref_slice %arg4[%add3A_210, %dma_wait3A_291, %dma_wait3A_292] : memref<2560x1x64xi32, #tpu.memory_space<hbm>> -> memref<1x1x64xi32, #tpu.memory_space<hbm>>
      %dma_wait3A_294 = tpu.memref_squeeze %dma_wait3A_293 : memref<1x1x64xi32, #tpu.memory_space<hbm>> -> memref<1x64xi32, #tpu.memory_space<hbm>>
      tpu.wait_dma2 semaphore(%arg21 : memref<!tpu.dma_semaphore, #tpu.memory_space<semaphore_mem>>) src(%dma_wait3A_294 : memref<1x64xi32, #tpu.memory_space<hbm>>) dst(%arg15 : memref<1x64xi32, #tpu.memory_space<vmem>>)
      %dma_wait3A_295 = arith.constant 0 : i32
      %dma_wait3A_296 = tpu.memref_slice %arg5[%add3A_210, %dma_wait3A_295] : memref<2560x64xi32, #tpu.memory_space<hbm>> -> memref<1x64xi32, #tpu.memory_space<hbm>>
      %dma_wait3A_297 = tpu.memref_squeeze %dma_wait3A_296 : memref<1x64xi32, #tpu.memory_space<hbm>> -> memref<64xi32, #tpu.memory_space<hbm>>
      %dma_wait3A_298 = arith.constant 0 : i32
      %dma_wait3A_299 = tpu.memref_slice %arg5[%add3A_210, %dma_wait3A_298] : memref<2560x64xi32, #tpu.memory_space<hbm>> -> memref<1x64xi32, #tpu.memory_space<hbm>>
      %dma_wait3A_300 = tpu.memref_squeeze %dma_wait3A_299 : memref<1x64xi32, #tpu.memory_space<hbm>> -> memref<64xi32, #tpu.memory_space<hbm>>
      tpu.wait_dma2 semaphore(%arg21 : memref<!tpu.dma_semaphore, #tpu.memory_space<semaphore_mem>>) src(%dma_wait3A_300 : memref<64xi32, #tpu.memory_space<hbm>>) dst(%arg17 : memref<64xi32, #tpu.memory_space<vmem>>)
      %dma_start3A_301 = arith.constant 0 : i32
      %dma_start3A_302 = arith.constant 0 : i32
      %dma_start3A_303 = tpu.memref_slice %arg6[%add3A_3, %dma_start3A_301, %dma_start3A_302] : memref<4x10000x128xf32, #tpu.memory_space<hbm>> -> memref<1x10000x128xf32, #tpu.memory_space<hbm>>
      %dma_start3A_304 = tpu.memref_squeeze %dma_start3A_303 : memref<1x10000x128xf32, #tpu.memory_space<hbm>> -> memref<10000x128xf32, #tpu.memory_space<hbm>>
      %dma_start3A_305 = arith.constant 0 : i32
      %dma_start3A_306 = arith.constant 0 : i32
      %dma_start3A_307 = tpu.memref_slice %dma_start3A_304[%dma_start3A_305, %dma_start3A_306] : memref<10000x128xf32, #tpu.memory_space<hbm>> -> memref<10000x128xf32, #tpu.memory_space<hbm>>
      tpu.enqueue_indirect_dma source(%dma_start3A_307 : memref<10000x128xf32, #tpu.memory_space<hbm>>) target(%arg13 : memref<64x128xf32, #tpu.memory_space<vmem>>) offsets(%arg17 : memref<64xi32, #tpu.memory_space<vmem>>) semaphore(%arg23 : memref<!tpu.dma_semaphore, #tpu.memory_space<semaphore_mem>>)
      %dma_wait3A_308 = arith.constant 0 : i32
      %dma_wait3A_309 = arith.constant 0 : i32
      %dma_wait3A_310 = tpu.memref_slice %arg14[%dma_wait3A_308, %dma_wait3A_309] : memref<1x64xi32, #tpu.memory_space<vmem>> -> memref<1x64xi32, #tpu.memory_space<vmem>>
      %dma_wait3A_311 = tpu.memref_squeeze %dma_wait3A_310 : memref<1x64xi32, #tpu.memory_space<vmem>> -> memref<64xi32, #tpu.memory_space<vmem>>
      %dma_wait3A_312 = arith.constant 0 : i32
      %dma_wait3A_313 = arith.constant 0 : i32
      %dma_wait3A_314 = tpu.memref_slice %arg26[%dma_wait3A_312, %dma_wait3A_313] : memref<10112x128xf32, #tpu.memory_space<vmem_shared>> -> memref<10112x128xf32, #tpu.memory_space<vmem_shared>>
      tpu.wait_indirect_dma semaphore(%arg24 : memref<!tpu.dma_semaphore, #tpu.memory_space<semaphore_mem>>) src(%arg10 : memref<64x128xf32, #tpu.memory_space<vmem>>) dst(%dma_wait3A_314 : memref<10112x128xf32, #tpu.memory_space<vmem_shared>>)
      %add3A_315 = arith.constant 1 : i32
      %add3A_316 = arith.addi %scan3A_204, %add3A_315 : i32
      %lt3A = arith.constant 80 : i32
      %lt3A_317 = arith.cmpi slt, %add3A_316, %lt3A : i32
      %convert_element_type3A_318 = arith.extui %lt3A_317 : i1 to i32
      %cond3A_319 = arith.constant 0 : i32
      %cond3A_320 = arith.cmpi ne, %convert_element_type3A_318, %cond3A_319 : i32
      scf.if %cond3A_320 {
        %add3A_343 = arith.constant 2 : i32
        %add3A_344 = arith.addi %add3A_208, %add3A_343 : i32
        %mul3A_345 = arith.constant 64 : i32
        %mul3A_346 = arith.muli %add3A_344, %mul3A_345 : i32
        %dma_start3A_347 = arith.constant 0 : i32
        %dma_start3A_348 = tpu.memref_slice %arg2[%mul3A_346, %dma_start3A_347] : memref<163840x128xf32, #tpu.memory_space<hbm>> -> memref<64x128xf32, #tpu.memory_space<hbm>>
        %dma_start3A_349 = arith.constant 0 : i32
        %dma_start3A_350 = tpu.memref_slice %arg2[%mul3A_346, %dma_start3A_349] : memref<163840x128xf32, #tpu.memory_space<hbm>> -> memref<64x128xf32, #tpu.memory_space<hbm>>
        tpu.enqueue_dma source(%dma_start3A_350 : memref<64x128xf32, #tpu.memory_space<hbm>>) target(%arg10 : memref<64x128xf32, #tpu.memory_space<vmem>>) target_semaphore(%arg20 : memref<!tpu.dma_semaphore, #tpu.memory_space<semaphore_mem>>)
        %dma_start3A_351 = arith.constant 0 : i32
        %dma_start3A_352 = arith.constant 0 : i32
        %dma_start3A_353 = tpu.memref_slice %arg4[%add3A_344, %dma_start3A_351, %dma_start3A_352] : memref<2560x1x64xi32, #tpu.memory_space<hbm>> -> memref<1x1x64xi32, #tpu.memory_space<hbm>>
        %dma_start3A_354 = tpu.memref_squeeze %dma_start3A_353 : memref<1x1x64xi32, #tpu.memory_space<hbm>> -> memref<1x64xi32, #tpu.memory_space<hbm>>
        %dma_start3A_355 = arith.constant 0 : i32
        %dma_start3A_356 = arith.constant 0 : i32
        %dma_start3A_357 = tpu.memref_slice %arg4[%add3A_344, %dma_start3A_355, %dma_start3A_356] : memref<2560x1x64xi32, #tpu.memory_space<hbm>> -> memref<1x1x64xi32, #tpu.memory_space<hbm>>
        %dma_start3A_358 = tpu.memref_squeeze %dma_start3A_357 : memref<1x1x64xi32, #tpu.memory_space<hbm>> -> memref<1x64xi32, #tpu.memory_space<hbm>>
        tpu.enqueue_dma source(%dma_start3A_358 : memref<1x64xi32, #tpu.memory_space<hbm>>) target(%arg14 : memref<1x64xi32, #tpu.memory_space<vmem>>) target_semaphore(%arg20 : memref<!tpu.dma_semaphore, #tpu.memory_space<semaphore_mem>>)
        %dma_start3A_359 = arith.constant 0 : i32
        %dma_start3A_360 = tpu.memref_slice %arg5[%add3A_344, %dma_start3A_359] : memref<2560x64xi32, #tpu.memory_space<hbm>> -> memref<1x64xi32, #tpu.memory_space<hbm>>
        %dma_start3A_361 = tpu.memref_squeeze %dma_start3A_360 : memref<1x64xi32, #tpu.memory_space<hbm>> -> memref<64xi32, #tpu.memory_space<hbm>>
        %dma_start3A_362 = arith.constant 0 : i32
        %dma_start3A_363 = tpu.memref_slice %arg5[%add3A_344, %dma_start3A_362] : memref<2560x64xi32, #tpu.memory_space<hbm>> -> memref<1x64xi32, #tpu.memory_space<hbm>>
        %dma_start3A_364 = tpu.memref_squeeze %dma_start3A_363 : memref<1x64xi32, #tpu.memory_space<hbm>> -> memref<64xi32, #tpu.memory_space<hbm>>
        tpu.enqueue_dma source(%dma_start3A_364 : memref<64xi32, #tpu.memory_space<hbm>>) target(%arg16 : memref<64xi32, #tpu.memory_space<vmem>>) target_semaphore(%arg20 : memref<!tpu.dma_semaphore, #tpu.memory_space<semaphore_mem>>)
      } else {
      }
      %dma_wait3A_321 = arith.constant 0 : i32
      %dma_wait3A_322 = arith.constant 0 : i32
      %dma_wait3A_323 = tpu.memref_slice %arg6[%add3A_3, %dma_wait3A_321, %dma_wait3A_322] : memref<4x10000x128xf32, #tpu.memory_space<hbm>> -> memref<1x10000x128xf32, #tpu.memory_space<hbm>>
      %dma_wait3A_324 = tpu.memref_squeeze %dma_wait3A_323 : memref<1x10000x128xf32, #tpu.memory_space<hbm>> -> memref<10000x128xf32, #tpu.memory_space<hbm>>
      %dma_wait3A_325 = arith.constant 0 : i32
      %dma_wait3A_326 = arith.constant 0 : i32
      %dma_wait3A_327 = tpu.memref_slice %dma_wait3A_324[%dma_wait3A_325, %dma_wait3A_326] : memref<10000x128xf32, #tpu.memory_space<hbm>> -> memref<10000x128xf32, #tpu.memory_space<hbm>>
      tpu.wait_indirect_dma semaphore(%arg23 : memref<!tpu.dma_semaphore, #tpu.memory_space<semaphore_mem>>) src(%dma_wait3A_327 : memref<10000x128xf32, #tpu.memory_space<hbm>>) dst(%arg13 : memref<64x128xf32, #tpu.memory_space<vmem>>)
      %scan3A_328 = arith.constant 0 : i32
      %scan3A_329 = arith.constant 0 : i32
      %scan3A_330 = arith.constant 64 : i32
      %scan3A_331 = arith.addi %scan3A_329, %scan3A_330 : i32
      %scan3A_332 = arith.constant 1 : i32
      %scan3A_333 = scf.for %scan3A_343 = %scan3A_329 to %scan3A_331 step %scan3A_332 iter_args(%scan3A_344 = %scan3A_328) -> (i32)  : i32 {
        %get3A = arith.index_cast %scan3A_343 : i32 to index
        %get3A_345 = arith.constant 0 : index
        %get3A_346 = tpu.vector_load %arg13[%get3A, %get3A_345] {strides = array<i32>} : memref<64x128xf32, #tpu.memory_space<vmem>>, vector<1x16xf32>,
        %get3A_347 = vector.shape_cast %get3A_346 : vector<1x16xf32> to vector<16xf32>
        %get3A_348 = arith.index_cast %scan3A_343 : i32 to index
        %get3A_349 = arith.constant 0 : index
        %get3A_350 = tpu.vector_load %arg11[%get3A_348, %get3A_349] {strides = array<i32>} : memref<64x128xf32, #tpu.memory_space<vmem>>, vector<1x16xf32>,
        %get3A_351 = vector.shape_cast %get3A_350 : vector<1x16xf32> to vector<16xf32>
        %get3A_352 = arith.index_cast %scan3A_343 : i32 to index
        %get3A_353 = arith.constant 16 : index
        %get3A_354 = tpu.vector_load %arg11[%get3A_352, %get3A_353] {strides = array<i32>} : memref<64x128xf32, #tpu.memory_space<vmem>>, vector<1x16xf32>,
        %get3A_355 = vector.shape_cast %get3A_354 : vector<1x16xf32> to vector<16xf32>
        %get3A_356 = arith.index_cast %scan3A_343 : i32 to index
        %get3A_357 = arith.constant 32 : index
        %get3A_358 = tpu.vector_load %arg11[%get3A_356, %get3A_357] {strides = array<i32>} : memref<64x128xf32, #tpu.memory_space<vmem>>, vector<1x16xf32>,
        %get3A_359 = vector.shape_cast %get3A_358 : vector<1x16xf32> to vector<16xf32>
        %get3A_360 = arith.index_cast %scan3A_343 : i32 to index
        %get3A_361 = arith.constant 48 : index
        %get3A_362 = tpu.vector_load %arg11[%get3A_360, %get3A_361] {strides = array<i32>} : memref<64x128xf32, #tpu.memory_space<vmem>>, vector<1x16xf32>,
        %get3A_363 = vector.shape_cast %get3A_362 : vector<1x16xf32> to vector<16xf32>
        %get3A_364 = arith.index_cast %scan3A_343 : i32 to index
        %get3A_365 = arith.constant 64 : index
        %get3A_366 = tpu.vector_load %arg11[%get3A_364, %get3A_365] {strides = array<i32>} : memref<64x128xf32, #tpu.memory_space<vmem>>, vector<1x16xf32>,
        %get3A_367 = vector.shape_cast %get3A_366 : vector<1x16xf32> to vector<16xf32>
        %get3A_368 = arith.index_cast %scan3A_343 : i32 to index
        %get3A_369 = arith.constant 80 : index
        %get3A_370 = tpu.vector_load %arg11[%get3A_368, %get3A_369] {strides = array<i32>} : memref<64x128xf32, #tpu.memory_space<vmem>>, vector<1x16xf32>,
        %get3A_371 = vector.shape_cast %get3A_370 : vector<1x16xf32> to vector<16xf32>
        %get3A_372 = arith.index_cast %scan3A_343 : i32 to index
        %get3A_373 = arith.constant 96 : index
        %get3A_374 = tpu.vector_load %arg11[%get3A_372, %get3A_373] {strides = array<i32>} : memref<64x128xf32, #tpu.memory_space<vmem>>, vector<1x16xf32>,
        %get3A_375 = vector.shape_cast %get3A_374 : vector<1x16xf32> to vector<16xf32>
        %get3A_376 = arith.index_cast %scan3A_343 : i32 to index
        %get3A_377 = arith.constant 112 : index
        %get3A_378 = tpu.vector_load %arg11[%get3A_376, %get3A_377] {strides = array<i32>} : memref<64x128xf32, #tpu.memory_space<vmem>>, vector<1x16xf32>,
        %get3A_379 = vector.shape_cast %get3A_378 : vector<1x16xf32> to vector<16xf32>
        %mul3A_380 = arith.mulf %get3A_351, %get3A_347 : vector<16xf32>
        %mul3A_381 = arith.mulf %get3A_355, %get3A_347 : vector<16xf32>
        %mul3A_382 = arith.mulf %get3A_359, %get3A_347 : vector<16xf32>
        %mul3A_383 = arith.mulf %get3A_363, %get3A_347 : vector<16xf32>
        %mul3A_384 = arith.mulf %get3A_367, %get3A_347 : vector<16xf32>
        %mul3A_385 = arith.mulf %get3A_371, %get3A_347 : vector<16xf32>
        %mul3A_386 = arith.mulf %get3A_375, %get3A_347 : vector<16xf32>
        %mul3A_387 = arith.mulf %get3A_379, %get3A_347 : vector<16xf32>
        %swap3A = arith.index_cast %scan3A_343 : i32 to index
        %swap3A_388 = arith.constant 0 : index
        %swap3A_389 = tpu.vector_load %arg11[%swap3A, %swap3A_388] {strides = array<i32>} : memref<64x128xf32, #tpu.memory_space<vmem>>, vector<1x16xf32>,
        %swap3A_390 = vector.shape_cast %swap3A_389 : vector<1x16xf32> to vector<16xf32>
        %swap3A_391 = vector.shape_cast %mul3A_380 : vector<16xf32> to vector<1x16xf32>
        tpu.vector_store %arg11[%swap3A, %swap3A_388], %swap3A_391 {strides = array<i32>} : memref<64x128xf32, #tpu.memory_space<vmem>>, vector<1x16xf32>,
        %swap3A_392 = arith.index_cast %scan3A_343 : i32 to index
        %swap3A_393 = arith.constant 16 : index
        %swap3A_394 = tpu.vector_load %arg11[%swap3A_392, %swap3A_393] {strides = array<i32>} : memref<64x128xf32, #tpu.memory_space<vmem>>, vector<1x16xf32>,
        %swap3A_395 = vector.shape_cast %swap3A_394 : vector<1x16xf32> to vector<16xf32>
        %swap3A_396 = vector.shape_cast %mul3A_381 : vector<16xf32> to vector<1x16xf32>
        tpu.vector_store %arg11[%swap3A_392, %swap3A_393], %swap3A_396 {strides = array<i32>} : memref<64x128xf32, #tpu.memory_space<vmem>>, vector<1x16xf32>,
        %swap3A_397 = arith.index_cast %scan3A_343 : i32 to index
        %swap3A_398 = arith.constant 32 : index
        %swap3A_399 = tpu.vector_load %arg11[%swap3A_397, %swap3A_398] {strides = array<i32>} : memref<64x128xf32, #tpu.memory_space<vmem>>, vector<1x16xf32>,
        %swap3A_400 = vector.shape_cast %swap3A_399 : vector<1x16xf32> to vector<16xf32>
        %swap3A_401 = vector.shape_cast %mul3A_382 : vector<16xf32> to vector<1x16xf32>
        tpu.vector_store %arg11[%swap3A_397, %swap3A_398], %swap3A_401 {strides = array<i32>} : memref<64x128xf32, #tpu.memory_space<vmem>>, vector<1x16xf32>,
        %swap3A_402 = arith.index_cast %scan3A_343 : i32 to index
        %swap3A_403 = arith.constant 48 : index
        %swap3A_404 = tpu.vector_load %arg11[%swap3A_402, %swap3A_403] {strides = array<i32>} : memref<64x128xf32, #tpu.memory_space<vmem>>, vector<1x16xf32>,
        %swap3A_405 = vector.shape_cast %swap3A_404 : vector<1x16xf32> to vector<16xf32>
        %swap3A_406 = vector.shape_cast %mul3A_383 : vector<16xf32> to vector<1x16xf32>
        tpu.vector_store %arg11[%swap3A_402, %swap3A_403], %swap3A_406 {strides = array<i32>} : memref<64x128xf32, #tpu.memory_space<vmem>>, vector<1x16xf32>,
        %swap3A_407 = arith.index_cast %scan3A_343 : i32 to index
        %swap3A_408 = arith.constant 64 : index
        %swap3A_409 = tpu.vector_load %arg11[%swap3A_407, %swap3A_408] {strides = array<i32>} : memref<64x128xf32, #tpu.memory_space<vmem>>, vector<1x16xf32>,
        %swap3A_410 = vector.shape_cast %swap3A_409 : vector<1x16xf32> to vector<16xf32>
        %swap3A_411 = vector.shape_cast %mul3A_384 : vector<16xf32> to vector<1x16xf32>
        tpu.vector_store %arg11[%swap3A_407, %swap3A_408], %swap3A_411 {strides = array<i32>} : memref<64x128xf32, #tpu.memory_space<vmem>>, vector<1x16xf32>,
        %swap3A_412 = arith.index_cast %scan3A_343 : i32 to index
        %swap3A_413 = arith.constant 80 : index
        %swap3A_414 = tpu.vector_load %arg11[%swap3A_412, %swap3A_413] {strides = array<i32>} : memref<64x128xf32, #tpu.memory_space<vmem>>, vector<1x16xf32>,
        %swap3A_415 = vector.shape_cast %swap3A_414 : vector<1x16xf32> to vector<16xf32>
        %swap3A_416 = vector.shape_cast %mul3A_385 : vector<16xf32> to vector<1x16xf32>
        tpu.vector_store %arg11[%swap3A_412, %swap3A_413], %swap3A_416 {strides = array<i32>} : memref<64x128xf32, #tpu.memory_space<vmem>>, vector<1x16xf32>,
        %swap3A_417 = arith.index_cast %scan3A_343 : i32 to index
        %swap3A_418 = arith.constant 96 : index
        %swap3A_419 = tpu.vector_load %arg11[%swap3A_417, %swap3A_418] {strides = array<i32>} : memref<64x128xf32, #tpu.memory_space<vmem>>, vector<1x16xf32>,
        %swap3A_420 = vector.shape_cast %swap3A_419 : vector<1x16xf32> to vector<16xf32>
        %swap3A_421 = vector.shape_cast %mul3A_386 : vector<16xf32> to vector<1x16xf32>
        tpu.vector_store %arg11[%swap3A_417, %swap3A_418], %swap3A_421 {strides = array<i32>} : memref<64x128xf32, #tpu.memory_space<vmem>>, vector<1x16xf32>,
        %swap3A_422 = arith.index_cast %scan3A_343 : i32 to index
        %swap3A_423 = arith.constant 112 : index
        %swap3A_424 = tpu.vector_load %arg11[%swap3A_422, %swap3A_423] {strides = array<i32>} : memref<64x128xf32, #tpu.memory_space<vmem>>, vector<1x16xf32>,
        %swap3A_425 = vector.shape_cast %swap3A_424 : vector<1x16xf32> to vector<16xf32>
        %swap3A_426 = vector.shape_cast %mul3A_387 : vector<16xf32> to vector<1x16xf32>
        tpu.vector_store %arg11[%swap3A_422, %swap3A_423], %swap3A_426 {strides = array<i32>} : memref<64x128xf32, #tpu.memory_space<vmem>>, vector<1x16xf32>,
        %scan3A_427 = arith.constant 0 : i32
        scf.yield %scan3A_427 : i32
      }
      %scan3A_334 = arith.constant 64 : i32
      %dma_start3A_335 = arith.constant 0 : i32
      %dma_start3A_336 = arith.constant 0 : i32
      %dma_start3A_337 = tpu.memref_slice %arg15[%dma_start3A_335, %dma_start3A_336] : memref<1x64xi32, #tpu.memory_space<vmem>> -> memref<1x64xi32, #tpu.memory_space<vmem>>
      %dma_start3A_338 = tpu.memref_squeeze %dma_start3A_337 : memref<1x64xi32, #tpu.memory_space<vmem>> -> memref<64xi32, #tpu.memory_space<vmem>>
      %dma_start3A_339 = arith.constant 0 : i32
      %dma_start3A_340 = arith.constant 0 : i32
      %dma_start3A_341 = tpu.memref_slice %arg26[%dma_start3A_339, %dma_start3A_340] : memref<10112x128xf32, #tpu.memory_space<vmem_shared>> -> memref<10112x128xf32, #tpu.memory_space<vmem_shared>>
      tpu.enqueue_indirect_dma source(%arg11 : memref<64x128xf32, #tpu.memory_space<vmem>>) target(%dma_start3A_341 : memref<10112x128xf32, #tpu.memory_space<vmem_shared>>) offsets(%dma_start3A_338 : memref<64xi32, #tpu.memory_space<vmem>>) semaphore(%arg25 : memref<!tpu.dma_semaphore, #tpu.memory_space<semaphore_mem>>) {add = true}
      %scan3A_342 = arith.constant 0 : i32
      scf.yield %scan3A_342 : i32
    }
    %scan3A_57 = arith.constant 80 : i32
    %dma_wait3A = arith.constant 0 : i32
    %dma_wait3A_58 = arith.constant 0 : i32
    %dma_wait3A_59 = tpu.memref_slice %arg15[%dma_wait3A, %dma_wait3A_58] : memref<1x64xi32, #tpu.memory_space<vmem>> -> memref<1x64xi32, #tpu.memory_space<vmem>>
    %dma_wait3A_60 = tpu.memref_squeeze %dma_wait3A_59 : memref<1x64xi32, #tpu.memory_space<vmem>> -> memref<64xi32, #tpu.memory_space<vmem>>
    %dma_wait3A_61 = arith.constant 0 : i32
    %dma_wait3A_62 = arith.constant 0 : i32
    %dma_wait3A_63 = tpu.memref_slice %arg26[%dma_wait3A_61, %dma_wait3A_62] : memref<10112x128xf32, #tpu.memory_space<vmem_shared>> -> memref<10112x128xf32, #tpu.memory_space<vmem_shared>>
    tpu.wait_indirect_dma semaphore(%arg25 : memref<!tpu.dma_semaphore, #tpu.memory_space<semaphore_mem>>) src(%arg11 : memref<64x128xf32, #tpu.memory_space<vmem>>) dst(%dma_wait3A_63 : memref<10112x128xf32, #tpu.memory_space<vmem_shared>>)
    %barrier3A_64 = arith.constant 0 : index
    tpu.barrier barrier_id(%barrier3A_64)
    "tpu.region"() ({
      %run_scoped3A = tpu.sem_alloc : memref<!tpu.dma_semaphore, #tpu.memory_space<semaphore_mem>>
      %dma_start3A_204 = arith.constant 0 : i32
      %dma_start3A_205 = tpu.memref_slice %arg8[%add3A_3, %mul3A_0, %dma_start3A_204] : memref<4x10112x128xf32, #tpu.memory_space<hbm>> -> memref<1x632x128xf32, #tpu.memory_space<hbm>>
      %dma_start3A_206 = tpu.memref_squeeze %dma_start3A_205 : memref<1x632x128xf32, #tpu.memory_space<hbm>> -> memref<632x128xf32, #tpu.memory_space<hbm>>
      %dma_start3A_207 = arith.constant 0 : i32
      %dma_start3A_208 = tpu.memref_slice %arg26[%mul3A_0, %dma_start3A_207] : memref<10112x128xf32, #tpu.memory_space<vmem_shared>> -> memref<632x128xf32, #tpu.memory_space<vmem_shared>>
      tpu.enqueue_dma source(%dma_start3A_208 : memref<632x128xf32, #tpu.memory_space<vmem_shared>>) target(%dma_start3A_206 : memref<632x128xf32, #tpu.memory_space<hbm>>) target_semaphore(%run_scoped3A : memref<!tpu.dma_semaphore, #tpu.memory_space<semaphore_mem>>)
      %dma_wait3A_209 = arith.constant 0 : i32
      %dma_wait3A_210 = tpu.memref_slice %arg8[%add3A_3, %mul3A_0, %dma_wait3A_209] : memref<4x10112x128xf32, #tpu.memory_space<hbm>> -> memref<1x632x128xf32, #tpu.memory_space<hbm>>
      %dma_wait3A_211 = tpu.memref_squeeze %dma_wait3A_210 : memref<1x632x128xf32, #tpu.memory_space<hbm>> -> memref<632x128xf32, #tpu.memory_space<hbm>>
      %dma_wait3A_212 = arith.constant 0 : i32
      %dma_wait3A_213 = tpu.memref_slice %arg26[%mul3A_0, %dma_wait3A_212] : memref<10112x128xf32, #tpu.memory_space<vmem_shared>> -> memref<632x128xf32, #tpu.memory_space<vmem_shared>>
      tpu.wait_dma2 semaphore(%run_scoped3A : memref<!tpu.dma_semaphore, #tpu.memory_space<semaphore_mem>>) src(%dma_wait3A_213 : memref<632x128xf32, #tpu.memory_space<vmem_shared>>) dst(%dma_wait3A_211 : memref<632x128xf32, #tpu.memory_space<hbm>>)
      tpu.yield
    }) : () -> ()
    %barrier3A_65 = arith.constant 0 : index
    tpu.barrier barrier_id(%barrier3A_65)
    %mul3A_66 = arith.constant 2 : i32
    %mul3A_67 = arith.muli %arg0, %mul3A_66 : i32
    %add3A_68 = arith.constant 1 : i32
    %add3A_69 = arith.addi %mul3A_67, %add3A_68 : i32
    %scan3A_70 = arith.constant 0 : i32
    %scan3A_71 = arith.constant 0 : i32
    %scan3A_72 = arith.constant 64 : i32
    %scan3A_73 = arith.addi %scan3A_71, %scan3A_72 : i32
    %scan3A_74 = arith.constant 1 : i32
    %scan3A_75 = scf.for %scan3A_204 = %scan3A_71 to %scan3A_73 step %scan3A_74 iter_args(%scan3A_205 = %scan3A_70) -> (i32)  : i32 {
      %broadcast_in_dim3A = arith.constant 0.000000e+00 : f32
      %broadcast_in_dim3A_206 = vector.broadcast %broadcast_in_dim3A : f32 to vector<16xf32>
      %swap3A = arith.index_cast %scan3A_204 : i32 to index
      %swap3A_207 = arith.constant 0 : index
      %swap3A_208 = tpu.vector_load %arg10[%swap3A, %swap3A_207] {strides = array<i32>} : memref<64x128xf32, #tpu.memory_space<vmem>>, vector<1x16xf32>,
      %swap3A_209 = vector.shape_cast %swap3A_208 : vector<1x16xf32> to vector<16xf32>
      %swap3A_210 = vector.shape_cast %broadcast_in_dim3A_206 : vector<16xf32> to vector<1x16xf32>
      tpu.vector_store %arg10[%swap3A, %swap3A_207], %swap3A_210 {strides = array<i32>} : memref<64x128xf32, #tpu.memory_space<vmem>>, vector<1x16xf32>,
      %broadcast_in_dim3A_211 = arith.constant 0.000000e+00 : f32
      %broadcast_in_dim3A_212 = vector.broadcast %broadcast_in_dim3A_211 : f32 to vector<16xf32>
      %swap3A_213 = arith.index_cast %scan3A_204 : i32 to index
      %swap3A_214 = arith.constant 16 : index
      %swap3A_215 = tpu.vector_load %arg10[%swap3A_213, %swap3A_214] {strides = array<i32>} : memref<64x128xf32, #tpu.memory_space<vmem>>, vector<1x16xf32>,
      %swap3A_216 = vector.shape_cast %swap3A_215 : vector<1x16xf32> to vector<16xf32>
      %swap3A_217 = vector.shape_cast %broadcast_in_dim3A_212 : vector<16xf32> to vector<1x16xf32>
      tpu.vector_store %arg10[%swap3A_213, %swap3A_214], %swap3A_217 {strides = array<i32>} : memref<64x128xf32, #tpu.memory_space<vmem>>, vector<1x16xf32>,
      %broadcast_in_dim3A_218 = arith.constant 0.000000e+00 : f32
      %broadcast_in_dim3A_219 = vector.broadcast %broadcast_in_dim3A_218 : f32 to vector<16xf32>
      %swap3A_220 = arith.index_cast %scan3A_204 : i32 to index
      %swap3A_221 = arith.constant 32 : index
      %swap3A_222 = tpu.vector_load %arg10[%swap3A_220, %swap3A_221] {strides = array<i32>} : memref<64x128xf32, #tpu.memory_space<vmem>>, vector<1x16xf32>,
      %swap3A_223 = vector.shape_cast %swap3A_222 : vector<1x16xf32> to vector<16xf32>
      %swap3A_224 = vector.shape_cast %broadcast_in_dim3A_219 : vector<16xf32> to vector<1x16xf32>
      tpu.vector_store %arg10[%swap3A_220, %swap3A_221], %swap3A_224 {strides = array<i32>} : memref<64x128xf32, #tpu.memory_space<vmem>>, vector<1x16xf32>,
      %broadcast_in_dim3A_225 = arith.constant 0.000000e+00 : f32
      %broadcast_in_dim3A_226 = vector.broadcast %broadcast_in_dim3A_225 : f32 to vector<16xf32>
      %swap3A_227 = arith.index_cast %scan3A_204 : i32 to index
      %swap3A_228 = arith.constant 48 : index
      %swap3A_229 = tpu.vector_load %arg10[%swap3A_227, %swap3A_228] {strides = array<i32>} : memref<64x128xf32, #tpu.memory_space<vmem>>, vector<1x16xf32>,
      %swap3A_230 = vector.shape_cast %swap3A_229 : vector<1x16xf32> to vector<16xf32>
      %swap3A_231 = vector.shape_cast %broadcast_in_dim3A_226 : vector<16xf32> to vector<1x16xf32>
      tpu.vector_store %arg10[%swap3A_227, %swap3A_228], %swap3A_231 {strides = array<i32>} : memref<64x128xf32, #tpu.memory_space<vmem>>, vector<1x16xf32>,
      %broadcast_in_dim3A_232 = arith.constant 0.000000e+00 : f32
      %broadcast_in_dim3A_233 = vector.broadcast %broadcast_in_dim3A_232 : f32 to vector<16xf32>
      %swap3A_234 = arith.index_cast %scan3A_204 : i32 to index
      %swap3A_235 = arith.constant 64 : index
      %swap3A_236 = tpu.vector_load %arg10[%swap3A_234, %swap3A_235] {strides = array<i32>} : memref<64x128xf32, #tpu.memory_space<vmem>>, vector<1x16xf32>,
      %swap3A_237 = vector.shape_cast %swap3A_236 : vector<1x16xf32> to vector<16xf32>
      %swap3A_238 = vector.shape_cast %broadcast_in_dim3A_233 : vector<16xf32> to vector<1x16xf32>
      tpu.vector_store %arg10[%swap3A_234, %swap3A_235], %swap3A_238 {strides = array<i32>} : memref<64x128xf32, #tpu.memory_space<vmem>>, vector<1x16xf32>,
      %broadcast_in_dim3A_239 = arith.constant 0.000000e+00 : f32
      %broadcast_in_dim3A_240 = vector.broadcast %broadcast_in_dim3A_239 : f32 to vector<16xf32>
      %swap3A_241 = arith.index_cast %scan3A_204 : i32 to index
      %swap3A_242 = arith.constant 80 : index
      %swap3A_243 = tpu.vector_load %arg10[%swap3A_241, %swap3A_242] {strides = array<i32>} : memref<64x128xf32, #tpu.memory_space<vmem>>, vector<1x16xf32>,
      %swap3A_244 = vector.shape_cast %swap3A_243 : vector<1x16xf32> to vector<16xf32>
      %swap3A_245 = vector.shape_cast %broadcast_in_dim3A_240 : vector<16xf32> to vector<1x16xf32>
      tpu.vector_store %arg10[%swap3A_241, %swap3A_242], %swap3A_245 {strides = array<i32>} : memref<64x128xf32, #tpu.memory_space<vmem>>, vector<1x16xf32>,
      %broadcast_in_dim3A_246 = arith.constant 0.000000e+00 : f32
      %broadcast_in_dim3A_247 = vector.broadcast %broadcast_in_dim3A_246 : f32 to vector<16xf32>
      %swap3A_248 = arith.index_cast %scan3A_204 : i32 to index
      %swap3A_249 = arith.constant 96 : index
      %swap3A_250 = tpu.vector_load %arg10[%swap3A_248, %swap3A_249] {strides = array<i32>} : memref<64x128xf32, #tpu.memory_space<vmem>>, vector<1x16xf32>,
      %swap3A_251 = vector.shape_cast %swap3A_250 : vector<1x16xf32> to vector<16xf32>
      %swap3A_252 = vector.shape_cast %broadcast_in_dim3A_247 : vector<16xf32> to vector<1x16xf32>
      tpu.vector_store %arg10[%swap3A_248, %swap3A_249], %swap3A_252 {strides = array<i32>} : memref<64x128xf32, #tpu.memory_space<vmem>>, vector<1x16xf32>,
      %broadcast_in_dim3A_253 = arith.constant 0.000000e+00 : f32
      %broadcast_in_dim3A_254 = vector.broadcast %broadcast_in_dim3A_253 : f32 to vector<16xf32>
      %swap3A_255 = arith.index_cast %scan3A_204 : i32 to index
      %swap3A_256 = arith.constant 112 : index
      %swap3A_257 = tpu.vector_load %arg10[%swap3A_255, %swap3A_256] {strides = array<i32>} : memref<64x128xf32, #tpu.memory_space<vmem>>, vector<1x16xf32>,
      %swap3A_258 = vector.shape_cast %swap3A_257 : vector<1x16xf32> to vector<16xf32>
      %swap3A_259 = vector.shape_cast %broadcast_in_dim3A_254 : vector<16xf32> to vector<1x16xf32>
      tpu.vector_store %arg10[%swap3A_255, %swap3A_256], %swap3A_259 {strides = array<i32>} : memref<64x128xf32, #tpu.memory_space<vmem>>, vector<1x16xf32>,
      %scan3A_260 = arith.constant 0 : i32
      scf.yield %scan3A_260 : i32
    }
    %scan3A_76 = arith.constant 64 : i32
    %add3A_77 = arith.constant 0 : i32
    %add3A_78 = arith.addi %mul3A_0, %add3A_77 : i32
    "tpu.region"() ({
      %run_scoped3A = tpu.sem_alloc : memref<!tpu.dma_semaphore, #tpu.memory_space<semaphore_mem>>
      %dma_start3A_204 = arith.constant 0 : i32
      %dma_start3A_205 = tpu.memref_slice %arg26[%add3A_78, %dma_start3A_204] : memref<10112x128xf32, #tpu.memory_space<vmem_shared>> -> memref<64x128xf32, #tpu.memory_space<vmem_shared>>
      %dma_start3A_206 = arith.constant 0 : i32
      %dma_start3A_207 = tpu.memref_slice %arg26[%add3A_78, %dma_start3A_206] : memref<10112x128xf32, #tpu.memory_space<vmem_shared>> -> memref<64x128xf32, #tpu.memory_space<vmem_shared>>
      tpu.enqueue_dma source(%arg10 : memref<64x128xf32, #tpu.memory_space<vmem>>) target(%dma_start3A_207 : memref<64x128xf32, #tpu.memory_space<vmem_shared>>) target_semaphore(%run_scoped3A : memref<!tpu.dma_semaphore, #tpu.memory_space<semaphore_mem>>)
      %dma_wait3A_208 = arith.constant 0 : i32
      %dma_wait3A_209 = tpu.memref_slice %arg26[%add3A_78, %dma_wait3A_208] : memref<10112x128xf32, #tpu.memory_space<vmem_shared>> -> memref<64x128xf32, #tpu.memory_space<vmem_shared>>
      %dma_wait3A_210 = arith.constant 0 : i32
      %dma_wait3A_211 = tpu.memref_slice %arg26[%add3A_78, %dma_wait3A_210] : memref<10112x128xf32, #tpu.memory_space<vmem_shared>> -> memref<64x128xf32, #tpu.memory_space<vmem_shared>>
      tpu.wait_dma2 semaphore(%run_scoped3A : memref<!tpu.dma_semaphore, #tpu.memory_space<semaphore_mem>>) src(%arg10 : memref<64x128xf32, #tpu.memory_space<vmem>>) dst(%dma_wait3A_211 : memref<64x128xf32, #tpu.memory_space<vmem_shared>>)
      tpu.yield
    }) : () -> ()
    %add3A_79 = arith.constant 64 : i32
    %add3A_80 = arith.addi %mul3A_0, %add3A_79 : i32
    "tpu.region"() ({
      %run_scoped3A = tpu.sem_alloc : memref<!tpu.dma_semaphore, #tpu.memory_space<semaphore_mem>>
      %dma_start3A_204 = arith.constant 0 : i32
      %dma_start3A_205 = tpu.memref_slice %arg26[%add3A_80, %dma_start3A_204] : memref<10112x128xf32, #tpu.memory_space<vmem_shared>> -> memref<64x128xf32, #tpu.memory_space<vmem_shared>>
      %dma_start3A_206 = arith.constant 0 : i32
      %dma_start3A_207 = tpu.memref_slice %arg26[%add3A_80, %dma_start3A_206] : memref<10112x128xf32, #tpu.memory_space<vmem_shared>> -> memref<64x128xf32, #tpu.memory_space<vmem_shared>>
      tpu.enqueue_dma source(%arg10 : memref<64x128xf32, #tpu.memory_space<vmem>>) target(%dma_start3A_207 : memref<64x128xf32, #tpu.memory_space<vmem_shared>>) target_semaphore(%run_scoped3A : memref<!tpu.dma_semaphore, #tpu.memory_space<semaphore_mem>>)
      %dma_wait3A_208 = arith.constant 0 : i32
      %dma_wait3A_209 = tpu.memref_slice %arg26[%add3A_80, %dma_wait3A_208] : memref<10112x128xf32, #tpu.memory_space<vmem_shared>> -> memref<64x128xf32, #tpu.memory_space<vmem_shared>>
      %dma_wait3A_210 = arith.constant 0 : i32
      %dma_wait3A_211 = tpu.memref_slice %arg26[%add3A_80, %dma_wait3A_210] : memref<10112x128xf32, #tpu.memory_space<vmem_shared>> -> memref<64x128xf32, #tpu.memory_space<vmem_shared>>
      tpu.wait_dma2 semaphore(%run_scoped3A : memref<!tpu.dma_semaphore, #tpu.memory_space<semaphore_mem>>) src(%arg10 : memref<64x128xf32, #tpu.memory_space<vmem>>) dst(%dma_wait3A_211 : memref<64x128xf32, #tpu.memory_space<vmem_shared>>)
      tpu.yield
    }) : () -> ()
    %add3A_81 = arith.constant 128 : i32
    %add3A_82 = arith.addi %mul3A_0, %add3A_81 : i32
    "tpu.region"() ({
      %run_scoped3A = tpu.sem_alloc : memref<!tpu.dma_semaphore, #tpu.memory_space<semaphore_mem>>
      %dma_start3A_204 = arith.constant 0 : i32
      %dma_start3A_205 = tpu.memref_slice %arg26[%add3A_82, %dma_start3A_204] : memref<10112x128xf32, #tpu.memory_space<vmem_shared>> -> memref<64x128xf32, #tpu.memory_space<vmem_shared>>
      %dma_start3A_206 = arith.constant 0 : i32
      %dma_start3A_207 = tpu.memref_slice %arg26[%add3A_82, %dma_start3A_206] : memref<10112x128xf32, #tpu.memory_space<vmem_shared>> -> memref<64x128xf32, #tpu.memory_space<vmem_shared>>
      tpu.enqueue_dma source(%arg10 : memref<64x128xf32, #tpu.memory_space<vmem>>) target(%dma_start3A_207 : memref<64x128xf32, #tpu.memory_space<vmem_shared>>) target_semaphore(%run_scoped3A : memref<!tpu.dma_semaphore, #tpu.memory_space<semaphore_mem>>)
      %dma_wait3A_208 = arith.constant 0 : i32
      %dma_wait3A_209 = tpu.memref_slice %arg26[%add3A_82, %dma_wait3A_208] : memref<10112x128xf32, #tpu.memory_space<vmem_shared>> -> memref<64x128xf32, #tpu.memory_space<vmem_shared>>
      %dma_wait3A_210 = arith.constant 0 : i32
      %dma_wait3A_211 = tpu.memref_slice %arg26[%add3A_82, %dma_wait3A_210] : memref<10112x128xf32, #tpu.memory_space<vmem_shared>> -> memref<64x128xf32, #tpu.memory_space<vmem_shared>>
      tpu.wait_dma2 semaphore(%run_scoped3A : memref<!tpu.dma_semaphore, #tpu.memory_space<semaphore_mem>>) src(%arg10 : memref<64x128xf32, #tpu.memory_space<vmem>>) dst(%dma_wait3A_211 : memref<64x128xf32, #tpu.memory_space<vmem_shared>>)
      tpu.yield
    }) : () -> ()
    %add3A_83 = arith.constant 192 : i32
    %add3A_84 = arith.addi %mul3A_0, %add3A_83 : i32
    "tpu.region"() ({
      %run_scoped3A = tpu.sem_alloc : memref<!tpu.dma_semaphore, #tpu.memory_space<semaphore_mem>>
      %dma_start3A_204 = arith.constant 0 : i32
      %dma_start3A_205 = tpu.memref_slice %arg26[%add3A_84, %dma_start3A_204] : memref<10112x128xf32, #tpu.memory_space<vmem_shared>> -> memref<64x128xf32, #tpu.memory_space<vmem_shared>>
      %dma_start3A_206 = arith.constant 0 : i32
      %dma_start3A_207 = tpu.memref_slice %arg26[%add3A_84, %dma_start3A_206] : memref<10112x128xf32, #tpu.memory_space<vmem_shared>> -> memref<64x128xf32, #tpu.memory_space<vmem_shared>>
      tpu.enqueue_dma source(%arg10 : memref<64x128xf32, #tpu.memory_space<vmem>>) target(%dma_start3A_207 : memref<64x128xf32, #tpu.memory_space<vmem_shared>>) target_semaphore(%run_scoped3A : memref<!tpu.dma_semaphore, #tpu.memory_space<semaphore_mem>>)
      %dma_wait3A_208 = arith.constant 0 : i32
      %dma_wait3A_209 = tpu.memref_slice %arg26[%add3A_84, %dma_wait3A_208] : memref<10112x128xf32, #tpu.memory_space<vmem_shared>> -> memref<64x128xf32, #tpu.memory_space<vmem_shared>>
      %dma_wait3A_210 = arith.constant 0 : i32
      %dma_wait3A_211 = tpu.memref_slice %arg26[%add3A_84, %dma_wait3A_210] : memref<10112x128xf32, #tpu.memory_space<vmem_shared>> -> memref<64x128xf32, #tpu.memory_space<vmem_shared>>
      tpu.wait_dma2 semaphore(%run_scoped3A : memref<!tpu.dma_semaphore, #tpu.memory_space<semaphore_mem>>) src(%arg10 : memref<64x128xf32, #tpu.memory_space<vmem>>) dst(%dma_wait3A_211 : memref<64x128xf32, #tpu.memory_space<vmem_shared>>)
      tpu.yield
    }) : () -> ()
    %add3A_85 = arith.constant 256 : i32
    %add3A_86 = arith.addi %mul3A_0, %add3A_85 : i32
    "tpu.region"() ({
      %run_scoped3A = tpu.sem_alloc : memref<!tpu.dma_semaphore, #tpu.memory_space<semaphore_mem>>
      %dma_start3A_204 = arith.constant 0 : i32
      %dma_start3A_205 = tpu.memref_slice %arg26[%add3A_86, %dma_start3A_204] : memref<10112x128xf32, #tpu.memory_space<vmem_shared>> -> memref<64x128xf32, #tpu.memory_space<vmem_shared>>
      %dma_start3A_206 = arith.constant 0 : i32
      %dma_start3A_207 = tpu.memref_slice %arg26[%add3A_86, %dma_start3A_206] : memref<10112x128xf32, #tpu.memory_space<vmem_shared>> -> memref<64x128xf32, #tpu.memory_space<vmem_shared>>
      tpu.enqueue_dma source(%arg10 : memref<64x128xf32, #tpu.memory_space<vmem>>) target(%dma_start3A_207 : memref<64x128xf32, #tpu.memory_space<vmem_shared>>) target_semaphore(%run_scoped3A : memref<!tpu.dma_semaphore, #tpu.memory_space<semaphore_mem>>)
      %dma_wait3A_208 = arith.constant 0 : i32
      %dma_wait3A_209 = tpu.memref_slice %arg26[%add3A_86, %dma_wait3A_208] : memref<10112x128xf32, #tpu.memory_space<vmem_shared>> -> memref<64x128xf32, #tpu.memory_space<vmem_shared>>
      %dma_wait3A_210 = arith.constant 0 : i32
      %dma_wait3A_211 = tpu.memref_slice %arg26[%add3A_86, %dma_wait3A_210] : memref<10112x128xf32, #tpu.memory_space<vmem_shared>> -> memref<64x128xf32, #tpu.memory_space<vmem_shared>>
      tpu.wait_dma2 semaphore(%run_scoped3A : memref<!tpu.dma_semaphore, #tpu.memory_space<semaphore_mem>>) src(%arg10 : memref<64x128xf32, #tpu.memory_space<vmem>>) dst(%dma_wait3A_211 : memref<64x128xf32, #tpu.memory_space<vmem_shared>>)
      tpu.yield
    }) : () -> ()
    %add3A_87 = arith.constant 320 : i32
    %add3A_88 = arith.addi %mul3A_0, %add3A_87 : i32
    "tpu.region"() ({
      %run_scoped3A = tpu.sem_alloc : memref<!tpu.dma_semaphore, #tpu.memory_space<semaphore_mem>>
      %dma_start3A_204 = arith.constant 0 : i32
      %dma_start3A_205 = tpu.memref_slice %arg26[%add3A_88, %dma_start3A_204] : memref<10112x128xf32, #tpu.memory_space<vmem_shared>> -> memref<64x128xf32, #tpu.memory_space<vmem_shared>>
      %dma_start3A_206 = arith.constant 0 : i32
      %dma_start3A_207 = tpu.memref_slice %arg26[%add3A_88, %dma_start3A_206] : memref<10112x128xf32, #tpu.memory_space<vmem_shared>> -> memref<64x128xf32, #tpu.memory_space<vmem_shared>>
      tpu.enqueue_dma source(%arg10 : memref<64x128xf32, #tpu.memory_space<vmem>>) target(%dma_start3A_207 : memref<64x128xf32, #tpu.memory_space<vmem_shared>>) target_semaphore(%run_scoped3A : memref<!tpu.dma_semaphore, #tpu.memory_space<semaphore_mem>>)
      %dma_wait3A_208 = arith.constant 0 : i32
      %dma_wait3A_209 = tpu.memref_slice %arg26[%add3A_88, %dma_wait3A_208] : memref<10112x128xf32, #tpu.memory_space<vmem_shared>> -> memref<64x128xf32, #tpu.memory_space<vmem_shared>>
      %dma_wait3A_210 = arith.constant 0 : i32
      %dma_wait3A_211 = tpu.memref_slice %arg26[%add3A_88, %dma_wait3A_210] : memref<10112x128xf32, #tpu.memory_space<vmem_shared>> -> memref<64x128xf32, #tpu.memory_space<vmem_shared>>
      tpu.wait_dma2 semaphore(%run_scoped3A : memref<!tpu.dma_semaphore, #tpu.memory_space<semaphore_mem>>) src(%arg10 : memref<64x128xf32, #tpu.memory_space<vmem>>) dst(%dma_wait3A_211 : memref<64x128xf32, #tpu.memory_space<vmem_shared>>)
      tpu.yield
    }) : () -> ()
    %add3A_89 = arith.constant 384 : i32
    %add3A_90 = arith.addi %mul3A_0, %add3A_89 : i32
    "tpu.region"() ({
      %run_scoped3A = tpu.sem_alloc : memref<!tpu.dma_semaphore, #tpu.memory_space<semaphore_mem>>
      %dma_start3A_204 = arith.constant 0 : i32
      %dma_start3A_205 = tpu.memref_slice %arg26[%add3A_90, %dma_start3A_204] : memref<10112x128xf32, #tpu.memory_space<vmem_shared>> -> memref<64x128xf32, #tpu.memory_space<vmem_shared>>
      %dma_start3A_206 = arith.constant 0 : i32
      %dma_start3A_207 = tpu.memref_slice %arg26[%add3A_90, %dma_start3A_206] : memref<10112x128xf32, #tpu.memory_space<vmem_shared>> -> memref<64x128xf32, #tpu.memory_space<vmem_shared>>
      tpu.enqueue_dma source(%arg10 : memref<64x128xf32, #tpu.memory_space<vmem>>) target(%dma_start3A_207 : memref<64x128xf32, #tpu.memory_space<vmem_shared>>) target_semaphore(%run_scoped3A : memref<!tpu.dma_semaphore, #tpu.memory_space<semaphore_mem>>)
      %dma_wait3A_208 = arith.constant 0 : i32
      %dma_wait3A_209 = tpu.memref_slice %arg26[%add3A_90, %dma_wait3A_208] : memref<10112x128xf32, #tpu.memory_space<vmem_shared>> -> memref<64x128xf32, #tpu.memory_space<vmem_shared>>
      %dma_wait3A_210 = arith.constant 0 : i32
      %dma_wait3A_211 = tpu.memref_slice %arg26[%add3A_90, %dma_wait3A_210] : memref<10112x128xf32, #tpu.memory_space<vmem_shared>> -> memref<64x128xf32, #tpu.memory_space<vmem_shared>>
      tpu.wait_dma2 semaphore(%run_scoped3A : memref<!tpu.dma_semaphore, #tpu.memory_space<semaphore_mem>>) src(%arg10 : memref<64x128xf32, #tpu.memory_space<vmem>>) dst(%dma_wait3A_211 : memref<64x128xf32, #tpu.memory_space<vmem_shared>>)
      tpu.yield
    }) : () -> ()
    %add3A_91 = arith.constant 448 : i32
    %add3A_92 = arith.addi %mul3A_0, %add3A_91 : i32
    "tpu.region"() ({
      %run_scoped3A = tpu.sem_alloc : memref<!tpu.dma_semaphore, #tpu.memory_space<semaphore_mem>>
      %dma_start3A_204 = arith.constant 0 : i32
      %dma_start3A_205 = tpu.memref_slice %arg26[%add3A_92, %dma_start3A_204] : memref<10112x128xf32, #tpu.memory_space<vmem_shared>> -> memref<64x128xf32, #tpu.memory_space<vmem_shared>>
      %dma_start3A_206 = arith.constant 0 : i32
      %dma_start3A_207 = tpu.memref_slice %arg26[%add3A_92, %dma_start3A_206] : memref<10112x128xf32, #tpu.memory_space<vmem_shared>> -> memref<64x128xf32, #tpu.memory_space<vmem_shared>>
      tpu.enqueue_dma source(%arg10 : memref<64x128xf32, #tpu.memory_space<vmem>>) target(%dma_start3A_207 : memref<64x128xf32, #tpu.memory_space<vmem_shared>>) target_semaphore(%run_scoped3A : memref<!tpu.dma_semaphore, #tpu.memory_space<semaphore_mem>>)
      %dma_wait3A_208 = arith.constant 0 : i32
      %dma_wait3A_209 = tpu.memref_slice %arg26[%add3A_92, %dma_wait3A_208] : memref<10112x128xf32, #tpu.memory_space<vmem_shared>> -> memref<64x128xf32, #tpu.memory_space<vmem_shared>>
      %dma_wait3A_210 = arith.constant 0 : i32
      %dma_wait3A_211 = tpu.memref_slice %arg26[%add3A_92, %dma_wait3A_210] : memref<10112x128xf32, #tpu.memory_space<vmem_shared>> -> memref<64x128xf32, #tpu.memory_space<vmem_shared>>
      tpu.wait_dma2 semaphore(%run_scoped3A : memref<!tpu.dma_semaphore, #tpu.memory_space<semaphore_mem>>) src(%arg10 : memref<64x128xf32, #tpu.memory_space<vmem>>) dst(%dma_wait3A_211 : memref<64x128xf32, #tpu.memory_space<vmem_shared>>)
      tpu.yield
    }) : () -> ()
    %add3A_93 = arith.constant 512 : i32
    %add3A_94 = arith.addi %mul3A_0, %add3A_93 : i32
    "tpu.region"() ({
      %run_scoped3A = tpu.sem_alloc : memref<!tpu.dma_semaphore, #tpu.memory_space<semaphore_mem>>
      %dma_start3A_204 = arith.constant 0 : i32
      %dma_start3A_205 = tpu.memref_slice %arg26[%add3A_94, %dma_start3A_204] : memref<10112x128xf32, #tpu.memory_space<vmem_shared>> -> memref<64x128xf32, #tpu.memory_space<vmem_shared>>
      %dma_start3A_206 = arith.constant 0 : i32
      %dma_start3A_207 = tpu.memref_slice %arg26[%add3A_94, %dma_start3A_206] : memref<10112x128xf32, #tpu.memory_space<vmem_shared>> -> memref<64x128xf32, #tpu.memory_space<vmem_shared>>
      tpu.enqueue_dma source(%arg10 : memref<64x128xf32, #tpu.memory_space<vmem>>) target(%dma_start3A_207 : memref<64x128xf32, #tpu.memory_space<vmem_shared>>) target_semaphore(%run_scoped3A : memref<!tpu.dma_semaphore, #tpu.memory_space<semaphore_mem>>)
      %dma_wait3A_208 = arith.constant 0 : i32
      %dma_wait3A_209 = tpu.memref_slice %arg26[%add3A_94, %dma_wait3A_208] : memref<10112x128xf32, #tpu.memory_space<vmem_shared>> -> memref<64x128xf32, #tpu.memory_space<vmem_shared>>
      %dma_wait3A_210 = arith.constant 0 : i32
      %dma_wait3A_211 = tpu.memref_slice %arg26[%add3A_94, %dma_wait3A_210] : memref<10112x128xf32, #tpu.memory_space<vmem_shared>> -> memref<64x128xf32, #tpu.memory_space<vmem_shared>>
      tpu.wait_dma2 semaphore(%run_scoped3A : memref<!tpu.dma_semaphore, #tpu.memory_space<semaphore_mem>>) src(%arg10 : memref<64x128xf32, #tpu.memory_space<vmem>>) dst(%dma_wait3A_211 : memref<64x128xf32, #tpu.memory_space<vmem_shared>>)
      tpu.yield
    }) : () -> ()
    %add3A_95 = arith.constant 576 : i32
    %add3A_96 = arith.addi %mul3A_0, %add3A_95 : i32
    "tpu.region"() ({
      %run_scoped3A = tpu.sem_alloc : memref<!tpu.dma_semaphore, #tpu.memory_space<semaphore_mem>>
      %dma_start3A_204 = arith.constant 0 : i32
      %dma_start3A_205 = arith.constant 0 : i32
      %dma_start3A_206 = tpu.memref_slice %arg10[%dma_start3A_204, %dma_start3A_205] : memref<64x128xf32, #tpu.memory_space<vmem>> -> memref<56x128xf32, #tpu.memory_space<vmem>>
      %dma_start3A_207 = arith.constant 0 : i32
      %dma_start3A_208 = tpu.memref_slice %arg26[%add3A_96, %dma_start3A_207] : memref<10112x128xf32, #tpu.memory_space<vmem_shared>> -> memref<56x128xf32, #tpu.memory_space<vmem_shared>>
      %dma_start3A_209 = arith.constant 0 : i32
      %dma_start3A_210 = tpu.memref_slice %arg26[%add3A_96, %dma_start3A_209] : memref<10112x128xf32, #tpu.memory_space<vmem_shared>> -> memref<56x128xf32, #tpu.memory_space<vmem_shared>>
      %dma_start3A_211 = arith.constant 0 : i32
      %dma_start3A_212 = arith.constant 0 : i32
      %dma_start3A_213 = tpu.memref_slice %arg10[%dma_start3A_211, %dma_start3A_212] : memref<64x128xf32, #tpu.memory_space<vmem>> -> memref<56x128xf32, #tpu.memory_space<vmem>>
      tpu.enqueue_dma source(%dma_start3A_213 : memref<56x128xf32, #tpu.memory_space<vmem>>) target(%dma_start3A_210 : memref<56x128xf32, #tpu.memory_space<vmem_shared>>) target_semaphore(%run_scoped3A : memref<!tpu.dma_semaphore, #tpu.memory_space<semaphore_mem>>)
      %dma_wait3A_214 = arith.constant 0 : i32
      %dma_wait3A_215 = arith.constant 0 : i32
      %dma_wait3A_216 = tpu.memref_slice %arg10[%dma_wait3A_214, %dma_wait3A_215] : memref<64x128xf32, #tpu.memory_space<vmem>> -> memref<56x128xf32, #tpu.memory_space<vmem>>
      %dma_wait3A_217 = arith.constant 0 : i32
      %dma_wait3A_218 = tpu.memref_slice %arg26[%add3A_96, %dma_wait3A_217] : memref<10112x128xf32, #tpu.memory_space<vmem_shared>> -> memref<56x128xf32, #tpu.memory_space<vmem_shared>>
      %dma_wait3A_219 = arith.constant 0 : i32
      %dma_wait3A_220 = tpu.memref_slice %arg26[%add3A_96, %dma_wait3A_219] : memref<10112x128xf32, #tpu.memory_space<vmem_shared>> -> memref<56x128xf32, #tpu.memory_space<vmem_shared>>
      %dma_wait3A_221 = arith.constant 0 : i32
      %dma_wait3A_222 = arith.constant 0 : i32
      %dma_wait3A_223 = tpu.memref_slice %arg10[%dma_wait3A_221, %dma_wait3A_222] : memref<64x128xf32, #tpu.memory_space<vmem>> -> memref<56x128xf32, #tpu.memory_space<vmem>>
      tpu.wait_dma2 semaphore(%run_scoped3A : memref<!tpu.dma_semaphore, #tpu.memory_space<semaphore_mem>>) src(%dma_wait3A_223 : memref<56x128xf32, #tpu.memory_space<vmem>>) dst(%dma_wait3A_220 : memref<56x128xf32, #tpu.memory_space<vmem_shared>>)
      tpu.yield
    }) : () -> ()
    %barrier3A_97 = arith.constant 0 : index
    tpu.barrier barrier_id(%barrier3A_97)
    %mul3A_98 = arith.constant 160 : i32
    %mul3A_99 = arith.muli %arg1, %mul3A_98 : i32
    %mul3A_100 = arith.constant 64 : i32
    %mul3A_101 = arith.muli %mul3A_99, %mul3A_100 : i32
    %dma_start3A_102 = arith.constant 0 : i32
    %dma_start3A_103 = tpu.memref_slice %arg2[%mul3A_101, %dma_start3A_102] : memref<163840x128xf32, #tpu.memory_space<hbm>> -> memref<64x128xf32, #tpu.memory_space<hbm>>
    %dma_start3A_104 = arith.constant 0 : i32
    %dma_start3A_105 = tpu.memref_slice %arg2[%mul3A_101, %dma_start3A_104] : memref<163840x128xf32, #tpu.memory_space<hbm>> -> memref<64x128xf32, #tpu.memory_space<hbm>>
    tpu.enqueue_dma source(%dma_start3A_105 : memref<64x128xf32, #tpu.memory_space<hbm>>) target(%arg10 : memref<64x128xf32, #tpu.memory_space<vmem>>) target_semaphore(%arg20 : memref<!tpu.dma_semaphore, #tpu.memory_space<semaphore_mem>>)
    %dma_start3A_106 = arith.constant 0 : i32
    %dma_start3A_107 = arith.constant 0 : i32
    %dma_start3A_108 = tpu.memref_slice %arg4[%mul3A_99, %dma_start3A_106, %dma_start3A_107] : memref<2560x1x64xi32, #tpu.memory_space<hbm>> -> memref<1x1x64xi32, #tpu.memory_space<hbm>>
    %dma_start3A_109 = tpu.memref_squeeze %dma_start3A_108 : memref<1x1x64xi32, #tpu.memory_space<hbm>> -> memref<1x64xi32, #tpu.memory_space<hbm>>
    %dma_start3A_110 = arith.constant 0 : i32
    %dma_start3A_111 = arith.constant 0 : i32
    %dma_start3A_112 = tpu.memref_slice %arg4[%mul3A_99, %dma_start3A_110, %dma_start3A_111] : memref<2560x1x64xi32, #tpu.memory_space<hbm>> -> memref<1x1x64xi32, #tpu.memory_space<hbm>>
    %dma_start3A_113 = tpu.memref_squeeze %dma_start3A_112 : memref<1x1x64xi32, #tpu.memory_space<hbm>> -> memref<1x64xi32, #tpu.memory_space<hbm>>
    tpu.enqueue_dma source(%dma_start3A_113 : memref<1x64xi32, #tpu.memory_space<hbm>>) target(%arg14 : memref<1x64xi32, #tpu.memory_space<vmem>>) target_semaphore(%arg20 : memref<!tpu.dma_semaphore, #tpu.memory_space<semaphore_mem>>)
    %dma_start3A_114 = arith.constant 0 : i32
    %dma_start3A_115 = tpu.memref_slice %arg5[%mul3A_99, %dma_start3A_114] : memref<2560x64xi32, #tpu.memory_space<hbm>> -> memref<1x64xi32, #tpu.memory_space<hbm>>
    %dma_start3A_116 = tpu.memref_squeeze %dma_start3A_115 : memref<1x64xi32, #tpu.memory_space<hbm>> -> memref<64xi32, #tpu.memory_space<hbm>>
    %dma_start3A_117 = arith.constant 0 : i32
    %dma_start3A_118 = tpu.memref_slice %arg5[%mul3A_99, %dma_start3A_117] : memref<2560x64xi32, #tpu.memory_space<hbm>> -> memref<1x64xi32, #tpu.memory_space<hbm>>
    %dma_start3A_119 = tpu.memref_squeeze %dma_start3A_118 : memref<1x64xi32, #tpu.memory_space<hbm>> -> memref<64xi32, #tpu.memory_space<hbm>>
    tpu.enqueue_dma source(%dma_start3A_119 : memref<64xi32, #tpu.memory_space<hbm>>) target(%arg16 : memref<64xi32, #tpu.memory_space<vmem>>) target_semaphore(%arg20 : memref<!tpu.dma_semaphore, #tpu.memory_space<semaphore_mem>>)
    %scan3A_120 = arith.constant 0 : i32
    %scan3A_121 = arith.constant 0 : i32
    %scan3A_122 = arith.constant 80 : i32
    %scan3A_123 = arith.addi %scan3A_121, %scan3A_122 : i32
    %scan3A_124 = arith.constant 1 : i32
    %scan3A_125 = scf.for %scan3A_204 = %scan3A_121 to %scan3A_123 step %scan3A_124 iter_args(%scan3A_205 = %scan3A_120) -> (i32)  : i32 {
      %mul3A_206 = arith.constant 2 : i32
      %mul3A_207 = arith.muli %mul3A_206, %scan3A_204 : i32
      %add3A_208 = arith.addi %mul3A_99, %mul3A_207 : i32
      %add3A_209 = arith.constant 1 : i32
      %add3A_210 = arith.addi %add3A_208, %add3A_209 : i32
      %mul3A_211 = arith.constant 64 : i32
      %mul3A_212 = arith.muli %add3A_208, %mul3A_211 : i32
      %dma_wait3A_213 = arith.constant 0 : i32
      %dma_wait3A_214 = tpu.memref_slice %arg2[%mul3A_212, %dma_wait3A_213] : memref<163840x128xf32, #tpu.memory_space<hbm>> -> memref<64x128xf32, #tpu.memory_space<hbm>>
      %dma_wait3A_215 = arith.constant 0 : i32
      %dma_wait3A_216 = tpu.memref_slice %arg2[%mul3A_212, %dma_wait3A_215] : memref<163840x128xf32, #tpu.memory_space<hbm>> -> memref<64x128xf32, #tpu.memory_space<hbm>>
      tpu.wait_dma2 semaphore(%arg20 : memref<!tpu.dma_semaphore, #tpu.memory_space<semaphore_mem>>) src(%dma_wait3A_216 : memref<64x128xf32, #tpu.memory_space<hbm>>) dst(%arg10 : memref<64x128xf32, #tpu.memory_space<vmem>>)
      %dma_wait3A_217 = arith.constant 0 : i32
      %dma_wait3A_218 = arith.constant 0 : i32
      %dma_wait3A_219 = tpu.memref_slice %arg4[%add3A_208, %dma_wait3A_217, %dma_wait3A_218] : memref<2560x1x64xi32, #tpu.memory_space<hbm>> -> memref<1x1x64xi32, #tpu.memory_space<hbm>>
      %dma_wait3A_220 = tpu.memref_squeeze %dma_wait3A_219 : memref<1x1x64xi32, #tpu.memory_space<hbm>> -> memref<1x64xi32, #tpu.memory_space<hbm>>
      %dma_wait3A_221 = arith.constant 0 : i32
      %dma_wait3A_222 = arith.constant 0 : i32
      %dma_wait3A_223 = tpu.memref_slice %arg4[%add3A_208, %dma_wait3A_221, %dma_wait3A_222] : memref<2560x1x64xi32, #tpu.memory_space<hbm>> -> memref<1x1x64xi32, #tpu.memory_space<hbm>>
      %dma_wait3A_224 = tpu.memref_squeeze %dma_wait3A_223 : memref<1x1x64xi32, #tpu.memory_space<hbm>> -> memref<1x64xi32, #tpu.memory_space<hbm>>
      tpu.wait_dma2 semaphore(%arg20 : memref<!tpu.dma_semaphore, #tpu.memory_space<semaphore_mem>>) src(%dma_wait3A_224 : memref<1x64xi32, #tpu.memory_space<hbm>>) dst(%arg14 : memref<1x64xi32, #tpu.memory_space<vmem>>)
      %dma_wait3A_225 = arith.constant 0 : i32
      %dma_wait3A_226 = tpu.memref_slice %arg5[%add3A_208, %dma_wait3A_225] : memref<2560x64xi32, #tpu.memory_space<hbm>> -> memref<1x64xi32, #tpu.memory_space<hbm>>
      %dma_wait3A_227 = tpu.memref_squeeze %dma_wait3A_226 : memref<1x64xi32, #tpu.memory_space<hbm>> -> memref<64xi32, #tpu.memory_space<hbm>>
      %dma_wait3A_228 = arith.constant 0 : i32
      %dma_wait3A_229 = tpu.memref_slice %arg5[%add3A_208, %dma_wait3A_228] : memref<2560x64xi32, #tpu.memory_space<hbm>> -> memref<1x64xi32, #tpu.memory_space<hbm>>
      %dma_wait3A_230 = tpu.memref_squeeze %dma_wait3A_229 : memref<1x64xi32, #tpu.memory_space<hbm>> -> memref<64xi32, #tpu.memory_space<hbm>>
      tpu.wait_dma2 semaphore(%arg20 : memref<!tpu.dma_semaphore, #tpu.memory_space<semaphore_mem>>) src(%dma_wait3A_230 : memref<64xi32, #tpu.memory_space<hbm>>) dst(%arg16 : memref<64xi32, #tpu.memory_space<vmem>>)
      %dma_start3A_231 = arith.constant 0 : i32
      %dma_start3A_232 = arith.constant 0 : i32
      %dma_start3A_233 = tpu.memref_slice %arg6[%add3A_69, %dma_start3A_231, %dma_start3A_232] : memref<4x10000x128xf32, #tpu.memory_space<hbm>> -> memref<1x10000x128xf32, #tpu.memory_space<hbm>>
      %dma_start3A_234 = tpu.memref_squeeze %dma_start3A_233 : memref<1x10000x128xf32, #tpu.memory_space<hbm>> -> memref<10000x128xf32, #tpu.memory_space<hbm>>
      %dma_start3A_235 = arith.constant 0 : i32
      %dma_start3A_236 = arith.constant 0 : i32
      %dma_start3A_237 = tpu.memref_slice %dma_start3A_234[%dma_start3A_235, %dma_start3A_236] : memref<10000x128xf32, #tpu.memory_space<hbm>> -> memref<10000x128xf32, #tpu.memory_space<hbm>>
      tpu.enqueue_indirect_dma source(%dma_start3A_237 : memref<10000x128xf32, #tpu.memory_space<hbm>>) target(%arg12 : memref<64x128xf32, #tpu.memory_space<vmem>>) offsets(%arg16 : memref<64xi32, #tpu.memory_space<vmem>>) semaphore(%arg22 : memref<!tpu.dma_semaphore, #tpu.memory_space<semaphore_mem>>)
      %gt3A = arith.constant 0 : i32
      %gt3A_238 = arith.cmpi sgt, %scan3A_204, %gt3A : i32
      %convert_element_type3A = arith.extui %gt3A_238 : i1 to i32
      %cond3A = arith.constant 0 : i32
      %cond3A_239 = arith.cmpi ne, %convert_element_type3A, %cond3A : i32
      scf.if %cond3A_239 {
        %dma_wait3A_343 = arith.constant 0 : i32
        %dma_wait3A_344 = arith.constant 0 : i32
        %dma_wait3A_345 = tpu.memref_slice %arg15[%dma_wait3A_343, %dma_wait3A_344] : memref<1x64xi32, #tpu.memory_space<vmem>> -> memref<1x64xi32, #tpu.memory_space<vmem>>
        %dma_wait3A_346 = tpu.memref_squeeze %dma_wait3A_345 : memref<1x64xi32, #tpu.memory_space<vmem>> -> memref<64xi32, #tpu.memory_space<vmem>>
        %dma_wait3A_347 = arith.constant 0 : i32
        %dma_wait3A_348 = arith.constant 0 : i32
        %dma_wait3A_349 = tpu.memref_slice %arg26[%dma_wait3A_347, %dma_wait3A_348] : memref<10112x128xf32, #tpu.memory_space<vmem_shared>> -> memref<10112x128xf32, #tpu.memory_space<vmem_shared>>
        tpu.wait_indirect_dma semaphore(%arg25 : memref<!tpu.dma_semaphore, #tpu.memory_space<semaphore_mem>>) src(%arg11 : memref<64x128xf32, #tpu.memory_space<vmem>>) dst(%dma_wait3A_349 : memref<10112x128xf32, #tpu.memory_space<vmem_shared>>)
      } else {
      }
      %mul3A_240 = arith.constant 64 : i32
      %mul3A_241 = arith.muli %add3A_210, %mul3A_240 : i32
      %dma_start3A_242 = arith.constant 0 : i32
      %dma_start3A_243 = tpu.memref_slice %arg2[%mul3A_241, %dma_start3A_242] : memref<163840x128xf32, #tpu.memory_space<hbm>> -> memref<64x128xf32, #tpu.memory_space<hbm>>
      %dma_start3A_244 = arith.constant 0 : i32
      %dma_start3A_245 = tpu.memref_slice %arg2[%mul3A_241, %dma_start3A_244] : memref<163840x128xf32, #tpu.memory_space<hbm>> -> memref<64x128xf32, #tpu.memory_space<hbm>>
      tpu.enqueue_dma source(%dma_start3A_245 : memref<64x128xf32, #tpu.memory_space<hbm>>) target(%arg11 : memref<64x128xf32, #tpu.memory_space<vmem>>) target_semaphore(%arg21 : memref<!tpu.dma_semaphore, #tpu.memory_space<semaphore_mem>>)
      %dma_start3A_246 = arith.constant 0 : i32
      %dma_start3A_247 = arith.constant 0 : i32
      %dma_start3A_248 = tpu.memref_slice %arg4[%add3A_210, %dma_start3A_246, %dma_start3A_247] : memref<2560x1x64xi32, #tpu.memory_space<hbm>> -> memref<1x1x64xi32, #tpu.memory_space<hbm>>
      %dma_start3A_249 = tpu.memref_squeeze %dma_start3A_248 : memref<1x1x64xi32, #tpu.memory_space<hbm>> -> memref<1x64xi32, #tpu.memory_space<hbm>>
      %dma_start3A_250 = arith.constant 0 : i32
      %dma_start3A_251 = arith.constant 0 : i32
      %dma_start3A_252 = tpu.memref_slice %arg4[%add3A_210, %dma_start3A_250, %dma_start3A_251] : memref<2560x1x64xi32, #tpu.memory_space<hbm>> -> memref<1x1x64xi32, #tpu.memory_space<hbm>>
      %dma_start3A_253 = tpu.memref_squeeze %dma_start3A_252 : memref<1x1x64xi32, #tpu.memory_space<hbm>> -> memref<1x64xi32, #tpu.memory_space<hbm>>
      tpu.enqueue_dma source(%dma_start3A_253 : memref<1x64xi32, #tpu.memory_space<hbm>>) target(%arg15 : memref<1x64xi32, #tpu.memory_space<vmem>>) target_semaphore(%arg21 : memref<!tpu.dma_semaphore, #tpu.memory_space<semaphore_mem>>)
      %dma_start3A_254 = arith.constant 0 : i32
      %dma_start3A_255 = tpu.memref_slice %arg5[%add3A_210, %dma_start3A_254] : memref<2560x64xi32, #tpu.memory_space<hbm>> -> memref<1x64xi32, #tpu.memory_space<hbm>>
      %dma_start3A_256 = tpu.memref_squeeze %dma_start3A_255 : memref<1x64xi32, #tpu.memory_space<hbm>> -> memref<64xi32, #tpu.memory_space<hbm>>
      %dma_start3A_257 = arith.constant 0 : i32
      %dma_start3A_258 = tpu.memref_slice %arg5[%add3A_210, %dma_start3A_257] : memref<2560x64xi32, #tpu.memory_space<hbm>> -> memref<1x64xi32, #tpu.memory_space<hbm>>
      %dma_start3A_259 = tpu.memref_squeeze %dma_start3A_258 : memref<1x64xi32, #tpu.memory_space<hbm>> -> memref<64xi32, #tpu.memory_space<hbm>>
      tpu.enqueue_dma source(%dma_start3A_259 : memref<64xi32, #tpu.memory_space<hbm>>) target(%arg17 : memref<64xi32, #tpu.memory_space<vmem>>) target_semaphore(%arg21 : memref<!tpu.dma_semaphore, #tpu.memory_space<semaphore_mem>>)
      %dma_wait3A_260 = arith.constant 0 : i32
      %dma_wait3A_261 = arith.constant 0 : i32
      %dma_wait3A_262 = tpu.memref_slice %arg6[%add3A_69, %dma_wait3A_260, %dma_wait3A_261] : memref<4x10000x128xf32, #tpu.memory_space<hbm>> -> memref<1x10000x128xf32, #tpu.memory_space<hbm>>
      %dma_wait3A_263 = tpu.memref_squeeze %dma_wait3A_262 : memref<1x10000x128xf32, #tpu.memory_space<hbm>> -> memref<10000x128xf32, #tpu.memory_space<hbm>>
      %dma_wait3A_264 = arith.constant 0 : i32
      %dma_wait3A_265 = arith.constant 0 : i32
      %dma_wait3A_266 = tpu.memref_slice %dma_wait3A_263[%dma_wait3A_264, %dma_wait3A_265] : memref<10000x128xf32, #tpu.memory_space<hbm>> -> memref<10000x128xf32, #tpu.memory_space<hbm>>
      tpu.wait_indirect_dma semaphore(%arg22 : memref<!tpu.dma_semaphore, #tpu.memory_space<semaphore_mem>>) src(%dma_wait3A_266 : memref<10000x128xf32, #tpu.memory_space<hbm>>) dst(%arg12 : memref<64x128xf32, #tpu.memory_space<vmem>>)
      %scan3A_267 = arith.constant 0 : i32
      %scan3A_268 = arith.constant 0 : i32
      %scan3A_269 = arith.constant 64 : i32
      %scan3A_270 = arith.addi %scan3A_268, %scan3A_269 : i32
      %scan3A_271 = arith.constant 1 : i32
      %scan3A_272 = scf.for %scan3A_343 = %scan3A_268 to %scan3A_270 step %scan3A_271 iter_args(%scan3A_344 = %scan3A_267) -> (i32)  : i32 {
        %get3A = arith.index_cast %scan3A_343 : i32 to index
        %get3A_345 = arith.constant 0 : index
        %get3A_346 = tpu.vector_load %arg12[%get3A, %get3A_345] {strides = array<i32>} : memref<64x128xf32, #tpu.memory_space<vmem>>, vector<1x16xf32>,
        %get3A_347 = vector.shape_cast %get3A_346 : vector<1x16xf32> to vector<16xf32>
        %get3A_348 = arith.index_cast %scan3A_343 : i32 to index
        %get3A_349 = arith.constant 0 : index
        %get3A_350 = tpu.vector_load %arg10[%get3A_348, %get3A_349] {strides = array<i32>} : memref<64x128xf32, #tpu.memory_space<vmem>>, vector<1x16xf32>,
        %get3A_351 = vector.shape_cast %get3A_350 : vector<1x16xf32> to vector<16xf32>
        %get3A_352 = arith.index_cast %scan3A_343 : i32 to index
        %get3A_353 = arith.constant 16 : index
        %get3A_354 = tpu.vector_load %arg10[%get3A_352, %get3A_353] {strides = array<i32>} : memref<64x128xf32, #tpu.memory_space<vmem>>, vector<1x16xf32>,
        %get3A_355 = vector.shape_cast %get3A_354 : vector<1x16xf32> to vector<16xf32>
        %get3A_356 = arith.index_cast %scan3A_343 : i32 to index
        %get3A_357 = arith.constant 32 : index
        %get3A_358 = tpu.vector_load %arg10[%get3A_356, %get3A_357] {strides = array<i32>} : memref<64x128xf32, #tpu.memory_space<vmem>>, vector<1x16xf32>,
        %get3A_359 = vector.shape_cast %get3A_358 : vector<1x16xf32> to vector<16xf32>
        %get3A_360 = arith.index_cast %scan3A_343 : i32 to index
        %get3A_361 = arith.constant 48 : index
        %get3A_362 = tpu.vector_load %arg10[%get3A_360, %get3A_361] {strides = array<i32>} : memref<64x128xf32, #tpu.memory_space<vmem>>, vector<1x16xf32>,
        %get3A_363 = vector.shape_cast %get3A_362 : vector<1x16xf32> to vector<16xf32>
        %get3A_364 = arith.index_cast %scan3A_343 : i32 to index
        %get3A_365 = arith.constant 64 : index
        %get3A_366 = tpu.vector_load %arg10[%get3A_364, %get3A_365] {strides = array<i32>} : memref<64x128xf32, #tpu.memory_space<vmem>>, vector<1x16xf32>,
        %get3A_367 = vector.shape_cast %get3A_366 : vector<1x16xf32> to vector<16xf32>
        %get3A_368 = arith.index_cast %scan3A_343 : i32 to index
        %get3A_369 = arith.constant 80 : index
        %get3A_370 = tpu.vector_load %arg10[%get3A_368, %get3A_369] {strides = array<i32>} : memref<64x128xf32, #tpu.memory_space<vmem>>, vector<1x16xf32>,
        %get3A_371 = vector.shape_cast %get3A_370 : vector<1x16xf32> to vector<16xf32>
        %get3A_372 = arith.index_cast %scan3A_343 : i32 to index
        %get3A_373 = arith.constant 96 : index
        %get3A_374 = tpu.vector_load %arg10[%get3A_372, %get3A_373] {strides = array<i32>} : memref<64x128xf32, #tpu.memory_space<vmem>>, vector<1x16xf32>,
        %get3A_375 = vector.shape_cast %get3A_374 : vector<1x16xf32> to vector<16xf32>
        %get3A_376 = arith.index_cast %scan3A_343 : i32 to index
        %get3A_377 = arith.constant 112 : index
        %get3A_378 = tpu.vector_load %arg10[%get3A_376, %get3A_377] {strides = array<i32>} : memref<64x128xf32, #tpu.memory_space<vmem>>, vector<1x16xf32>,
        %get3A_379 = vector.shape_cast %get3A_378 : vector<1x16xf32> to vector<16xf32>
        %mul3A_380 = arith.mulf %get3A_351, %get3A_347 : vector<16xf32>
        %mul3A_381 = arith.mulf %get3A_355, %get3A_347 : vector<16xf32>
        %mul3A_382 = arith.mulf %get3A_359, %get3A_347 : vector<16xf32>
        %mul3A_383 = arith.mulf %get3A_363, %get3A_347 : vector<16xf32>
        %mul3A_384 = arith.mulf %get3A_367, %get3A_347 : vector<16xf32>
        %mul3A_385 = arith.mulf %get3A_371, %get3A_347 : vector<16xf32>
        %mul3A_386 = arith.mulf %get3A_375, %get3A_347 : vector<16xf32>
        %mul3A_387 = arith.mulf %get3A_379, %get3A_347 : vector<16xf32>
        %swap3A = arith.index_cast %scan3A_343 : i32 to index
        %swap3A_388 = arith.constant 0 : index
        %swap3A_389 = tpu.vector_load %arg10[%swap3A, %swap3A_388] {strides = array<i32>} : memref<64x128xf32, #tpu.memory_space<vmem>>, vector<1x16xf32>,
        %swap3A_390 = vector.shape_cast %swap3A_389 : vector<1x16xf32> to vector<16xf32>
        %swap3A_391 = vector.shape_cast %mul3A_380 : vector<16xf32> to vector<1x16xf32>
        tpu.vector_store %arg10[%swap3A, %swap3A_388], %swap3A_391 {strides = array<i32>} : memref<64x128xf32, #tpu.memory_space<vmem>>, vector<1x16xf32>,
        %swap3A_392 = arith.index_cast %scan3A_343 : i32 to index
        %swap3A_393 = arith.constant 16 : index
        %swap3A_394 = tpu.vector_load %arg10[%swap3A_392, %swap3A_393] {strides = array<i32>} : memref<64x128xf32, #tpu.memory_space<vmem>>, vector<1x16xf32>,
        %swap3A_395 = vector.shape_cast %swap3A_394 : vector<1x16xf32> to vector<16xf32>
        %swap3A_396 = vector.shape_cast %mul3A_381 : vector<16xf32> to vector<1x16xf32>
        tpu.vector_store %arg10[%swap3A_392, %swap3A_393], %swap3A_396 {strides = array<i32>} : memref<64x128xf32, #tpu.memory_space<vmem>>, vector<1x16xf32>,
        %swap3A_397 = arith.index_cast %scan3A_343 : i32 to index
        %swap3A_398 = arith.constant 32 : index
        %swap3A_399 = tpu.vector_load %arg10[%swap3A_397, %swap3A_398] {strides = array<i32>} : memref<64x128xf32, #tpu.memory_space<vmem>>, vector<1x16xf32>,
        %swap3A_400 = vector.shape_cast %swap3A_399 : vector<1x16xf32> to vector<16xf32>
        %swap3A_401 = vector.shape_cast %mul3A_382 : vector<16xf32> to vector<1x16xf32>
        tpu.vector_store %arg10[%swap3A_397, %swap3A_398], %swap3A_401 {strides = array<i32>} : memref<64x128xf32, #tpu.memory_space<vmem>>, vector<1x16xf32>,
        %swap3A_402 = arith.index_cast %scan3A_343 : i32 to index
        %swap3A_403 = arith.constant 48 : index
        %swap3A_404 = tpu.vector_load %arg10[%swap3A_402, %swap3A_403] {strides = array<i32>} : memref<64x128xf32, #tpu.memory_space<vmem>>, vector<1x16xf32>,
        %swap3A_405 = vector.shape_cast %swap3A_404 : vector<1x16xf32> to vector<16xf32>
        %swap3A_406 = vector.shape_cast %mul3A_383 : vector<16xf32> to vector<1x16xf32>
        tpu.vector_store %arg10[%swap3A_402, %swap3A_403], %swap3A_406 {strides = array<i32>} : memref<64x128xf32, #tpu.memory_space<vmem>>, vector<1x16xf32>,
        %swap3A_407 = arith.index_cast %scan3A_343 : i32 to index
        %swap3A_408 = arith.constant 64 : index
        %swap3A_409 = tpu.vector_load %arg10[%swap3A_407, %swap3A_408] {strides = array<i32>} : memref<64x128xf32, #tpu.memory_space<vmem>>, vector<1x16xf32>,
        %swap3A_410 = vector.shape_cast %swap3A_409 : vector<1x16xf32> to vector<16xf32>
        %swap3A_411 = vector.shape_cast %mul3A_384 : vector<16xf32> to vector<1x16xf32>
        tpu.vector_store %arg10[%swap3A_407, %swap3A_408], %swap3A_411 {strides = array<i32>} : memref<64x128xf32, #tpu.memory_space<vmem>>, vector<1x16xf32>,
        %swap3A_412 = arith.index_cast %scan3A_343 : i32 to index
        %swap3A_413 = arith.constant 80 : index
        %swap3A_414 = tpu.vector_load %arg10[%swap3A_412, %swap3A_413] {strides = array<i32>} : memref<64x128xf32, #tpu.memory_space<vmem>>, vector<1x16xf32>,
        %swap3A_415 = vector.shape_cast %swap3A_414 : vector<1x16xf32> to vector<16xf32>
        %swap3A_416 = vector.shape_cast %mul3A_385 : vector<16xf32> to vector<1x16xf32>
        tpu.vector_store %arg10[%swap3A_412, %swap3A_413], %swap3A_416 {strides = array<i32>} : memref<64x128xf32, #tpu.memory_space<vmem>>, vector<1x16xf32>,
        %swap3A_417 = arith.index_cast %scan3A_343 : i32 to index
        %swap3A_418 = arith.constant 96 : index
        %swap3A_419 = tpu.vector_load %arg10[%swap3A_417, %swap3A_418] {strides = array<i32>} : memref<64x128xf32, #tpu.memory_space<vmem>>, vector<1x16xf32>,
        %swap3A_420 = vector.shape_cast %swap3A_419 : vector<1x16xf32> to vector<16xf32>
        %swap3A_421 = vector.shape_cast %mul3A_386 : vector<16xf32> to vector<1x16xf32>
        tpu.vector_store %arg10[%swap3A_417, %swap3A_418], %swap3A_421 {strides = array<i32>} : memref<64x128xf32, #tpu.memory_space<vmem>>, vector<1x16xf32>,
        %swap3A_422 = arith.index_cast %scan3A_343 : i32 to index
        %swap3A_423 = arith.constant 112 : index
        %swap3A_424 = tpu.vector_load %arg10[%swap3A_422, %swap3A_423] {strides = array<i32>} : memref<64x128xf32, #tpu.memory_space<vmem>>, vector<1x16xf32>,
        %swap3A_425 = vector.shape_cast %swap3A_424 : vector<1x16xf32> to vector<16xf32>
        %swap3A_426 = vector.shape_cast %mul3A_387 : vector<16xf32> to vector<1x16xf32>
        tpu.vector_store %arg10[%swap3A_422, %swap3A_423], %swap3A_426 {strides = array<i32>} : memref<64x128xf32, #tpu.memory_space<vmem>>, vector<1x16xf32>,
        %scan3A_427 = arith.constant 0 : i32
        scf.yield %scan3A_427 : i32
      }
      %scan3A_273 = arith.constant 64 : i32
      %dma_start3A_274 = arith.constant 0 : i32
      %dma_start3A_275 = arith.constant 0 : i32
      %dma_start3A_276 = tpu.memref_slice %arg14[%dma_start3A_274, %dma_start3A_275] : memref<1x64xi32, #tpu.memory_space<vmem>> -> memref<1x64xi32, #tpu.memory_space<vmem>>
      %dma_start3A_277 = tpu.memref_squeeze %dma_start3A_276 : memref<1x64xi32, #tpu.memory_space<vmem>> -> memref<64xi32, #tpu.memory_space<vmem>>
      %dma_start3A_278 = arith.constant 0 : i32
      %dma_start3A_279 = arith.constant 0 : i32
      %dma_start3A_280 = tpu.memref_slice %arg26[%dma_start3A_278, %dma_start3A_279] : memref<10112x128xf32, #tpu.memory_space<vmem_shared>> -> memref<10112x128xf32, #tpu.memory_space<vmem_shared>>
      tpu.enqueue_indirect_dma source(%arg10 : memref<64x128xf32, #tpu.memory_space<vmem>>) target(%dma_start3A_280 : memref<10112x128xf32, #tpu.memory_space<vmem_shared>>) offsets(%dma_start3A_277 : memref<64xi32, #tpu.memory_space<vmem>>) semaphore(%arg24 : memref<!tpu.dma_semaphore, #tpu.memory_space<semaphore_mem>>) {add = true}
      %mul3A_281 = arith.constant 64 : i32
      %mul3A_282 = arith.muli %add3A_210, %mul3A_281 : i32
      %dma_wait3A_283 = arith.constant 0 : i32
      %dma_wait3A_284 = tpu.memref_slice %arg2[%mul3A_282, %dma_wait3A_283] : memref<163840x128xf32, #tpu.memory_space<hbm>> -> memref<64x128xf32, #tpu.memory_space<hbm>>
      %dma_wait3A_285 = arith.constant 0 : i32
      %dma_wait3A_286 = tpu.memref_slice %arg2[%mul3A_282, %dma_wait3A_285] : memref<163840x128xf32, #tpu.memory_space<hbm>> -> memref<64x128xf32, #tpu.memory_space<hbm>>
      tpu.wait_dma2 semaphore(%arg21 : memref<!tpu.dma_semaphore, #tpu.memory_space<semaphore_mem>>) src(%dma_wait3A_286 : memref<64x128xf32, #tpu.memory_space<hbm>>) dst(%arg11 : memref<64x128xf32, #tpu.memory_space<vmem>>)
      %dma_wait3A_287 = arith.constant 0 : i32
      %dma_wait3A_288 = arith.constant 0 : i32
      %dma_wait3A_289 = tpu.memref_slice %arg4[%add3A_210, %dma_wait3A_287, %dma_wait3A_288] : memref<2560x1x64xi32, #tpu.memory_space<hbm>> -> memref<1x1x64xi32, #tpu.memory_space<hbm>>
      %dma_wait3A_290 = tpu.memref_squeeze %dma_wait3A_289 : memref<1x1x64xi32, #tpu.memory_space<hbm>> -> memref<1x64xi32, #tpu.memory_space<hbm>>
      %dma_wait3A_291 = arith.constant 0 : i32
      %dma_wait3A_292 = arith.constant 0 : i32
      %dma_wait3A_293 = tpu.memref_slice %arg4[%add3A_210, %dma_wait3A_291, %dma_wait3A_292] : memref<2560x1x64xi32, #tpu.memory_space<hbm>> -> memref<1x1x64xi32, #tpu.memory_space<hbm>>
      %dma_wait3A_294 = tpu.memref_squeeze %dma_wait3A_293 : memref<1x1x64xi32, #tpu.memory_space<hbm>> -> memref<1x64xi32, #tpu.memory_space<hbm>>
      tpu.wait_dma2 semaphore(%arg21 : memref<!tpu.dma_semaphore, #tpu.memory_space<semaphore_mem>>) src(%dma_wait3A_294 : memref<1x64xi32, #tpu.memory_space<hbm>>) dst(%arg15 : memref<1x64xi32, #tpu.memory_space<vmem>>)
      %dma_wait3A_295 = arith.constant 0 : i32
      %dma_wait3A_296 = tpu.memref_slice %arg5[%add3A_210, %dma_wait3A_295] : memref<2560x64xi32, #tpu.memory_space<hbm>> -> memref<1x64xi32, #tpu.memory_space<hbm>>
      %dma_wait3A_297 = tpu.memref_squeeze %dma_wait3A_296 : memref<1x64xi32, #tpu.memory_space<hbm>> -> memref<64xi32, #tpu.memory_space<hbm>>
      %dma_wait3A_298 = arith.constant 0 : i32
      %dma_wait3A_299 = tpu.memref_slice %arg5[%add3A_210, %dma_wait3A_298] : memref<2560x64xi32, #tpu.memory_space<hbm>> -> memref<1x64xi32, #tpu.memory_space<hbm>>
      %dma_wait3A_300 = tpu.memref_squeeze %dma_wait3A_299 : memref<1x64xi32, #tpu.memory_space<hbm>> -> memref<64xi32, #tpu.memory_space<hbm>>
      tpu.wait_dma2 semaphore(%arg21 : memref<!tpu.dma_semaphore, #tpu.memory_space<semaphore_mem>>) src(%dma_wait3A_300 : memref<64xi32, #tpu.memory_space<hbm>>) dst(%arg17 : memref<64xi32, #tpu.memory_space<vmem>>)
      %dma_start3A_301 = arith.constant 0 : i32
      %dma_start3A_302 = arith.constant 0 : i32
      %dma_start3A_303 = tpu.memref_slice %arg6[%add3A_69, %dma_start3A_301, %dma_start3A_302] : memref<4x10000x128xf32, #tpu.memory_space<hbm>> -> memref<1x10000x128xf32, #tpu.memory_space<hbm>>
      %dma_start3A_304 = tpu.memref_squeeze %dma_start3A_303 : memref<1x10000x128xf32, #tpu.memory_space<hbm>> -> memref<10000x128xf32, #tpu.memory_space<hbm>>
      %dma_start3A_305 = arith.constant 0 : i32
      %dma_start3A_306 = arith.constant 0 : i32
      %dma_start3A_307 = tpu.memref_slice %dma_start3A_304[%dma_start3A_305, %dma_start3A_306] : memref<10000x128xf32, #tpu.memory_space<hbm>> -> memref<10000x128xf32, #tpu.memory_space<hbm>>
      tpu.enqueue_indirect_dma source(%dma_start3A_307 : memref<10000x128xf32, #tpu.memory_space<hbm>>) target(%arg13 : memref<64x128xf32, #tpu.memory_space<vmem>>) offsets(%arg17 : memref<64xi32, #tpu.memory_space<vmem>>) semaphore(%arg23 : memref<!tpu.dma_semaphore, #tpu.memory_space<semaphore_mem>>)
      %dma_wait3A_308 = arith.constant 0 : i32
      %dma_wait3A_309 = arith.constant 0 : i32
      %dma_wait3A_310 = tpu.memref_slice %arg14[%dma_wait3A_308, %dma_wait3A_309] : memref<1x64xi32, #tpu.memory_space<vmem>> -> memref<1x64xi32, #tpu.memory_space<vmem>>
      %dma_wait3A_311 = tpu.memref_squeeze %dma_wait3A_310 : memref<1x64xi32, #tpu.memory_space<vmem>> -> memref<64xi32, #tpu.memory_space<vmem>>
      %dma_wait3A_312 = arith.constant 0 : i32
      %dma_wait3A_313 = arith.constant 0 : i32
      %dma_wait3A_314 = tpu.memref_slice %arg26[%dma_wait3A_312, %dma_wait3A_313] : memref<10112x128xf32, #tpu.memory_space<vmem_shared>> -> memref<10112x128xf32, #tpu.memory_space<vmem_shared>>
      tpu.wait_indirect_dma semaphore(%arg24 : memref<!tpu.dma_semaphore, #tpu.memory_space<semaphore_mem>>) src(%arg10 : memref<64x128xf32, #tpu.memory_space<vmem>>) dst(%dma_wait3A_314 : memref<10112x128xf32, #tpu.memory_space<vmem_shared>>)
      %add3A_315 = arith.constant 1 : i32
      %add3A_316 = arith.addi %scan3A_204, %add3A_315 : i32
      %lt3A = arith.constant 80 : i32
      %lt3A_317 = arith.cmpi slt, %add3A_316, %lt3A : i32
      %convert_element_type3A_318 = arith.extui %lt3A_317 : i1 to i32
      %cond3A_319 = arith.constant 0 : i32
      %cond3A_320 = arith.cmpi ne, %convert_element_type3A_318, %cond3A_319 : i32
      scf.if %cond3A_320 {
        %add3A_343 = arith.constant 2 : i32
        %add3A_344 = arith.addi %add3A_208, %add3A_343 : i32
        %mul3A_345 = arith.constant 64 : i32
        %mul3A_346 = arith.muli %add3A_344, %mul3A_345 : i32
        %dma_start3A_347 = arith.constant 0 : i32
        %dma_start3A_348 = tpu.memref_slice %arg2[%mul3A_346, %dma_start3A_347] : memref<163840x128xf32, #tpu.memory_space<hbm>> -> memref<64x128xf32, #tpu.memory_space<hbm>>
        %dma_start3A_349 = arith.constant 0 : i32
        %dma_start3A_350 = tpu.memref_slice %arg2[%mul3A_346, %dma_start3A_349] : memref<163840x128xf32, #tpu.memory_space<hbm>> -> memref<64x128xf32, #tpu.memory_space<hbm>>
        tpu.enqueue_dma source(%dma_start3A_350 : memref<64x128xf32, #tpu.memory_space<hbm>>) target(%arg10 : memref<64x128xf32, #tpu.memory_space<vmem>>) target_semaphore(%arg20 : memref<!tpu.dma_semaphore, #tpu.memory_space<semaphore_mem>>)
        %dma_start3A_351 = arith.constant 0 : i32
        %dma_start3A_352 = arith.constant 0 : i32
        %dma_start3A_353 = tpu.memref_slice %arg4[%add3A_344, %dma_start3A_351, %dma_start3A_352] : memref<2560x1x64xi32, #tpu.memory_space<hbm>> -> memref<1x1x64xi32, #tpu.memory_space<hbm>>
        %dma_start3A_354 = tpu.memref_squeeze %dma_start3A_353 : memref<1x1x64xi32, #tpu.memory_space<hbm>> -> memref<1x64xi32, #tpu.memory_space<hbm>>
        %dma_start3A_355 = arith.constant 0 : i32
        %dma_start3A_356 = arith.constant 0 : i32
        %dma_start3A_357 = tpu.memref_slice %arg4[%add3A_344, %dma_start3A_355, %dma_start3A_356] : memref<2560x1x64xi32, #tpu.memory_space<hbm>> -> memref<1x1x64xi32, #tpu.memory_space<hbm>>
        %dma_start3A_358 = tpu.memref_squeeze %dma_start3A_357 : memref<1x1x64xi32, #tpu.memory_space<hbm>> -> memref<1x64xi32, #tpu.memory_space<hbm>>
        tpu.enqueue_dma source(%dma_start3A_358 : memref<1x64xi32, #tpu.memory_space<hbm>>) target(%arg14 : memref<1x64xi32, #tpu.memory_space<vmem>>) target_semaphore(%arg20 : memref<!tpu.dma_semaphore, #tpu.memory_space<semaphore_mem>>)
        %dma_start3A_359 = arith.constant 0 : i32
        %dma_start3A_360 = tpu.memref_slice %arg5[%add3A_344, %dma_start3A_359] : memref<2560x64xi32, #tpu.memory_space<hbm>> -> memref<1x64xi32, #tpu.memory_space<hbm>>
        %dma_start3A_361 = tpu.memref_squeeze %dma_start3A_360 : memref<1x64xi32, #tpu.memory_space<hbm>> -> memref<64xi32, #tpu.memory_space<hbm>>
        %dma_start3A_362 = arith.constant 0 : i32
        %dma_start3A_363 = tpu.memref_slice %arg5[%add3A_344, %dma_start3A_362] : memref<2560x64xi32, #tpu.memory_space<hbm>> -> memref<1x64xi32, #tpu.memory_space<hbm>>
        %dma_start3A_364 = tpu.memref_squeeze %dma_start3A_363 : memref<1x64xi32, #tpu.memory_space<hbm>> -> memref<64xi32, #tpu.memory_space<hbm>>
        tpu.enqueue_dma source(%dma_start3A_364 : memref<64xi32, #tpu.memory_space<hbm>>) target(%arg16 : memref<64xi32, #tpu.memory_space<vmem>>) target_semaphore(%arg20 : memref<!tpu.dma_semaphore, #tpu.memory_space<semaphore_mem>>)
      } else {
      }
      %dma_wait3A_321 = arith.constant 0 : i32
      %dma_wait3A_322 = arith.constant 0 : i32
      %dma_wait3A_323 = tpu.memref_slice %arg6[%add3A_69, %dma_wait3A_321, %dma_wait3A_322] : memref<4x10000x128xf32, #tpu.memory_space<hbm>> -> memref<1x10000x128xf32, #tpu.memory_space<hbm>>
      %dma_wait3A_324 = tpu.memref_squeeze %dma_wait3A_323 : memref<1x10000x128xf32, #tpu.memory_space<hbm>> -> memref<10000x128xf32, #tpu.memory_space<hbm>>
      %dma_wait3A_325 = arith.constant 0 : i32
      %dma_wait3A_326 = arith.constant 0 : i32
      %dma_wait3A_327 = tpu.memref_slice %dma_wait3A_324[%dma_wait3A_325, %dma_wait3A_326] : memref<10000x128xf32, #tpu.memory_space<hbm>> -> memref<10000x128xf32, #tpu.memory_space<hbm>>
      tpu.wait_indirect_dma semaphore(%arg23 : memref<!tpu.dma_semaphore, #tpu.memory_space<semaphore_mem>>) src(%dma_wait3A_327 : memref<10000x128xf32, #tpu.memory_space<hbm>>) dst(%arg13 : memref<64x128xf32, #tpu.memory_space<vmem>>)
      %scan3A_328 = arith.constant 0 : i32
      %scan3A_329 = arith.constant 0 : i32
      %scan3A_330 = arith.constant 64 : i32
      %scan3A_331 = arith.addi %scan3A_329, %scan3A_330 : i32
      %scan3A_332 = arith.constant 1 : i32
      %scan3A_333 = scf.for %scan3A_343 = %scan3A_329 to %scan3A_331 step %scan3A_332 iter_args(%scan3A_344 = %scan3A_328) -> (i32)  : i32 {
        %get3A = arith.index_cast %scan3A_343 : i32 to index
        %get3A_345 = arith.constant 0 : index
        %get3A_346 = tpu.vector_load %arg13[%get3A, %get3A_345] {strides = array<i32>} : memref<64x128xf32, #tpu.memory_space<vmem>>, vector<1x16xf32>,
        %get3A_347 = vector.shape_cast %get3A_346 : vector<1x16xf32> to vector<16xf32>
        %get3A_348 = arith.index_cast %scan3A_343 : i32 to index
        %get3A_349 = arith.constant 0 : index
        %get3A_350 = tpu.vector_load %arg11[%get3A_348, %get3A_349] {strides = array<i32>} : memref<64x128xf32, #tpu.memory_space<vmem>>, vector<1x16xf32>,
        %get3A_351 = vector.shape_cast %get3A_350 : vector<1x16xf32> to vector<16xf32>
        %get3A_352 = arith.index_cast %scan3A_343 : i32 to index
        %get3A_353 = arith.constant 16 : index
        %get3A_354 = tpu.vector_load %arg11[%get3A_352, %get3A_353] {strides = array<i32>} : memref<64x128xf32, #tpu.memory_space<vmem>>, vector<1x16xf32>,
        %get3A_355 = vector.shape_cast %get3A_354 : vector<1x16xf32> to vector<16xf32>
        %get3A_356 = arith.index_cast %scan3A_343 : i32 to index
        %get3A_357 = arith.constant 32 : index
        %get3A_358 = tpu.vector_load %arg11[%get3A_356, %get3A_357] {strides = array<i32>} : memref<64x128xf32, #tpu.memory_space<vmem>>, vector<1x16xf32>,
        %get3A_359 = vector.shape_cast %get3A_358 : vector<1x16xf32> to vector<16xf32>
        %get3A_360 = arith.index_cast %scan3A_343 : i32 to index
        %get3A_361 = arith.constant 48 : index
        %get3A_362 = tpu.vector_load %arg11[%get3A_360, %get3A_361] {strides = array<i32>} : memref<64x128xf32, #tpu.memory_space<vmem>>, vector<1x16xf32>,
        %get3A_363 = vector.shape_cast %get3A_362 : vector<1x16xf32> to vector<16xf32>
        %get3A_364 = arith.index_cast %scan3A_343 : i32 to index
        %get3A_365 = arith.constant 64 : index
        %get3A_366 = tpu.vector_load %arg11[%get3A_364, %get3A_365] {strides = array<i32>} : memref<64x128xf32, #tpu.memory_space<vmem>>, vector<1x16xf32>,
        %get3A_367 = vector.shape_cast %get3A_366 : vector<1x16xf32> to vector<16xf32>
        %get3A_368 = arith.index_cast %scan3A_343 : i32 to index
        %get3A_369 = arith.constant 80 : index
        %get3A_370 = tpu.vector_load %arg11[%get3A_368, %get3A_369] {strides = array<i32>} : memref<64x128xf32, #tpu.memory_space<vmem>>, vector<1x16xf32>,
        %get3A_371 = vector.shape_cast %get3A_370 : vector<1x16xf32> to vector<16xf32>
        %get3A_372 = arith.index_cast %scan3A_343 : i32 to index
        %get3A_373 = arith.constant 96 : index
        %get3A_374 = tpu.vector_load %arg11[%get3A_372, %get3A_373] {strides = array<i32>} : memref<64x128xf32, #tpu.memory_space<vmem>>, vector<1x16xf32>,
        %get3A_375 = vector.shape_cast %get3A_374 : vector<1x16xf32> to vector<16xf32>
        %get3A_376 = arith.index_cast %scan3A_343 : i32 to index
        %get3A_377 = arith.constant 112 : index
        %get3A_378 = tpu.vector_load %arg11[%get3A_376, %get3A_377] {strides = array<i32>} : memref<64x128xf32, #tpu.memory_space<vmem>>, vector<1x16xf32>,
        %get3A_379 = vector.shape_cast %get3A_378 : vector<1x16xf32> to vector<16xf32>
        %mul3A_380 = arith.mulf %get3A_351, %get3A_347 : vector<16xf32>
        %mul3A_381 = arith.mulf %get3A_355, %get3A_347 : vector<16xf32>
        %mul3A_382 = arith.mulf %get3A_359, %get3A_347 : vector<16xf32>
        %mul3A_383 = arith.mulf %get3A_363, %get3A_347 : vector<16xf32>
        %mul3A_384 = arith.mulf %get3A_367, %get3A_347 : vector<16xf32>
        %mul3A_385 = arith.mulf %get3A_371, %get3A_347 : vector<16xf32>
        %mul3A_386 = arith.mulf %get3A_375, %get3A_347 : vector<16xf32>
        %mul3A_387 = arith.mulf %get3A_379, %get3A_347 : vector<16xf32>
        %swap3A = arith.index_cast %scan3A_343 : i32 to index
        %swap3A_388 = arith.constant 0 : index
        %swap3A_389 = tpu.vector_load %arg11[%swap3A, %swap3A_388] {strides = array<i32>} : memref<64x128xf32, #tpu.memory_space<vmem>>, vector<1x16xf32>,
        %swap3A_390 = vector.shape_cast %swap3A_389 : vector<1x16xf32> to vector<16xf32>
        %swap3A_391 = vector.shape_cast %mul3A_380 : vector<16xf32> to vector<1x16xf32>
        tpu.vector_store %arg11[%swap3A, %swap3A_388], %swap3A_391 {strides = array<i32>} : memref<64x128xf32, #tpu.memory_space<vmem>>, vector<1x16xf32>,
        %swap3A_392 = arith.index_cast %scan3A_343 : i32 to index
        %swap3A_393 = arith.constant 16 : index
        %swap3A_394 = tpu.vector_load %arg11[%swap3A_392, %swap3A_393] {strides = array<i32>} : memref<64x128xf32, #tpu.memory_space<vmem>>, vector<1x16xf32>,
        %swap3A_395 = vector.shape_cast %swap3A_394 : vector<1x16xf32> to vector<16xf32>
        %swap3A_396 = vector.shape_cast %mul3A_381 : vector<16xf32> to vector<1x16xf32>
        tpu.vector_store %arg11[%swap3A_392, %swap3A_393], %swap3A_396 {strides = array<i32>} : memref<64x128xf32, #tpu.memory_space<vmem>>, vector<1x16xf32>,
        %swap3A_397 = arith.index_cast %scan3A_343 : i32 to index
        %swap3A_398 = arith.constant 32 : index
        %swap3A_399 = tpu.vector_load %arg11[%swap3A_397, %swap3A_398] {strides = array<i32>} : memref<64x128xf32, #tpu.memory_space<vmem>>, vector<1x16xf32>,
        %swap3A_400 = vector.shape_cast %swap3A_399 : vector<1x16xf32> to vector<16xf32>
        %swap3A_401 = vector.shape_cast %mul3A_382 : vector<16xf32> to vector<1x16xf32>
        tpu.vector_store %arg11[%swap3A_397, %swap3A_398], %swap3A_401 {strides = array<i32>} : memref<64x128xf32, #tpu.memory_space<vmem>>, vector<1x16xf32>,
        %swap3A_402 = arith.index_cast %scan3A_343 : i32 to index
        %swap3A_403 = arith.constant 48 : index
        %swap3A_404 = tpu.vector_load %arg11[%swap3A_402, %swap3A_403] {strides = array<i32>} : memref<64x128xf32, #tpu.memory_space<vmem>>, vector<1x16xf32>,
        %swap3A_405 = vector.shape_cast %swap3A_404 : vector<1x16xf32> to vector<16xf32>
        %swap3A_406 = vector.shape_cast %mul3A_383 : vector<16xf32> to vector<1x16xf32>
        tpu.vector_store %arg11[%swap3A_402, %swap3A_403], %swap3A_406 {strides = array<i32>} : memref<64x128xf32, #tpu.memory_space<vmem>>, vector<1x16xf32>,
        %swap3A_407 = arith.index_cast %scan3A_343 : i32 to index
        %swap3A_408 = arith.constant 64 : index
        %swap3A_409 = tpu.vector_load %arg11[%swap3A_407, %swap3A_408] {strides = array<i32>} : memref<64x128xf32, #tpu.memory_space<vmem>>, vector<1x16xf32>,
        %swap3A_410 = vector.shape_cast %swap3A_409 : vector<1x16xf32> to vector<16xf32>
        %swap3A_411 = vector.shape_cast %mul3A_384 : vector<16xf32> to vector<1x16xf32>
        tpu.vector_store %arg11[%swap3A_407, %swap3A_408], %swap3A_411 {strides = array<i32>} : memref<64x128xf32, #tpu.memory_space<vmem>>, vector<1x16xf32>,
        %swap3A_412 = arith.index_cast %scan3A_343 : i32 to index
        %swap3A_413 = arith.constant 80 : index
        %swap3A_414 = tpu.vector_load %arg11[%swap3A_412, %swap3A_413] {strides = array<i32>} : memref<64x128xf32, #tpu.memory_space<vmem>>, vector<1x16xf32>,
        %swap3A_415 = vector.shape_cast %swap3A_414 : vector<1x16xf32> to vector<16xf32>
        %swap3A_416 = vector.shape_cast %mul3A_385 : vector<16xf32> to vector<1x16xf32>
        tpu.vector_store %arg11[%swap3A_412, %swap3A_413], %swap3A_416 {strides = array<i32>} : memref<64x128xf32, #tpu.memory_space<vmem>>, vector<1x16xf32>,
        %swap3A_417 = arith.index_cast %scan3A_343 : i32 to index
        %swap3A_418 = arith.constant 96 : index
        %swap3A_419 = tpu.vector_load %arg11[%swap3A_417, %swap3A_418] {strides = array<i32>} : memref<64x128xf32, #tpu.memory_space<vmem>>, vector<1x16xf32>,
        %swap3A_420 = vector.shape_cast %swap3A_419 : vector<1x16xf32> to vector<16xf32>
        %swap3A_421 = vector.shape_cast %mul3A_386 : vector<16xf32> to vector<1x16xf32>
        tpu.vector_store %arg11[%swap3A_417, %swap3A_418], %swap3A_421 {strides = array<i32>} : memref<64x128xf32, #tpu.memory_space<vmem>>, vector<1x16xf32>,
        %swap3A_422 = arith.index_cast %scan3A_343 : i32 to index
        %swap3A_423 = arith.constant 112 : index
        %swap3A_424 = tpu.vector_load %arg11[%swap3A_422, %swap3A_423] {strides = array<i32>} : memref<64x128xf32, #tpu.memory_space<vmem>>, vector<1x16xf32>,
        %swap3A_425 = vector.shape_cast %swap3A_424 : vector<1x16xf32> to vector<16xf32>
        %swap3A_426 = vector.shape_cast %mul3A_387 : vector<16xf32> to vector<1x16xf32>
        tpu.vector_store %arg11[%swap3A_422, %swap3A_423], %swap3A_426 {strides = array<i32>} : memref<64x128xf32, #tpu.memory_space<vmem>>, vector<1x16xf32>,
        %scan3A_427 = arith.constant 0 : i32
        scf.yield %scan3A_427 : i32
      }
      %scan3A_334 = arith.constant 64 : i32
      %dma_start3A_335 = arith.constant 0 : i32
      %dma_start3A_336 = arith.constant 0 : i32
      %dma_start3A_337 = tpu.memref_slice %arg15[%dma_start3A_335, %dma_start3A_336] : memref<1x64xi32, #tpu.memory_space<vmem>> -> memref<1x64xi32, #tpu.memory_space<vmem>>
      %dma_start3A_338 = tpu.memref_squeeze %dma_start3A_337 : memref<1x64xi32, #tpu.memory_space<vmem>> -> memref<64xi32, #tpu.memory_space<vmem>>
      %dma_start3A_339 = arith.constant 0 : i32
      %dma_start3A_340 = arith.constant 0 : i32
      %dma_start3A_341 = tpu.memref_slice %arg26[%dma_start3A_339, %dma_start3A_340] : memref<10112x128xf32, #tpu.memory_space<vmem_shared>> -> memref<10112x128xf32, #tpu.memory_space<vmem_shared>>
      tpu.enqueue_indirect_dma source(%arg11 : memref<64x128xf32, #tpu.memory_space<vmem>>) target(%dma_start3A_341 : memref<10112x128xf32, #tpu.memory_space<vmem_shared>>) offsets(%dma_start3A_338 : memref<64xi32, #tpu.memory_space<vmem>>) semaphore(%arg25 : memref<!tpu.dma_semaphore, #tpu.memory_space<semaphore_mem>>) {add = true}
      %scan3A_342 = arith.constant 0 : i32
      scf.yield %scan3A_342 : i32
    }
    %scan3A_126 = arith.constant 80 : i32
    %dma_wait3A_127 = arith.constant 0 : i32
    %dma_wait3A_128 = arith.constant 0 : i32
    %dma_wait3A_129 = tpu.memref_slice %arg15[%dma_wait3A_127, %dma_wait3A_128] : memref<1x64xi32, #tpu.memory_space<vmem>> -> memref<1x64xi32, #tpu.memory_space<vmem>>
    %dma_wait3A_130 = tpu.memref_squeeze %dma_wait3A_129 : memref<1x64xi32, #tpu.memory_space<vmem>> -> memref<64xi32, #tpu.memory_space<vmem>>
    %dma_wait3A_131 = arith.constant 0 : i32
    %dma_wait3A_132 = arith.constant 0 : i32
    %dma_wait3A_133 = tpu.memref_slice %arg26[%dma_wait3A_131, %dma_wait3A_132] : memref<10112x128xf32, #tpu.memory_space<vmem_shared>> -> memref<10112x128xf32, #tpu.memory_space<vmem_shared>>
    tpu.wait_indirect_dma semaphore(%arg25 : memref<!tpu.dma_semaphore, #tpu.memory_space<semaphore_mem>>) src(%arg11 : memref<64x128xf32, #tpu.memory_space<vmem>>) dst(%dma_wait3A_133 : memref<10112x128xf32, #tpu.memory_space<vmem_shared>>)
    %barrier3A_134 = arith.constant 0 : index
    tpu.barrier barrier_id(%barrier3A_134)
    "tpu.region"() ({
      %run_scoped3A = tpu.sem_alloc : memref<!tpu.dma_semaphore, #tpu.memory_space<semaphore_mem>>
      %dma_start3A_204 = arith.constant 0 : i32
      %dma_start3A_205 = tpu.memref_slice %arg8[%add3A_69, %mul3A_0, %dma_start3A_204] : memref<4x10112x128xf32, #tpu.memory_space<hbm>> -> memref<1x632x128xf32, #tpu.memory_space<hbm>>
      %dma_start3A_206 = tpu.memref_squeeze %dma_start3A_205 : memref<1x632x128xf32, #tpu.memory_space<hbm>> -> memref<632x128xf32, #tpu.memory_space<hbm>>
      %dma_start3A_207 = arith.constant 0 : i32
      %dma_start3A_208 = tpu.memref_slice %arg26[%mul3A_0, %dma_start3A_207] : memref<10112x128xf32, #tpu.memory_space<vmem_shared>> -> memref<632x128xf32, #tpu.memory_space<vmem_shared>>
      tpu.enqueue_dma source(%dma_start3A_208 : memref<632x128xf32, #tpu.memory_space<vmem_shared>>) target(%dma_start3A_206 : memref<632x128xf32, #tpu.memory_space<hbm>>) target_semaphore(%run_scoped3A : memref<!tpu.dma_semaphore, #tpu.memory_space<semaphore_mem>>)
      %dma_wait3A_209 = arith.constant 0 : i32
      %dma_wait3A_210 = tpu.memref_slice %arg8[%add3A_69, %mul3A_0, %dma_wait3A_209] : memref<4x10112x128xf32, #tpu.memory_space<hbm>> -> memref<1x632x128xf32, #tpu.memory_space<hbm>>
      %dma_wait3A_211 = tpu.memref_squeeze %dma_wait3A_210 : memref<1x632x128xf32, #tpu.memory_space<hbm>> -> memref<632x128xf32, #tpu.memory_space<hbm>>
      %dma_wait3A_212 = arith.constant 0 : i32
      %dma_wait3A_213 = tpu.memref_slice %arg26[%mul3A_0, %dma_wait3A_212] : memref<10112x128xf32, #tpu.memory_space<vmem_shared>> -> memref<632x128xf32, #tpu.memory_space<vmem_shared>>
      tpu.wait_dma2 semaphore(%run_scoped3A : memref<!tpu.dma_semaphore, #tpu.memory_space<semaphore_mem>>) src(%dma_wait3A_213 : memref<632x128xf32, #tpu.memory_space<vmem_shared>>) dst(%dma_wait3A_211 : memref<632x128xf32, #tpu.memory_space<hbm>>)
      tpu.yield
    }) : () -> ()
    %barrier3A_135 = arith.constant 0 : index
    tpu.barrier barrier_id(%barrier3A_135)
    %scan3A_136 = arith.constant 0 : i32
    %scan3A_137 = arith.constant 0 : i32
    %scan3A_138 = arith.constant 64 : i32
    %scan3A_139 = arith.addi %scan3A_137, %scan3A_138 : i32
    %scan3A_140 = arith.constant 1 : i32
    %scan3A_141 = scf.for %scan3A_204 = %scan3A_137 to %scan3A_139 step %scan3A_140 iter_args(%scan3A_205 = %scan3A_136) -> (i32)  : i32 {
      %broadcast_in_dim3A = arith.constant 0.000000e+00 : f32
      %broadcast_in_dim3A_206 = vector.broadcast %broadcast_in_dim3A : f32 to vector<16xf32>
      %swap3A = arith.index_cast %scan3A_204 : i32 to index
      %swap3A_207 = arith.constant 0 : index
      %swap3A_208 = tpu.vector_load %arg10[%swap3A, %swap3A_207] {strides = array<i32>} : memref<64x128xf32, #tpu.memory_space<vmem>>, vector<1x16xf32>,
      %swap3A_209 = vector.shape_cast %swap3A_208 : vector<1x16xf32> to vector<16xf32>
      %swap3A_210 = vector.shape_cast %broadcast_in_dim3A_206 : vector<16xf32> to vector<1x16xf32>
      tpu.vector_store %arg10[%swap3A, %swap3A_207], %swap3A_210 {strides = array<i32>} : memref<64x128xf32, #tpu.memory_space<vmem>>, vector<1x16xf32>,
      %broadcast_in_dim3A_211 = arith.constant 0.000000e+00 : f32
      %broadcast_in_dim3A_212 = vector.broadcast %broadcast_in_dim3A_211 : f32 to vector<16xf32>
      %swap3A_213 = arith.index_cast %scan3A_204 : i32 to index
      %swap3A_214 = arith.constant 16 : index
      %swap3A_215 = tpu.vector_load %arg10[%swap3A_213, %swap3A_214] {strides = array<i32>} : memref<64x128xf32, #tpu.memory_space<vmem>>, vector<1x16xf32>,
      %swap3A_216 = vector.shape_cast %swap3A_215 : vector<1x16xf32> to vector<16xf32>
      %swap3A_217 = vector.shape_cast %broadcast_in_dim3A_212 : vector<16xf32> to vector<1x16xf32>
      tpu.vector_store %arg10[%swap3A_213, %swap3A_214], %swap3A_217 {strides = array<i32>} : memref<64x128xf32, #tpu.memory_space<vmem>>, vector<1x16xf32>,
      %broadcast_in_dim3A_218 = arith.constant 0.000000e+00 : f32
      %broadcast_in_dim3A_219 = vector.broadcast %broadcast_in_dim3A_218 : f32 to vector<16xf32>
      %swap3A_220 = arith.index_cast %scan3A_204 : i32 to index
      %swap3A_221 = arith.constant 32 : index
      %swap3A_222 = tpu.vector_load %arg10[%swap3A_220, %swap3A_221] {strides = array<i32>} : memref<64x128xf32, #tpu.memory_space<vmem>>, vector<1x16xf32>,
      %swap3A_223 = vector.shape_cast %swap3A_222 : vector<1x16xf32> to vector<16xf32>
      %swap3A_224 = vector.shape_cast %broadcast_in_dim3A_219 : vector<16xf32> to vector<1x16xf32>
      tpu.vector_store %arg10[%swap3A_220, %swap3A_221], %swap3A_224 {strides = array<i32>} : memref<64x128xf32, #tpu.memory_space<vmem>>, vector<1x16xf32>,
      %broadcast_in_dim3A_225 = arith.constant 0.000000e+00 : f32
      %broadcast_in_dim3A_226 = vector.broadcast %broadcast_in_dim3A_225 : f32 to vector<16xf32>
      %swap3A_227 = arith.index_cast %scan3A_204 : i32 to index
      %swap3A_228 = arith.constant 48 : index
      %swap3A_229 = tpu.vector_load %arg10[%swap3A_227, %swap3A_228] {strides = array<i32>} : memref<64x128xf32, #tpu.memory_space<vmem>>, vector<1x16xf32>,
      %swap3A_230 = vector.shape_cast %swap3A_229 : vector<1x16xf32> to vector<16xf32>
      %swap3A_231 = vector.shape_cast %broadcast_in_dim3A_226 : vector<16xf32> to vector<1x16xf32>
      tpu.vector_store %arg10[%swap3A_227, %swap3A_228], %swap3A_231 {strides = array<i32>} : memref<64x128xf32, #tpu.memory_space<vmem>>, vector<1x16xf32>,
      %broadcast_in_dim3A_232 = arith.constant 0.000000e+00 : f32
      %broadcast_in_dim3A_233 = vector.broadcast %broadcast_in_dim3A_232 : f32 to vector<16xf32>
      %swap3A_234 = arith.index_cast %scan3A_204 : i32 to index
      %swap3A_235 = arith.constant 64 : index
      %swap3A_236 = tpu.vector_load %arg10[%swap3A_234, %swap3A_235] {strides = array<i32>} : memref<64x128xf32, #tpu.memory_space<vmem>>, vector<1x16xf32>,
      %swap3A_237 = vector.shape_cast %swap3A_236 : vector<1x16xf32> to vector<16xf32>
      %swap3A_238 = vector.shape_cast %broadcast_in_dim3A_233 : vector<16xf32> to vector<1x16xf32>
      tpu.vector_store %arg10[%swap3A_234, %swap3A_235], %swap3A_238 {strides = array<i32>} : memref<64x128xf32, #tpu.memory_space<vmem>>, vector<1x16xf32>,
      %broadcast_in_dim3A_239 = arith.constant 0.000000e+00 : f32
      %broadcast_in_dim3A_240 = vector.broadcast %broadcast_in_dim3A_239 : f32 to vector<16xf32>
      %swap3A_241 = arith.index_cast %scan3A_204 : i32 to index
      %swap3A_242 = arith.constant 80 : index
      %swap3A_243 = tpu.vector_load %arg10[%swap3A_241, %swap3A_242] {strides = array<i32>} : memref<64x128xf32, #tpu.memory_space<vmem>>, vector<1x16xf32>,
      %swap3A_244 = vector.shape_cast %swap3A_243 : vector<1x16xf32> to vector<16xf32>
      %swap3A_245 = vector.shape_cast %broadcast_in_dim3A_240 : vector<16xf32> to vector<1x16xf32>
      tpu.vector_store %arg10[%swap3A_241, %swap3A_242], %swap3A_245 {strides = array<i32>} : memref<64x128xf32, #tpu.memory_space<vmem>>, vector<1x16xf32>,
      %broadcast_in_dim3A_246 = arith.constant 0.000000e+00 : f32
      %broadcast_in_dim3A_247 = vector.broadcast %broadcast_in_dim3A_246 : f32 to vector<16xf32>
      %swap3A_248 = arith.index_cast %scan3A_204 : i32 to index
      %swap3A_249 = arith.constant 96 : index
      %swap3A_250 = tpu.vector_load %arg10[%swap3A_248, %swap3A_249] {strides = array<i32>} : memref<64x128xf32, #tpu.memory_space<vmem>>, vector<1x16xf32>,
      %swap3A_251 = vector.shape_cast %swap3A_250 : vector<1x16xf32> to vector<16xf32>
      %swap3A_252 = vector.shape_cast %broadcast_in_dim3A_247 : vector<16xf32> to vector<1x16xf32>
      tpu.vector_store %arg10[%swap3A_248, %swap3A_249], %swap3A_252 {strides = array<i32>} : memref<64x128xf32, #tpu.memory_space<vmem>>, vector<1x16xf32>,
      %broadcast_in_dim3A_253 = arith.constant 0.000000e+00 : f32
      %broadcast_in_dim3A_254 = vector.broadcast %broadcast_in_dim3A_253 : f32 to vector<16xf32>
      %swap3A_255 = arith.index_cast %scan3A_204 : i32 to index
      %swap3A_256 = arith.constant 112 : index
      %swap3A_257 = tpu.vector_load %arg10[%swap3A_255, %swap3A_256] {strides = array<i32>} : memref<64x128xf32, #tpu.memory_space<vmem>>, vector<1x16xf32>,
      %swap3A_258 = vector.shape_cast %swap3A_257 : vector<1x16xf32> to vector<16xf32>
      %swap3A_259 = vector.shape_cast %broadcast_in_dim3A_254 : vector<16xf32> to vector<1x16xf32>
      tpu.vector_store %arg10[%swap3A_255, %swap3A_256], %swap3A_259 {strides = array<i32>} : memref<64x128xf32, #tpu.memory_space<vmem>>, vector<1x16xf32>,
      %scan3A_260 = arith.constant 0 : i32
      scf.yield %scan3A_260 : i32
    }
    %scan3A_142 = arith.constant 64 : i32
    %add3A_143 = arith.constant 0 : i32
    %add3A_144 = arith.addi %mul3A_0, %add3A_143 : i32
    "tpu.region"() ({
      %run_scoped3A = tpu.sem_alloc : memref<!tpu.dma_semaphore, #tpu.memory_space<semaphore_mem>>
      %dma_start3A_204 = arith.constant 0 : i32
      %dma_start3A_205 = tpu.memref_slice %arg26[%add3A_144, %dma_start3A_204] : memref<10112x128xf32, #tpu.memory_space<vmem_shared>> -> memref<64x128xf32, #tpu.memory_space<vmem_shared>>
      %dma_start3A_206 = arith.constant 0 : i32
      %dma_start3A_207 = tpu.memref_slice %arg26[%add3A_144, %dma_start3A_206] : memref<10112x128xf32, #tpu.memory_space<vmem_shared>> -> memref<64x128xf32, #tpu.memory_space<vmem_shared>>
      tpu.enqueue_dma source(%arg10 : memref<64x128xf32, #tpu.memory_space<vmem>>) target(%dma_start3A_207 : memref<64x128xf32, #tpu.memory_space<vmem_shared>>) target_semaphore(%run_scoped3A : memref<!tpu.dma_semaphore, #tpu.memory_space<semaphore_mem>>)
      %dma_wait3A_208 = arith.constant 0 : i32
      %dma_wait3A_209 = tpu.memref_slice %arg26[%add3A_144, %dma_wait3A_208] : memref<10112x128xf32, #tpu.memory_space<vmem_shared>> -> memref<64x128xf32, #tpu.memory_space<vmem_shared>>
      %dma_wait3A_210 = arith.constant 0 : i32
      %dma_wait3A_211 = tpu.memref_slice %arg26[%add3A_144, %dma_wait3A_210] : memref<10112x128xf32, #tpu.memory_space<vmem_shared>> -> memref<64x128xf32, #tpu.memory_space<vmem_shared>>
      tpu.wait_dma2 semaphore(%run_scoped3A : memref<!tpu.dma_semaphore, #tpu.memory_space<semaphore_mem>>) src(%arg10 : memref<64x128xf32, #tpu.memory_space<vmem>>) dst(%dma_wait3A_211 : memref<64x128xf32, #tpu.memory_space<vmem_shared>>)
      tpu.yield
    }) : () -> ()
    %add3A_145 = arith.constant 64 : i32
    %add3A_146 = arith.addi %mul3A_0, %add3A_145 : i32
    "tpu.region"() ({
      %run_scoped3A = tpu.sem_alloc : memref<!tpu.dma_semaphore, #tpu.memory_space<semaphore_mem>>
      %dma_start3A_204 = arith.constant 0 : i32
      %dma_start3A_205 = tpu.memref_slice %arg26[%add3A_146, %dma_start3A_204] : memref<10112x128xf32, #tpu.memory_space<vmem_shared>> -> memref<64x128xf32, #tpu.memory_space<vmem_shared>>
      %dma_start3A_206 = arith.constant 0 : i32
      %dma_start3A_207 = tpu.memref_slice %arg26[%add3A_146, %dma_start3A_206] : memref<10112x128xf32, #tpu.memory_space<vmem_shared>> -> memref<64x128xf32, #tpu.memory_space<vmem_shared>>
      tpu.enqueue_dma source(%arg10 : memref<64x128xf32, #tpu.memory_space<vmem>>) target(%dma_start3A_207 : memref<64x128xf32, #tpu.memory_space<vmem_shared>>) target_semaphore(%run_scoped3A : memref<!tpu.dma_semaphore, #tpu.memory_space<semaphore_mem>>)
      %dma_wait3A_208 = arith.constant 0 : i32
      %dma_wait3A_209 = tpu.memref_slice %arg26[%add3A_146, %dma_wait3A_208] : memref<10112x128xf32, #tpu.memory_space<vmem_shared>> -> memref<64x128xf32, #tpu.memory_space<vmem_shared>>
      %dma_wait3A_210 = arith.constant 0 : i32
      %dma_wait3A_211 = tpu.memref_slice %arg26[%add3A_146, %dma_wait3A_210] : memref<10112x128xf32, #tpu.memory_space<vmem_shared>> -> memref<64x128xf32, #tpu.memory_space<vmem_shared>>
      tpu.wait_dma2 semaphore(%run_scoped3A : memref<!tpu.dma_semaphore, #tpu.memory_space<semaphore_mem>>) src(%arg10 : memref<64x128xf32, #tpu.memory_space<vmem>>) dst(%dma_wait3A_211 : memref<64x128xf32, #tpu.memory_space<vmem_shared>>)
      tpu.yield
    }) : () -> ()
    %add3A_147 = arith.constant 128 : i32
    %add3A_148 = arith.addi %mul3A_0, %add3A_147 : i32
    "tpu.region"() ({
      %run_scoped3A = tpu.sem_alloc : memref<!tpu.dma_semaphore, #tpu.memory_space<semaphore_mem>>
      %dma_start3A_204 = arith.constant 0 : i32
      %dma_start3A_205 = tpu.memref_slice %arg26[%add3A_148, %dma_start3A_204] : memref<10112x128xf32, #tpu.memory_space<vmem_shared>> -> memref<64x128xf32, #tpu.memory_space<vmem_shared>>
      %dma_start3A_206 = arith.constant 0 : i32
      %dma_start3A_207 = tpu.memref_slice %arg26[%add3A_148, %dma_start3A_206] : memref<10112x128xf32, #tpu.memory_space<vmem_shared>> -> memref<64x128xf32, #tpu.memory_space<vmem_shared>>
      tpu.enqueue_dma source(%arg10 : memref<64x128xf32, #tpu.memory_space<vmem>>) target(%dma_start3A_207 : memref<64x128xf32, #tpu.memory_space<vmem_shared>>) target_semaphore(%run_scoped3A : memref<!tpu.dma_semaphore, #tpu.memory_space<semaphore_mem>>)
      %dma_wait3A_208 = arith.constant 0 : i32
      %dma_wait3A_209 = tpu.memref_slice %arg26[%add3A_148, %dma_wait3A_208] : memref<10112x128xf32, #tpu.memory_space<vmem_shared>> -> memref<64x128xf32, #tpu.memory_space<vmem_shared>>
      %dma_wait3A_210 = arith.constant 0 : i32
      %dma_wait3A_211 = tpu.memref_slice %arg26[%add3A_148, %dma_wait3A_210] : memref<10112x128xf32, #tpu.memory_space<vmem_shared>> -> memref<64x128xf32, #tpu.memory_space<vmem_shared>>
      tpu.wait_dma2 semaphore(%run_scoped3A : memref<!tpu.dma_semaphore, #tpu.memory_space<semaphore_mem>>) src(%arg10 : memref<64x128xf32, #tpu.memory_space<vmem>>) dst(%dma_wait3A_211 : memref<64x128xf32, #tpu.memory_space<vmem_shared>>)
      tpu.yield
    }) : () -> ()
    %add3A_149 = arith.constant 192 : i32
    %add3A_150 = arith.addi %mul3A_0, %add3A_149 : i32
    "tpu.region"() ({
      %run_scoped3A = tpu.sem_alloc : memref<!tpu.dma_semaphore, #tpu.memory_space<semaphore_mem>>
      %dma_start3A_204 = arith.constant 0 : i32
      %dma_start3A_205 = tpu.memref_slice %arg26[%add3A_150, %dma_start3A_204] : memref<10112x128xf32, #tpu.memory_space<vmem_shared>> -> memref<64x128xf32, #tpu.memory_space<vmem_shared>>
      %dma_start3A_206 = arith.constant 0 : i32
      %dma_start3A_207 = tpu.memref_slice %arg26[%add3A_150, %dma_start3A_206] : memref<10112x128xf32, #tpu.memory_space<vmem_shared>> -> memref<64x128xf32, #tpu.memory_space<vmem_shared>>
      tpu.enqueue_dma source(%arg10 : memref<64x128xf32, #tpu.memory_space<vmem>>) target(%dma_start3A_207 : memref<64x128xf32, #tpu.memory_space<vmem_shared>>) target_semaphore(%run_scoped3A : memref<!tpu.dma_semaphore, #tpu.memory_space<semaphore_mem>>)
      %dma_wait3A_208 = arith.constant 0 : i32
      %dma_wait3A_209 = tpu.memref_slice %arg26[%add3A_150, %dma_wait3A_208] : memref<10112x128xf32, #tpu.memory_space<vmem_shared>> -> memref<64x128xf32, #tpu.memory_space<vmem_shared>>
      %dma_wait3A_210 = arith.constant 0 : i32
      %dma_wait3A_211 = tpu.memref_slice %arg26[%add3A_150, %dma_wait3A_210] : memref<10112x128xf32, #tpu.memory_space<vmem_shared>> -> memref<64x128xf32, #tpu.memory_space<vmem_shared>>
      tpu.wait_dma2 semaphore(%run_scoped3A : memref<!tpu.dma_semaphore, #tpu.memory_space<semaphore_mem>>) src(%arg10 : memref<64x128xf32, #tpu.memory_space<vmem>>) dst(%dma_wait3A_211 : memref<64x128xf32, #tpu.memory_space<vmem_shared>>)
      tpu.yield
    }) : () -> ()
    %add3A_151 = arith.constant 256 : i32
    %add3A_152 = arith.addi %mul3A_0, %add3A_151 : i32
    "tpu.region"() ({
      %run_scoped3A = tpu.sem_alloc : memref<!tpu.dma_semaphore, #tpu.memory_space<semaphore_mem>>
      %dma_start3A_204 = arith.constant 0 : i32
      %dma_start3A_205 = tpu.memref_slice %arg26[%add3A_152, %dma_start3A_204] : memref<10112x128xf32, #tpu.memory_space<vmem_shared>> -> memref<64x128xf32, #tpu.memory_space<vmem_shared>>
      %dma_start3A_206 = arith.constant 0 : i32
      %dma_start3A_207 = tpu.memref_slice %arg26[%add3A_152, %dma_start3A_206] : memref<10112x128xf32, #tpu.memory_space<vmem_shared>> -> memref<64x128xf32, #tpu.memory_space<vmem_shared>>
      tpu.enqueue_dma source(%arg10 : memref<64x128xf32, #tpu.memory_space<vmem>>) target(%dma_start3A_207 : memref<64x128xf32, #tpu.memory_space<vmem_shared>>) target_semaphore(%run_scoped3A : memref<!tpu.dma_semaphore, #tpu.memory_space<semaphore_mem>>)
      %dma_wait3A_208 = arith.constant 0 : i32
      %dma_wait3A_209 = tpu.memref_slice %arg26[%add3A_152, %dma_wait3A_208] : memref<10112x128xf32, #tpu.memory_space<vmem_shared>> -> memref<64x128xf32, #tpu.memory_space<vmem_shared>>
      %dma_wait3A_210 = arith.constant 0 : i32
      %dma_wait3A_211 = tpu.memref_slice %arg26[%add3A_152, %dma_wait3A_210] : memref<10112x128xf32, #tpu.memory_space<vmem_shared>> -> memref<64x128xf32, #tpu.memory_space<vmem_shared>>
      tpu.wait_dma2 semaphore(%run_scoped3A : memref<!tpu.dma_semaphore, #tpu.memory_space<semaphore_mem>>) src(%arg10 : memref<64x128xf32, #tpu.memory_space<vmem>>) dst(%dma_wait3A_211 : memref<64x128xf32, #tpu.memory_space<vmem_shared>>)
      tpu.yield
    }) : () -> ()
    %add3A_153 = arith.constant 320 : i32
    %add3A_154 = arith.addi %mul3A_0, %add3A_153 : i32
    "tpu.region"() ({
      %run_scoped3A = tpu.sem_alloc : memref<!tpu.dma_semaphore, #tpu.memory_space<semaphore_mem>>
      %dma_start3A_204 = arith.constant 0 : i32
      %dma_start3A_205 = tpu.memref_slice %arg26[%add3A_154, %dma_start3A_204] : memref<10112x128xf32, #tpu.memory_space<vmem_shared>> -> memref<64x128xf32, #tpu.memory_space<vmem_shared>>
      %dma_start3A_206 = arith.constant 0 : i32
      %dma_start3A_207 = tpu.memref_slice %arg26[%add3A_154, %dma_start3A_206] : memref<10112x128xf32, #tpu.memory_space<vmem_shared>> -> memref<64x128xf32, #tpu.memory_space<vmem_shared>>
      tpu.enqueue_dma source(%arg10 : memref<64x128xf32, #tpu.memory_space<vmem>>) target(%dma_start3A_207 : memref<64x128xf32, #tpu.memory_space<vmem_shared>>) target_semaphore(%run_scoped3A : memref<!tpu.dma_semaphore, #tpu.memory_space<semaphore_mem>>)
      %dma_wait3A_208 = arith.constant 0 : i32
      %dma_wait3A_209 = tpu.memref_slice %arg26[%add3A_154, %dma_wait3A_208] : memref<10112x128xf32, #tpu.memory_space<vmem_shared>> -> memref<64x128xf32, #tpu.memory_space<vmem_shared>>
      %dma_wait3A_210 = arith.constant 0 : i32
      %dma_wait3A_211 = tpu.memref_slice %arg26[%add3A_154, %dma_wait3A_210] : memref<10112x128xf32, #tpu.memory_space<vmem_shared>> -> memref<64x128xf32, #tpu.memory_space<vmem_shared>>
      tpu.wait_dma2 semaphore(%run_scoped3A : memref<!tpu.dma_semaphore, #tpu.memory_space<semaphore_mem>>) src(%arg10 : memref<64x128xf32, #tpu.memory_space<vmem>>) dst(%dma_wait3A_211 : memref<64x128xf32, #tpu.memory_space<vmem_shared>>)
      tpu.yield
    }) : () -> ()
    %add3A_155 = arith.constant 384 : i32
    %add3A_156 = arith.addi %mul3A_0, %add3A_155 : i32
    "tpu.region"() ({
      %run_scoped3A = tpu.sem_alloc : memref<!tpu.dma_semaphore, #tpu.memory_space<semaphore_mem>>
      %dma_start3A_204 = arith.constant 0 : i32
      %dma_start3A_205 = tpu.memref_slice %arg26[%add3A_156, %dma_start3A_204] : memref<10112x128xf32, #tpu.memory_space<vmem_shared>> -> memref<64x128xf32, #tpu.memory_space<vmem_shared>>
      %dma_start3A_206 = arith.constant 0 : i32
      %dma_start3A_207 = tpu.memref_slice %arg26[%add3A_156, %dma_start3A_206] : memref<10112x128xf32, #tpu.memory_space<vmem_shared>> -> memref<64x128xf32, #tpu.memory_space<vmem_shared>>
      tpu.enqueue_dma source(%arg10 : memref<64x128xf32, #tpu.memory_space<vmem>>) target(%dma_start3A_207 : memref<64x128xf32, #tpu.memory_space<vmem_shared>>) target_semaphore(%run_scoped3A : memref<!tpu.dma_semaphore, #tpu.memory_space<semaphore_mem>>)
      %dma_wait3A_208 = arith.constant 0 : i32
      %dma_wait3A_209 = tpu.memref_slice %arg26[%add3A_156, %dma_wait3A_208] : memref<10112x128xf32, #tpu.memory_space<vmem_shared>> -> memref<64x128xf32, #tpu.memory_space<vmem_shared>>
      %dma_wait3A_210 = arith.constant 0 : i32
      %dma_wait3A_211 = tpu.memref_slice %arg26[%add3A_156, %dma_wait3A_210] : memref<10112x128xf32, #tpu.memory_space<vmem_shared>> -> memref<64x128xf32, #tpu.memory_space<vmem_shared>>
      tpu.wait_dma2 semaphore(%run_scoped3A : memref<!tpu.dma_semaphore, #tpu.memory_space<semaphore_mem>>) src(%arg10 : memref<64x128xf32, #tpu.memory_space<vmem>>) dst(%dma_wait3A_211 : memref<64x128xf32, #tpu.memory_space<vmem_shared>>)
      tpu.yield
    }) : () -> ()
    %add3A_157 = arith.constant 448 : i32
    %add3A_158 = arith.addi %mul3A_0, %add3A_157 : i32
    "tpu.region"() ({
      %run_scoped3A = tpu.sem_alloc : memref<!tpu.dma_semaphore, #tpu.memory_space<semaphore_mem>>
      %dma_start3A_204 = arith.constant 0 : i32
      %dma_start3A_205 = tpu.memref_slice %arg26[%add3A_158, %dma_start3A_204] : memref<10112x128xf32, #tpu.memory_space<vmem_shared>> -> memref<64x128xf32, #tpu.memory_space<vmem_shared>>
      %dma_start3A_206 = arith.constant 0 : i32
      %dma_start3A_207 = tpu.memref_slice %arg26[%add3A_158, %dma_start3A_206] : memref<10112x128xf32, #tpu.memory_space<vmem_shared>> -> memref<64x128xf32, #tpu.memory_space<vmem_shared>>
      tpu.enqueue_dma source(%arg10 : memref<64x128xf32, #tpu.memory_space<vmem>>) target(%dma_start3A_207 : memref<64x128xf32, #tpu.memory_space<vmem_shared>>) target_semaphore(%run_scoped3A : memref<!tpu.dma_semaphore, #tpu.memory_space<semaphore_mem>>)
      %dma_wait3A_208 = arith.constant 0 : i32
      %dma_wait3A_209 = tpu.memref_slice %arg26[%add3A_158, %dma_wait3A_208] : memref<10112x128xf32, #tpu.memory_space<vmem_shared>> -> memref<64x128xf32, #tpu.memory_space<vmem_shared>>
      %dma_wait3A_210 = arith.constant 0 : i32
      %dma_wait3A_211 = tpu.memref_slice %arg26[%add3A_158, %dma_wait3A_210] : memref<10112x128xf32, #tpu.memory_space<vmem_shared>> -> memref<64x128xf32, #tpu.memory_space<vmem_shared>>
      tpu.wait_dma2 semaphore(%run_scoped3A : memref<!tpu.dma_semaphore, #tpu.memory_space<semaphore_mem>>) src(%arg10 : memref<64x128xf32, #tpu.memory_space<vmem>>) dst(%dma_wait3A_211 : memref<64x128xf32, #tpu.memory_space<vmem_shared>>)
      tpu.yield
    }) : () -> ()
    %add3A_159 = arith.constant 512 : i32
    %add3A_160 = arith.addi %mul3A_0, %add3A_159 : i32
    "tpu.region"() ({
      %run_scoped3A = tpu.sem_alloc : memref<!tpu.dma_semaphore, #tpu.memory_space<semaphore_mem>>
      %dma_start3A_204 = arith.constant 0 : i32
      %dma_start3A_205 = tpu.memref_slice %arg26[%add3A_160, %dma_start3A_204] : memref<10112x128xf32, #tpu.memory_space<vmem_shared>> -> memref<64x128xf32, #tpu.memory_space<vmem_shared>>
      %dma_start3A_206 = arith.constant 0 : i32
      %dma_start3A_207 = tpu.memref_slice %arg26[%add3A_160, %dma_start3A_206] : memref<10112x128xf32, #tpu.memory_space<vmem_shared>> -> memref<64x128xf32, #tpu.memory_space<vmem_shared>>
      tpu.enqueue_dma source(%arg10 : memref<64x128xf32, #tpu.memory_space<vmem>>) target(%dma_start3A_207 : memref<64x128xf32, #tpu.memory_space<vmem_shared>>) target_semaphore(%run_scoped3A : memref<!tpu.dma_semaphore, #tpu.memory_space<semaphore_mem>>)
      %dma_wait3A_208 = arith.constant 0 : i32
      %dma_wait3A_209 = tpu.memref_slice %arg26[%add3A_160, %dma_wait3A_208] : memref<10112x128xf32, #tpu.memory_space<vmem_shared>> -> memref<64x128xf32, #tpu.memory_space<vmem_shared>>
      %dma_wait3A_210 = arith.constant 0 : i32
      %dma_wait3A_211 = tpu.memref_slice %arg26[%add3A_160, %dma_wait3A_210] : memref<10112x128xf32, #tpu.memory_space<vmem_shared>> -> memref<64x128xf32, #tpu.memory_space<vmem_shared>>
      tpu.wait_dma2 semaphore(%run_scoped3A : memref<!tpu.dma_semaphore, #tpu.memory_space<semaphore_mem>>) src(%arg10 : memref<64x128xf32, #tpu.memory_space<vmem>>) dst(%dma_wait3A_211 : memref<64x128xf32, #tpu.memory_space<vmem_shared>>)
      tpu.yield
    }) : () -> ()
    %add3A_161 = arith.constant 576 : i32
    %add3A_162 = arith.addi %mul3A_0, %add3A_161 : i32
    "tpu.region"() ({
      %run_scoped3A = tpu.sem_alloc : memref<!tpu.dma_semaphore, #tpu.memory_space<semaphore_mem>>
      %dma_start3A_204 = arith.constant 0 : i32
      %dma_start3A_205 = arith.constant 0 : i32
      %dma_start3A_206 = tpu.memref_slice %arg10[%dma_start3A_204, %dma_start3A_205] : memref<64x128xf32, #tpu.memory_space<vmem>> -> memref<56x128xf32, #tpu.memory_space<vmem>>
      %dma_start3A_207 = arith.constant 0 : i32
      %dma_start3A_208 = tpu.memref_slice %arg26[%add3A_162, %dma_start3A_207] : memref<10112x128xf32, #tpu.memory_space<vmem_shared>> -> memref<56x128xf32, #tpu.memory_space<vmem_shared>>
      %dma_start3A_209 = arith.constant 0 : i32
      %dma_start3A_210 = tpu.memref_slice %arg26[%add3A_162, %dma_start3A_209] : memref<10112x128xf32, #tpu.memory_space<vmem_shared>> -> memref<56x128xf32, #tpu.memory_space<vmem_shared>>
      %dma_start3A_211 = arith.constant 0 : i32
      %dma_start3A_212 = arith.constant 0 : i32
      %dma_start3A_213 = tpu.memref_slice %arg10[%dma_start3A_211, %dma_start3A_212] : memref<64x128xf32, #tpu.memory_space<vmem>> -> memref<56x128xf32, #tpu.memory_space<vmem>>
      tpu.enqueue_dma source(%dma_start3A_213 : memref<56x128xf32, #tpu.memory_space<vmem>>) target(%dma_start3A_210 : memref<56x128xf32, #tpu.memory_space<vmem_shared>>) target_semaphore(%run_scoped3A : memref<!tpu.dma_semaphore, #tpu.memory_space<semaphore_mem>>)
      %dma_wait3A_214 = arith.constant 0 : i32
      %dma_wait3A_215 = arith.constant 0 : i32
      %dma_wait3A_216 = tpu.memref_slice %arg10[%dma_wait3A_214, %dma_wait3A_215] : memref<64x128xf32, #tpu.memory_space<vmem>> -> memref<56x128xf32, #tpu.memory_space<vmem>>
      %dma_wait3A_217 = arith.constant 0 : i32
      %dma_wait3A_218 = tpu.memref_slice %arg26[%add3A_162, %dma_wait3A_217] : memref<10112x128xf32, #tpu.memory_space<vmem_shared>> -> memref<56x128xf32, #tpu.memory_space<vmem_shared>>
      %dma_wait3A_219 = arith.constant 0 : i32
      %dma_wait3A_220 = tpu.memref_slice %arg26[%add3A_162, %dma_wait3A_219] : memref<10112x128xf32, #tpu.memory_space<vmem_shared>> -> memref<56x128xf32, #tpu.memory_space<vmem_shared>>
      %dma_wait3A_221 = arith.constant 0 : i32
      %dma_wait3A_222 = arith.constant 0 : i32
      %dma_wait3A_223 = tpu.memref_slice %arg10[%dma_wait3A_221, %dma_wait3A_222] : memref<64x128xf32, #tpu.memory_space<vmem>> -> memref<56x128xf32, #tpu.memory_space<vmem>>
      tpu.wait_dma2 semaphore(%run_scoped3A : memref<!tpu.dma_semaphore, #tpu.memory_space<semaphore_mem>>) src(%dma_wait3A_223 : memref<56x128xf32, #tpu.memory_space<vmem>>) dst(%dma_wait3A_220 : memref<56x128xf32, #tpu.memory_space<vmem_shared>>)
      tpu.yield
    }) : () -> ()
    %barrier3A_163 = arith.constant 0 : index
    tpu.barrier barrier_id(%barrier3A_163)
    %mul3A_164 = arith.constant 1280 : i32
    %mul3A_165 = arith.muli %arg0, %mul3A_164 : i32
    %mul3A_166 = arith.constant 80 : i32
    %mul3A_167 = arith.muli %arg1, %mul3A_166 : i32
    %add3A_168 = arith.addi %mul3A_165, %mul3A_167 : i32
    %mul3A_169 = arith.constant 64 : i32
    %mul3A_170 = arith.muli %add3A_168, %mul3A_169 : i32
    %dma_start3A_171 = arith.constant 0 : i32
    %dma_start3A_172 = tpu.memref_slice %arg3[%mul3A_170, %dma_start3A_171] : memref<163840x16xf32, #tpu.memory_space<hbm>> -> memref<64x16xf32, #tpu.memory_space<hbm>>
    %dma_start3A_173 = arith.constant 0 : i32
    %dma_start3A_174 = tpu.memref_slice %arg3[%mul3A_170, %dma_start3A_173] : memref<163840x16xf32, #tpu.memory_space<hbm>> -> memref<64x16xf32, #tpu.memory_space<hbm>>
    tpu.enqueue_dma source(%dma_start3A_174 : memref<64x16xf32, #tpu.memory_space<hbm>>) target(%arg18 : memref<64x16xf32, #tpu.memory_space<vmem>>) target_semaphore(%arg20 : memref<!tpu.dma_semaphore, #tpu.memory_space<semaphore_mem>>)
    %dma_start3A_175 = arith.constant 0 : i32
    %dma_start3A_176 = arith.constant 0 : i32
    %dma_start3A_177 = tpu.memref_slice %arg4[%add3A_168, %dma_start3A_175, %dma_start3A_176] : memref<2560x1x64xi32, #tpu.memory_space<hbm>> -> memref<1x1x64xi32, #tpu.memory_space<hbm>>
    %dma_start3A_178 = tpu.memref_squeeze %dma_start3A_177 : memref<1x1x64xi32, #tpu.memory_space<hbm>> -> memref<1x64xi32, #tpu.memory_space<hbm>>
    %dma_start3A_179 = arith.constant 0 : i32
    %dma_start3A_180 = arith.constant 0 : i32
    %dma_start3A_181 = tpu.memref_slice %arg4[%add3A_168, %dma_start3A_179, %dma_start3A_180] : memref<2560x1x64xi32, #tpu.memory_space<hbm>> -> memref<1x1x64xi32, #tpu.memory_space<hbm>>
    %dma_start3A_182 = tpu.memref_squeeze %dma_start3A_181 : memref<1x1x64xi32, #tpu.memory_space<hbm>> -> memref<1x64xi32, #tpu.memory_space<hbm>>
    tpu.enqueue_dma source(%dma_start3A_182 : memref<1x64xi32, #tpu.memory_space<hbm>>) target(%arg14 : memref<1x64xi32, #tpu.memory_space<vmem>>) target_semaphore(%arg20 : memref<!tpu.dma_semaphore, #tpu.memory_space<semaphore_mem>>)
    %dma_start3A_183 = arith.constant 0 : i32
    %dma_start3A_184 = tpu.memref_slice %arg5[%add3A_168, %dma_start3A_183] : memref<2560x64xi32, #tpu.memory_space<hbm>> -> memref<1x64xi32, #tpu.memory_space<hbm>>
    %dma_start3A_185 = tpu.memref_squeeze %dma_start3A_184 : memref<1x64xi32, #tpu.memory_space<hbm>> -> memref<64xi32, #tpu.memory_space<hbm>>
    %dma_start3A_186 = arith.constant 0 : i32
    %dma_start3A_187 = tpu.memref_slice %arg5[%add3A_168, %dma_start3A_186] : memref<2560x64xi32, #tpu.memory_space<hbm>> -> memref<1x64xi32, #tpu.memory_space<hbm>>
    %dma_start3A_188 = tpu.memref_squeeze %dma_start3A_187 : memref<1x64xi32, #tpu.memory_space<hbm>> -> memref<64xi32, #tpu.memory_space<hbm>>
    tpu.enqueue_dma source(%dma_start3A_188 : memref<64xi32, #tpu.memory_space<hbm>>) target(%arg16 : memref<64xi32, #tpu.memory_space<vmem>>) target_semaphore(%arg20 : memref<!tpu.dma_semaphore, #tpu.memory_space<semaphore_mem>>)
    %scan3A_189 = arith.constant 0 : i32
    %scan3A_190 = arith.constant 0 : i32
    %scan3A_191 = arith.constant 40 : i32
    %scan3A_192 = arith.addi %scan3A_190, %scan3A_191 : i32
    %scan3A_193 = arith.constant 1 : i32
    %scan3A_194 = scf.for %scan3A_204 = %scan3A_190 to %scan3A_192 step %scan3A_193 iter_args(%scan3A_205 = %scan3A_189) -> (i32)  : i32 {
      %mul3A_206 = arith.constant 2 : i32
      %mul3A_207 = arith.muli %mul3A_206, %scan3A_204 : i32
      %add3A_208 = arith.addi %add3A_168, %mul3A_207 : i32
      %add3A_209 = arith.constant 1 : i32
      %add3A_210 = arith.addi %add3A_208, %add3A_209 : i32
      %mul3A_211 = arith.constant 64 : i32
      %mul3A_212 = arith.muli %add3A_208, %mul3A_211 : i32
      %dma_wait3A_213 = arith.constant 0 : i32
      %dma_wait3A_214 = tpu.memref_slice %arg3[%mul3A_212, %dma_wait3A_213] : memref<163840x16xf32, #tpu.memory_space<hbm>> -> memref<64x16xf32, #tpu.memory_space<hbm>>
      %dma_wait3A_215 = arith.constant 0 : i32
      %dma_wait3A_216 = tpu.memref_slice %arg3[%mul3A_212, %dma_wait3A_215] : memref<163840x16xf32, #tpu.memory_space<hbm>> -> memref<64x16xf32, #tpu.memory_space<hbm>>
      tpu.wait_dma2 semaphore(%arg20 : memref<!tpu.dma_semaphore, #tpu.memory_space<semaphore_mem>>) src(%dma_wait3A_216 : memref<64x16xf32, #tpu.memory_space<hbm>>) dst(%arg18 : memref<64x16xf32, #tpu.memory_space<vmem>>)
      %dma_wait3A_217 = arith.constant 0 : i32
      %dma_wait3A_218 = arith.constant 0 : i32
      %dma_wait3A_219 = tpu.memref_slice %arg4[%add3A_208, %dma_wait3A_217, %dma_wait3A_218] : memref<2560x1x64xi32, #tpu.memory_space<hbm>> -> memref<1x1x64xi32, #tpu.memory_space<hbm>>
      %dma_wait3A_220 = tpu.memref_squeeze %dma_wait3A_219 : memref<1x1x64xi32, #tpu.memory_space<hbm>> -> memref<1x64xi32, #tpu.memory_space<hbm>>
      %dma_wait3A_221 = arith.constant 0 : i32
      %dma_wait3A_222 = arith.constant 0 : i32
      %dma_wait3A_223 = tpu.memref_slice %arg4[%add3A_208, %dma_wait3A_221, %dma_wait3A_222] : memref<2560x1x64xi32, #tpu.memory_space<hbm>> -> memref<1x1x64xi32, #tpu.memory_space<hbm>>
      %dma_wait3A_224 = tpu.memref_squeeze %dma_wait3A_223 : memref<1x1x64xi32, #tpu.memory_space<hbm>> -> memref<1x64xi32, #tpu.memory_space<hbm>>
      tpu.wait_dma2 semaphore(%arg20 : memref<!tpu.dma_semaphore, #tpu.memory_space<semaphore_mem>>) src(%dma_wait3A_224 : memref<1x64xi32, #tpu.memory_space<hbm>>) dst(%arg14 : memref<1x64xi32, #tpu.memory_space<vmem>>)
      %dma_wait3A_225 = arith.constant 0 : i32
      %dma_wait3A_226 = tpu.memref_slice %arg5[%add3A_208, %dma_wait3A_225] : memref<2560x64xi32, #tpu.memory_space<hbm>> -> memref<1x64xi32, #tpu.memory_space<hbm>>
      %dma_wait3A_227 = tpu.memref_squeeze %dma_wait3A_226 : memref<1x64xi32, #tpu.memory_space<hbm>> -> memref<64xi32, #tpu.memory_space<hbm>>
      %dma_wait3A_228 = arith.constant 0 : i32
      %dma_wait3A_229 = tpu.memref_slice %arg5[%add3A_208, %dma_wait3A_228] : memref<2560x64xi32, #tpu.memory_space<hbm>> -> memref<1x64xi32, #tpu.memory_space<hbm>>
      %dma_wait3A_230 = tpu.memref_squeeze %dma_wait3A_229 : memref<1x64xi32, #tpu.memory_space<hbm>> -> memref<64xi32, #tpu.memory_space<hbm>>
      tpu.wait_dma2 semaphore(%arg20 : memref<!tpu.dma_semaphore, #tpu.memory_space<semaphore_mem>>) src(%dma_wait3A_230 : memref<64xi32, #tpu.memory_space<hbm>>) dst(%arg16 : memref<64xi32, #tpu.memory_space<vmem>>)
      %dma_start3A_231 = arith.constant 0 : i32
      %dma_start3A_232 = arith.constant 0 : i32
      %dma_start3A_233 = tpu.memref_slice %arg7[%dma_start3A_231, %dma_start3A_232] : memref<10000x128xf32, #tpu.memory_space<hbm>> -> memref<10000x128xf32, #tpu.memory_space<hbm>>
      tpu.enqueue_indirect_dma source(%dma_start3A_233 : memref<10000x128xf32, #tpu.memory_space<hbm>>) target(%arg12 : memref<64x128xf32, #tpu.memory_space<vmem>>) offsets(%arg16 : memref<64xi32, #tpu.memory_space<vmem>>) semaphore(%arg22 : memref<!tpu.dma_semaphore, #tpu.memory_space<semaphore_mem>>)
      %gt3A = arith.constant 0 : i32
      %gt3A_234 = arith.cmpi sgt, %scan3A_204, %gt3A : i32
      %convert_element_type3A = arith.extui %gt3A_234 : i1 to i32
      %cond3A = arith.constant 0 : i32
      %cond3A_235 = arith.cmpi ne, %convert_element_type3A, %cond3A : i32
      scf.if %cond3A_235 {
        %dma_wait3A_327 = arith.constant 0 : i32
        %dma_wait3A_328 = arith.constant 0 : i32
        %dma_wait3A_329 = tpu.memref_slice %arg15[%dma_wait3A_327, %dma_wait3A_328] : memref<1x64xi32, #tpu.memory_space<vmem>> -> memref<1x64xi32, #tpu.memory_space<vmem>>
        %dma_wait3A_330 = tpu.memref_squeeze %dma_wait3A_329 : memref<1x64xi32, #tpu.memory_space<vmem>> -> memref<64xi32, #tpu.memory_space<vmem>>
        %dma_wait3A_331 = arith.constant 0 : i32
        %dma_wait3A_332 = arith.constant 0 : i32
        %dma_wait3A_333 = tpu.memref_slice %arg26[%dma_wait3A_331, %dma_wait3A_332] : memref<10112x128xf32, #tpu.memory_space<vmem_shared>> -> memref<10112x128xf32, #tpu.memory_space<vmem_shared>>
        tpu.wait_indirect_dma semaphore(%arg25 : memref<!tpu.dma_semaphore, #tpu.memory_space<semaphore_mem>>) src(%arg11 : memref<64x128xf32, #tpu.memory_space<vmem>>) dst(%dma_wait3A_333 : memref<10112x128xf32, #tpu.memory_space<vmem_shared>>)
      } else {
      }
      %mul3A_236 = arith.constant 64 : i32
      %mul3A_237 = arith.muli %add3A_210, %mul3A_236 : i32
      %dma_start3A_238 = arith.constant 0 : i32
      %dma_start3A_239 = tpu.memref_slice %arg3[%mul3A_237, %dma_start3A_238] : memref<163840x16xf32, #tpu.memory_space<hbm>> -> memref<64x16xf32, #tpu.memory_space<hbm>>
      %dma_start3A_240 = arith.constant 0 : i32
      %dma_start3A_241 = tpu.memref_slice %arg3[%mul3A_237, %dma_start3A_240] : memref<163840x16xf32, #tpu.memory_space<hbm>> -> memref<64x16xf32, #tpu.memory_space<hbm>>
      tpu.enqueue_dma source(%dma_start3A_241 : memref<64x16xf32, #tpu.memory_space<hbm>>) target(%arg19 : memref<64x16xf32, #tpu.memory_space<vmem>>) target_semaphore(%arg21 : memref<!tpu.dma_semaphore, #tpu.memory_space<semaphore_mem>>)
      %dma_start3A_242 = arith.constant 0 : i32
      %dma_start3A_243 = arith.constant 0 : i32
      %dma_start3A_244 = tpu.memref_slice %arg4[%add3A_210, %dma_start3A_242, %dma_start3A_243] : memref<2560x1x64xi32, #tpu.memory_space<hbm>> -> memref<1x1x64xi32, #tpu.memory_space<hbm>>
      %dma_start3A_245 = tpu.memref_squeeze %dma_start3A_244 : memref<1x1x64xi32, #tpu.memory_space<hbm>> -> memref<1x64xi32, #tpu.memory_space<hbm>>
      %dma_start3A_246 = arith.constant 0 : i32
      %dma_start3A_247 = arith.constant 0 : i32
      %dma_start3A_248 = tpu.memref_slice %arg4[%add3A_210, %dma_start3A_246, %dma_start3A_247] : memref<2560x1x64xi32, #tpu.memory_space<hbm>> -> memref<1x1x64xi32, #tpu.memory_space<hbm>>
      %dma_start3A_249 = tpu.memref_squeeze %dma_start3A_248 : memref<1x1x64xi32, #tpu.memory_space<hbm>> -> memref<1x64xi32, #tpu.memory_space<hbm>>
      tpu.enqueue_dma source(%dma_start3A_249 : memref<1x64xi32, #tpu.memory_space<hbm>>) target(%arg15 : memref<1x64xi32, #tpu.memory_space<vmem>>) target_semaphore(%arg21 : memref<!tpu.dma_semaphore, #tpu.memory_space<semaphore_mem>>)
      %dma_start3A_250 = arith.constant 0 : i32
      %dma_start3A_251 = tpu.memref_slice %arg5[%add3A_210, %dma_start3A_250] : memref<2560x64xi32, #tpu.memory_space<hbm>> -> memref<1x64xi32, #tpu.memory_space<hbm>>
      %dma_start3A_252 = tpu.memref_squeeze %dma_start3A_251 : memref<1x64xi32, #tpu.memory_space<hbm>> -> memref<64xi32, #tpu.memory_space<hbm>>
      %dma_start3A_253 = arith.constant 0 : i32
      %dma_start3A_254 = tpu.memref_slice %arg5[%add3A_210, %dma_start3A_253] : memref<2560x64xi32, #tpu.memory_space<hbm>> -> memref<1x64xi32, #tpu.memory_space<hbm>>
      %dma_start3A_255 = tpu.memref_squeeze %dma_start3A_254 : memref<1x64xi32, #tpu.memory_space<hbm>> -> memref<64xi32, #tpu.memory_space<hbm>>
      tpu.enqueue_dma source(%dma_start3A_255 : memref<64xi32, #tpu.memory_space<hbm>>) target(%arg17 : memref<64xi32, #tpu.memory_space<vmem>>) target_semaphore(%arg21 : memref<!tpu.dma_semaphore, #tpu.memory_space<semaphore_mem>>)
      %dma_wait3A_256 = arith.constant 0 : i32
      %dma_wait3A_257 = arith.constant 0 : i32
      %dma_wait3A_258 = tpu.memref_slice %arg7[%dma_wait3A_256, %dma_wait3A_257] : memref<10000x128xf32, #tpu.memory_space<hbm>> -> memref<10000x128xf32, #tpu.memory_space<hbm>>
      tpu.wait_indirect_dma semaphore(%arg22 : memref<!tpu.dma_semaphore, #tpu.memory_space<semaphore_mem>>) src(%dma_wait3A_258 : memref<10000x128xf32, #tpu.memory_space<hbm>>) dst(%arg12 : memref<64x128xf32, #tpu.memory_space<vmem>>)
      %scan3A_259 = arith.constant 0 : i32
      %scan3A_260 = arith.constant 0 : i32
      %scan3A_261 = arith.constant 64 : i32
      %scan3A_262 = arith.addi %scan3A_260, %scan3A_261 : i32
      %scan3A_263 = arith.constant 1 : i32
      %scan3A_264 = scf.for %scan3A_327 = %scan3A_260 to %scan3A_262 step %scan3A_263 iter_args(%scan3A_328 = %scan3A_259) -> (i32)  : i32 {
        %get3A = arith.index_cast %scan3A_327 : i32 to index
        %get3A_329 = arith.constant 0 : index
        %get3A_330 = tpu.vector_load %arg18[%get3A, %get3A_329] {strides = array<i32>} : memref<64x16xf32, #tpu.memory_space<vmem>>, vector<1x16xf32>,
        %get3A_331 = vector.shape_cast %get3A_330 : vector<1x16xf32> to vector<16xf32>
        %get3A_332 = arith.index_cast %scan3A_327 : i32 to index
        %get3A_333 = arith.constant 0 : index
        %get3A_334 = tpu.vector_load %arg12[%get3A_332, %get3A_333] {strides = array<i32>} : memref<64x128xf32, #tpu.memory_space<vmem>>, vector<1x16xf32>,
        %get3A_335 = vector.shape_cast %get3A_334 : vector<1x16xf32> to vector<16xf32>
        %mul3A_336 = arith.mulf %get3A_335, %get3A_331 : vector<16xf32>
        %get3A_337 = arith.index_cast %scan3A_327 : i32 to index
        %get3A_338 = arith.constant 16 : index
        %get3A_339 = tpu.vector_load %arg12[%get3A_337, %get3A_338] {strides = array<i32>} : memref<64x128xf32, #tpu.memory_space<vmem>>, vector<1x16xf32>,
        %get3A_340 = vector.shape_cast %get3A_339 : vector<1x16xf32> to vector<16xf32>
        %mul3A_341 = arith.mulf %get3A_340, %get3A_331 : vector<16xf32>
        %get3A_342 = arith.index_cast %scan3A_327 : i32 to index
        %get3A_343 = arith.constant 32 : index
        %get3A_344 = tpu.vector_load %arg12[%get3A_342, %get3A_343] {strides = array<i32>} : memref<64x128xf32, #tpu.memory_space<vmem>>, vector<1x16xf32>,
        %get3A_345 = vector.shape_cast %get3A_344 : vector<1x16xf32> to vector<16xf32>
        %mul3A_346 = arith.mulf %get3A_345, %get3A_331 : vector<16xf32>
        %get3A_347 = arith.index_cast %scan3A_327 : i32 to index
        %get3A_348 = arith.constant 48 : index
        %get3A_349 = tpu.vector_load %arg12[%get3A_347, %get3A_348] {strides = array<i32>} : memref<64x128xf32, #tpu.memory_space<vmem>>, vector<1x16xf32>,
        %get3A_350 = vector.shape_cast %get3A_349 : vector<1x16xf32> to vector<16xf32>
        %mul3A_351 = arith.mulf %get3A_350, %get3A_331 : vector<16xf32>
        %swap3A = arith.index_cast %scan3A_327 : i32 to index
        %swap3A_352 = arith.constant 0 : index
        %swap3A_353 = tpu.vector_load %arg10[%swap3A, %swap3A_352] {strides = array<i32>} : memref<64x128xf32, #tpu.memory_space<vmem>>, vector<1x16xf32>,
        %swap3A_354 = vector.shape_cast %swap3A_353 : vector<1x16xf32> to vector<16xf32>
        %swap3A_355 = vector.shape_cast %mul3A_336 : vector<16xf32> to vector<1x16xf32>
        tpu.vector_store %arg10[%swap3A, %swap3A_352], %swap3A_355 {strides = array<i32>} : memref<64x128xf32, #tpu.memory_space<vmem>>, vector<1x16xf32>,
        %swap3A_356 = arith.index_cast %scan3A_327 : i32 to index
        %swap3A_357 = arith.constant 16 : index
        %swap3A_358 = tpu.vector_load %arg10[%swap3A_356, %swap3A_357] {strides = array<i32>} : memref<64x128xf32, #tpu.memory_space<vmem>>, vector<1x16xf32>,
        %swap3A_359 = vector.shape_cast %swap3A_358 : vector<1x16xf32> to vector<16xf32>
        %swap3A_360 = vector.shape_cast %mul3A_341 : vector<16xf32> to vector<1x16xf32>
        tpu.vector_store %arg10[%swap3A_356, %swap3A_357], %swap3A_360 {strides = array<i32>} : memref<64x128xf32, #tpu.memory_space<vmem>>, vector<1x16xf32>,
        %swap3A_361 = arith.index_cast %scan3A_327 : i32 to index
        %swap3A_362 = arith.constant 32 : index
        %swap3A_363 = tpu.vector_load %arg10[%swap3A_361, %swap3A_362] {strides = array<i32>} : memref<64x128xf32, #tpu.memory_space<vmem>>, vector<1x16xf32>,
        %swap3A_364 = vector.shape_cast %swap3A_363 : vector<1x16xf32> to vector<16xf32>
        %swap3A_365 = vector.shape_cast %mul3A_346 : vector<16xf32> to vector<1x16xf32>
        tpu.vector_store %arg10[%swap3A_361, %swap3A_362], %swap3A_365 {strides = array<i32>} : memref<64x128xf32, #tpu.memory_space<vmem>>, vector<1x16xf32>,
        %swap3A_366 = arith.index_cast %scan3A_327 : i32 to index
        %swap3A_367 = arith.constant 48 : index
        %swap3A_368 = tpu.vector_load %arg10[%swap3A_366, %swap3A_367] {strides = array<i32>} : memref<64x128xf32, #tpu.memory_space<vmem>>, vector<1x16xf32>,
        %swap3A_369 = vector.shape_cast %swap3A_368 : vector<1x16xf32> to vector<16xf32>
        %swap3A_370 = vector.shape_cast %mul3A_351 : vector<16xf32> to vector<1x16xf32>
        tpu.vector_store %arg10[%swap3A_366, %swap3A_367], %swap3A_370 {strides = array<i32>} : memref<64x128xf32, #tpu.memory_space<vmem>>, vector<1x16xf32>,
        %scan3A_371 = arith.constant 0 : i32
        scf.yield %scan3A_371 : i32
      }
      %scan3A_265 = arith.constant 64 : i32
      %dma_start3A_266 = arith.constant 0 : i32
      %dma_start3A_267 = arith.constant 0 : i32
      %dma_start3A_268 = tpu.memref_slice %arg14[%dma_start3A_266, %dma_start3A_267] : memref<1x64xi32, #tpu.memory_space<vmem>> -> memref<1x64xi32, #tpu.memory_space<vmem>>
      %dma_start3A_269 = tpu.memref_squeeze %dma_start3A_268 : memref<1x64xi32, #tpu.memory_space<vmem>> -> memref<64xi32, #tpu.memory_space<vmem>>
      %dma_start3A_270 = arith.constant 0 : i32
      %dma_start3A_271 = arith.constant 0 : i32
      %dma_start3A_272 = tpu.memref_slice %arg26[%dma_start3A_270, %dma_start3A_271] : memref<10112x128xf32, #tpu.memory_space<vmem_shared>> -> memref<10112x128xf32, #tpu.memory_space<vmem_shared>>
      tpu.enqueue_indirect_dma source(%arg10 : memref<64x128xf32, #tpu.memory_space<vmem>>) target(%dma_start3A_272 : memref<10112x128xf32, #tpu.memory_space<vmem_shared>>) offsets(%dma_start3A_269 : memref<64xi32, #tpu.memory_space<vmem>>) semaphore(%arg24 : memref<!tpu.dma_semaphore, #tpu.memory_space<semaphore_mem>>) {add = true}
      %mul3A_273 = arith.constant 64 : i32
      %mul3A_274 = arith.muli %add3A_210, %mul3A_273 : i32
      %dma_wait3A_275 = arith.constant 0 : i32
      %dma_wait3A_276 = tpu.memref_slice %arg3[%mul3A_274, %dma_wait3A_275] : memref<163840x16xf32, #tpu.memory_space<hbm>> -> memref<64x16xf32, #tpu.memory_space<hbm>>
      %dma_wait3A_277 = arith.constant 0 : i32
      %dma_wait3A_278 = tpu.memref_slice %arg3[%mul3A_274, %dma_wait3A_277] : memref<163840x16xf32, #tpu.memory_space<hbm>> -> memref<64x16xf32, #tpu.memory_space<hbm>>
      tpu.wait_dma2 semaphore(%arg21 : memref<!tpu.dma_semaphore, #tpu.memory_space<semaphore_mem>>) src(%dma_wait3A_278 : memref<64x16xf32, #tpu.memory_space<hbm>>) dst(%arg19 : memref<64x16xf32, #tpu.memory_space<vmem>>)
      %dma_wait3A_279 = arith.constant 0 : i32
      %dma_wait3A_280 = arith.constant 0 : i32
      %dma_wait3A_281 = tpu.memref_slice %arg4[%add3A_210, %dma_wait3A_279, %dma_wait3A_280] : memref<2560x1x64xi32, #tpu.memory_space<hbm>> -> memref<1x1x64xi32, #tpu.memory_space<hbm>>
      %dma_wait3A_282 = tpu.memref_squeeze %dma_wait3A_281 : memref<1x1x64xi32, #tpu.memory_space<hbm>> -> memref<1x64xi32, #tpu.memory_space<hbm>>
      %dma_wait3A_283 = arith.constant 0 : i32
      %dma_wait3A_284 = arith.constant 0 : i32
      %dma_wait3A_285 = tpu.memref_slice %arg4[%add3A_210, %dma_wait3A_283, %dma_wait3A_284] : memref<2560x1x64xi32, #tpu.memory_space<hbm>> -> memref<1x1x64xi32, #tpu.memory_space<hbm>>
      %dma_wait3A_286 = tpu.memref_squeeze %dma_wait3A_285 : memref<1x1x64xi32, #tpu.memory_space<hbm>> -> memref<1x64xi32, #tpu.memory_space<hbm>>
      tpu.wait_dma2 semaphore(%arg21 : memref<!tpu.dma_semaphore, #tpu.memory_space<semaphore_mem>>) src(%dma_wait3A_286 : memref<1x64xi32, #tpu.memory_space<hbm>>) dst(%arg15 : memref<1x64xi32, #tpu.memory_space<vmem>>)
      %dma_wait3A_287 = arith.constant 0 : i32
      %dma_wait3A_288 = tpu.memref_slice %arg5[%add3A_210, %dma_wait3A_287] : memref<2560x64xi32, #tpu.memory_space<hbm>> -> memref<1x64xi32, #tpu.memory_space<hbm>>
      %dma_wait3A_289 = tpu.memref_squeeze %dma_wait3A_288 : memref<1x64xi32, #tpu.memory_space<hbm>> -> memref<64xi32, #tpu.memory_space<hbm>>
      %dma_wait3A_290 = arith.constant 0 : i32
      %dma_wait3A_291 = tpu.memref_slice %arg5[%add3A_210, %dma_wait3A_290] : memref<2560x64xi32, #tpu.memory_space<hbm>> -> memref<1x64xi32, #tpu.memory_space<hbm>>
      %dma_wait3A_292 = tpu.memref_squeeze %dma_wait3A_291 : memref<1x64xi32, #tpu.memory_space<hbm>> -> memref<64xi32, #tpu.memory_space<hbm>>
      tpu.wait_dma2 semaphore(%arg21 : memref<!tpu.dma_semaphore, #tpu.memory_space<semaphore_mem>>) src(%dma_wait3A_292 : memref<64xi32, #tpu.memory_space<hbm>>) dst(%arg17 : memref<64xi32, #tpu.memory_space<vmem>>)
      %dma_start3A_293 = arith.constant 0 : i32
      %dma_start3A_294 = arith.constant 0 : i32
      %dma_start3A_295 = tpu.memref_slice %arg7[%dma_start3A_293, %dma_start3A_294] : memref<10000x128xf32, #tpu.memory_space<hbm>> -> memref<10000x128xf32, #tpu.memory_space<hbm>>
      tpu.enqueue_indirect_dma source(%dma_start3A_295 : memref<10000x128xf32, #tpu.memory_space<hbm>>) target(%arg13 : memref<64x128xf32, #tpu.memory_space<vmem>>) offsets(%arg17 : memref<64xi32, #tpu.memory_space<vmem>>) semaphore(%arg23 : memref<!tpu.dma_semaphore, #tpu.memory_space<semaphore_mem>>)
      %dma_wait3A_296 = arith.constant 0 : i32
      %dma_wait3A_297 = arith.constant 0 : i32
      %dma_wait3A_298 = tpu.memref_slice %arg14[%dma_wait3A_296, %dma_wait3A_297] : memref<1x64xi32, #tpu.memory_space<vmem>> -> memref<1x64xi32, #tpu.memory_space<vmem>>
      %dma_wait3A_299 = tpu.memref_squeeze %dma_wait3A_298 : memref<1x64xi32, #tpu.memory_space<vmem>> -> memref<64xi32, #tpu.memory_space<vmem>>
      %dma_wait3A_300 = arith.constant 0 : i32
      %dma_wait3A_301 = arith.constant 0 : i32
      %dma_wait3A_302 = tpu.memref_slice %arg26[%dma_wait3A_300, %dma_wait3A_301] : memref<10112x128xf32, #tpu.memory_space<vmem_shared>> -> memref<10112x128xf32, #tpu.memory_space<vmem_shared>>
      tpu.wait_indirect_dma semaphore(%arg24 : memref<!tpu.dma_semaphore, #tpu.memory_space<semaphore_mem>>) src(%arg10 : memref<64x128xf32, #tpu.memory_space<vmem>>) dst(%dma_wait3A_302 : memref<10112x128xf32, #tpu.memory_space<vmem_shared>>)
      %add3A_303 = arith.constant 1 : i32
      %add3A_304 = arith.addi %scan3A_204, %add3A_303 : i32
      %lt3A = arith.constant 40 : i32
      %lt3A_305 = arith.cmpi slt, %add3A_304, %lt3A : i32
      %convert_element_type3A_306 = arith.extui %lt3A_305 : i1 to i32
      %cond3A_307 = arith.constant 0 : i32
      %cond3A_308 = arith.cmpi ne, %convert_element_type3A_306, %cond3A_307 : i32
      scf.if %cond3A_308 {
        %add3A_327 = arith.constant 2 : i32
        %add3A_328 = arith.addi %add3A_208, %add3A_327 : i32
        %mul3A_329 = arith.constant 64 : i32
        %mul3A_330 = arith.muli %add3A_328, %mul3A_329 : i32
        %dma_start3A_331 = arith.constant 0 : i32
        %dma_start3A_332 = tpu.memref_slice %arg3[%mul3A_330, %dma_start3A_331] : memref<163840x16xf32, #tpu.memory_space<hbm>> -> memref<64x16xf32, #tpu.memory_space<hbm>>
        %dma_start3A_333 = arith.constant 0 : i32
        %dma_start3A_334 = tpu.memref_slice %arg3[%mul3A_330, %dma_start3A_333] : memref<163840x16xf32, #tpu.memory_space<hbm>> -> memref<64x16xf32, #tpu.memory_space<hbm>>
        tpu.enqueue_dma source(%dma_start3A_334 : memref<64x16xf32, #tpu.memory_space<hbm>>) target(%arg18 : memref<64x16xf32, #tpu.memory_space<vmem>>) target_semaphore(%arg20 : memref<!tpu.dma_semaphore, #tpu.memory_space<semaphore_mem>>)
        %dma_start3A_335 = arith.constant 0 : i32
        %dma_start3A_336 = arith.constant 0 : i32
        %dma_start3A_337 = tpu.memref_slice %arg4[%add3A_328, %dma_start3A_335, %dma_start3A_336] : memref<2560x1x64xi32, #tpu.memory_space<hbm>> -> memref<1x1x64xi32, #tpu.memory_space<hbm>>
        %dma_start3A_338 = tpu.memref_squeeze %dma_start3A_337 : memref<1x1x64xi32, #tpu.memory_space<hbm>> -> memref<1x64xi32, #tpu.memory_space<hbm>>
        %dma_start3A_339 = arith.constant 0 : i32
        %dma_start3A_340 = arith.constant 0 : i32
        %dma_start3A_341 = tpu.memref_slice %arg4[%add3A_328, %dma_start3A_339, %dma_start3A_340] : memref<2560x1x64xi32, #tpu.memory_space<hbm>> -> memref<1x1x64xi32, #tpu.memory_space<hbm>>
        %dma_start3A_342 = tpu.memref_squeeze %dma_start3A_341 : memref<1x1x64xi32, #tpu.memory_space<hbm>> -> memref<1x64xi32, #tpu.memory_space<hbm>>
        tpu.enqueue_dma source(%dma_start3A_342 : memref<1x64xi32, #tpu.memory_space<hbm>>) target(%arg14 : memref<1x64xi32, #tpu.memory_space<vmem>>) target_semaphore(%arg20 : memref<!tpu.dma_semaphore, #tpu.memory_space<semaphore_mem>>)
        %dma_start3A_343 = arith.constant 0 : i32
        %dma_start3A_344 = tpu.memref_slice %arg5[%add3A_328, %dma_start3A_343] : memref<2560x64xi32, #tpu.memory_space<hbm>> -> memref<1x64xi32, #tpu.memory_space<hbm>>
        %dma_start3A_345 = tpu.memref_squeeze %dma_start3A_344 : memref<1x64xi32, #tpu.memory_space<hbm>> -> memref<64xi32, #tpu.memory_space<hbm>>
        %dma_start3A_346 = arith.constant 0 : i32
        %dma_start3A_347 = tpu.memref_slice %arg5[%add3A_328, %dma_start3A_346] : memref<2560x64xi32, #tpu.memory_space<hbm>> -> memref<1x64xi32, #tpu.memory_space<hbm>>
        %dma_start3A_348 = tpu.memref_squeeze %dma_start3A_347 : memref<1x64xi32, #tpu.memory_space<hbm>> -> memref<64xi32, #tpu.memory_space<hbm>>
        tpu.enqueue_dma source(%dma_start3A_348 : memref<64xi32, #tpu.memory_space<hbm>>) target(%arg16 : memref<64xi32, #tpu.memory_space<vmem>>) target_semaphore(%arg20 : memref<!tpu.dma_semaphore, #tpu.memory_space<semaphore_mem>>)
      } else {
      }
      %dma_wait3A_309 = arith.constant 0 : i32
      %dma_wait3A_310 = arith.constant 0 : i32
      %dma_wait3A_311 = tpu.memref_slice %arg7[%dma_wait3A_309, %dma_wait3A_310] : memref<10000x128xf32, #tpu.memory_space<hbm>> -> memref<10000x128xf32, #tpu.memory_space<hbm>>
      tpu.wait_indirect_dma semaphore(%arg23 : memref<!tpu.dma_semaphore, #tpu.memory_space<semaphore_mem>>) src(%dma_wait3A_311 : memref<10000x128xf32, #tpu.memory_space<hbm>>) dst(%arg13 : memref<64x128xf32, #tpu.memory_space<vmem>>)
      %scan3A_312 = arith.constant 0 : i32
      %scan3A_313 = arith.constant 0 : i32
      %scan3A_314 = arith.constant 64 : i32
      %scan3A_315 = arith.addi %scan3A_313, %scan3A_314 : i32
      %scan3A_316 = arith.constant 1 : i32
      %scan3A_317 = scf.for %scan3A_327 = %scan3A_313 to %scan3A_315 step %scan3A_316 iter_args(%scan3A_328 = %scan3A_312) -> (i32)  : i32 {
        %get3A = arith.index_cast %scan3A_327 : i32 to index
        %get3A_329 = arith.constant 0 : index
        %get3A_330 = tpu.vector_load %arg19[%get3A, %get3A_329] {strides = array<i32>} : memref<64x16xf32, #tpu.memory_space<vmem>>, vector<1x16xf32>,
        %get3A_331 = vector.shape_cast %get3A_330 : vector<1x16xf32> to vector<16xf32>
        %get3A_332 = arith.index_cast %scan3A_327 : i32 to index
        %get3A_333 = arith.constant 0 : index
        %get3A_334 = tpu.vector_load %arg13[%get3A_332, %get3A_333] {strides = array<i32>} : memref<64x128xf32, #tpu.memory_space<vmem>>, vector<1x16xf32>,
        %get3A_335 = vector.shape_cast %get3A_334 : vector<1x16xf32> to vector<16xf32>
        %mul3A_336 = arith.mulf %get3A_335, %get3A_331 : vector<16xf32>
        %get3A_337 = arith.index_cast %scan3A_327 : i32 to index
        %get3A_338 = arith.constant 16 : index
        %get3A_339 = tpu.vector_load %arg13[%get3A_337, %get3A_338] {strides = array<i32>} : memref<64x128xf32, #tpu.memory_space<vmem>>, vector<1x16xf32>,
        %get3A_340 = vector.shape_cast %get3A_339 : vector<1x16xf32> to vector<16xf32>
        %mul3A_341 = arith.mulf %get3A_340, %get3A_331 : vector<16xf32>
        %get3A_342 = arith.index_cast %scan3A_327 : i32 to index
        %get3A_343 = arith.constant 32 : index
        %get3A_344 = tpu.vector_load %arg13[%get3A_342, %get3A_343] {strides = array<i32>} : memref<64x128xf32, #tpu.memory_space<vmem>>, vector<1x16xf32>,
        %get3A_345 = vector.shape_cast %get3A_344 : vector<1x16xf32> to vector<16xf32>
        %mul3A_346 = arith.mulf %get3A_345, %get3A_331 : vector<16xf32>
        %get3A_347 = arith.index_cast %scan3A_327 : i32 to index
        %get3A_348 = arith.constant 48 : index
        %get3A_349 = tpu.vector_load %arg13[%get3A_347, %get3A_348] {strides = array<i32>} : memref<64x128xf32, #tpu.memory_space<vmem>>, vector<1x16xf32>,
        %get3A_350 = vector.shape_cast %get3A_349 : vector<1x16xf32> to vector<16xf32>
        %mul3A_351 = arith.mulf %get3A_350, %get3A_331 : vector<16xf32>
        %swap3A = arith.index_cast %scan3A_327 : i32 to index
        %swap3A_352 = arith.constant 0 : index
        %swap3A_353 = tpu.vector_load %arg11[%swap3A, %swap3A_352] {strides = array<i32>} : memref<64x128xf32, #tpu.memory_space<vmem>>, vector<1x16xf32>,
        %swap3A_354 = vector.shape_cast %swap3A_353 : vector<1x16xf32> to vector<16xf32>
        %swap3A_355 = vector.shape_cast %mul3A_336 : vector<16xf32> to vector<1x16xf32>
        tpu.vector_store %arg11[%swap3A, %swap3A_352], %swap3A_355 {strides = array<i32>} : memref<64x128xf32, #tpu.memory_space<vmem>>, vector<1x16xf32>,
        %swap3A_356 = arith.index_cast %scan3A_327 : i32 to index
        %swap3A_357 = arith.constant 16 : index
        %swap3A_358 = tpu.vector_load %arg11[%swap3A_356, %swap3A_357] {strides = array<i32>} : memref<64x128xf32, #tpu.memory_space<vmem>>, vector<1x16xf32>,
        %swap3A_359 = vector.shape_cast %swap3A_358 : vector<1x16xf32> to vector<16xf32>
        %swap3A_360 = vector.shape_cast %mul3A_341 : vector<16xf32> to vector<1x16xf32>
        tpu.vector_store %arg11[%swap3A_356, %swap3A_357], %swap3A_360 {strides = array<i32>} : memref<64x128xf32, #tpu.memory_space<vmem>>, vector<1x16xf32>,
        %swap3A_361 = arith.index_cast %scan3A_327 : i32 to index
        %swap3A_362 = arith.constant 32 : index
        %swap3A_363 = tpu.vector_load %arg11[%swap3A_361, %swap3A_362] {strides = array<i32>} : memref<64x128xf32, #tpu.memory_space<vmem>>, vector<1x16xf32>,
        %swap3A_364 = vector.shape_cast %swap3A_363 : vector<1x16xf32> to vector<16xf32>
        %swap3A_365 = vector.shape_cast %mul3A_346 : vector<16xf32> to vector<1x16xf32>
        tpu.vector_store %arg11[%swap3A_361, %swap3A_362], %swap3A_365 {strides = array<i32>} : memref<64x128xf32, #tpu.memory_space<vmem>>, vector<1x16xf32>,
        %swap3A_366 = arith.index_cast %scan3A_327 : i32 to index
        %swap3A_367 = arith.constant 48 : index
        %swap3A_368 = tpu.vector_load %arg11[%swap3A_366, %swap3A_367] {strides = array<i32>} : memref<64x128xf32, #tpu.memory_space<vmem>>, vector<1x16xf32>,
        %swap3A_369 = vector.shape_cast %swap3A_368 : vector<1x16xf32> to vector<16xf32>
        %swap3A_370 = vector.shape_cast %mul3A_351 : vector<16xf32> to vector<1x16xf32>
        tpu.vector_store %arg11[%swap3A_366, %swap3A_367], %swap3A_370 {strides = array<i32>} : memref<64x128xf32, #tpu.memory_space<vmem>>, vector<1x16xf32>,
        %scan3A_371 = arith.constant 0 : i32
        scf.yield %scan3A_371 : i32
      }
      %scan3A_318 = arith.constant 64 : i32
      %dma_start3A_319 = arith.constant 0 : i32
      %dma_start3A_320 = arith.constant 0 : i32
      %dma_start3A_321 = tpu.memref_slice %arg15[%dma_start3A_319, %dma_start3A_320] : memref<1x64xi32, #tpu.memory_space<vmem>> -> memref<1x64xi32, #tpu.memory_space<vmem>>
      %dma_start3A_322 = tpu.memref_squeeze %dma_start3A_321 : memref<1x64xi32, #tpu.memory_space<vmem>> -> memref<64xi32, #tpu.memory_space<vmem>>
      %dma_start3A_323 = arith.constant 0 : i32
      %dma_start3A_324 = arith.constant 0 : i32
      %dma_start3A_325 = tpu.memref_slice %arg26[%dma_start3A_323, %dma_start3A_324] : memref<10112x128xf32, #tpu.memory_space<vmem_shared>> -> memref<10112x128xf32, #tpu.memory_space<vmem_shared>>
      tpu.enqueue_indirect_dma source(%arg11 : memref<64x128xf32, #tpu.memory_space<vmem>>) target(%dma_start3A_325 : memref<10112x128xf32, #tpu.memory_space<vmem_shared>>) offsets(%dma_start3A_322 : memref<64xi32, #tpu.memory_space<vmem>>) semaphore(%arg25 : memref<!tpu.dma_semaphore, #tpu.memory_space<semaphore_mem>>) {add = true}
      %scan3A_326 = arith.constant 0 : i32
      scf.yield %scan3A_326 : i32
    }
    %scan3A_195 = arith.constant 40 : i32
    %dma_wait3A_196 = arith.constant 0 : i32
    %dma_wait3A_197 = arith.constant 0 : i32
    %dma_wait3A_198 = tpu.memref_slice %arg15[%dma_wait3A_196, %dma_wait3A_197] : memref<1x64xi32, #tpu.memory_space<vmem>> -> memref<1x64xi32, #tpu.memory_space<vmem>>
    %dma_wait3A_199 = tpu.memref_squeeze %dma_wait3A_198 : memref<1x64xi32, #tpu.memory_space<vmem>> -> memref<64xi32, #tpu.memory_space<vmem>>
    %dma_wait3A_200 = arith.constant 0 : i32
    %dma_wait3A_201 = arith.constant 0 : i32
    %dma_wait3A_202 = tpu.memref_slice %arg26[%dma_wait3A_200, %dma_wait3A_201] : memref<10112x128xf32, #tpu.memory_space<vmem_shared>> -> memref<10112x128xf32, #tpu.memory_space<vmem_shared>>
    tpu.wait_indirect_dma semaphore(%arg25 : memref<!tpu.dma_semaphore, #tpu.memory_space<semaphore_mem>>) src(%arg11 : memref<64x128xf32, #tpu.memory_space<vmem>>) dst(%dma_wait3A_202 : memref<10112x128xf32, #tpu.memory_space<vmem_shared>>)
    %barrier3A_203 = arith.constant 0 : index
    tpu.barrier barrier_id(%barrier3A_203)
    "tpu.region"() ({
      %run_scoped3A = tpu.sem_alloc : memref<!tpu.dma_semaphore, #tpu.memory_space<semaphore_mem>>
      %dma_start3A_204 = arith.constant 0 : i32
      %dma_start3A_205 = tpu.memref_slice %arg9[%arg0, %mul3A_0, %dma_start3A_204] : memref<2x10112x128xf32, #tpu.memory_space<hbm>> -> memref<1x632x128xf32, #tpu.memory_space<hbm>>
      %dma_start3A_206 = tpu.memref_squeeze %dma_start3A_205 : memref<1x632x128xf32, #tpu.memory_space<hbm>> -> memref<632x128xf32, #tpu.memory_space<hbm>>
      %dma_start3A_207 = arith.constant 0 : i32
      %dma_start3A_208 = tpu.memref_slice %arg26[%mul3A_0, %dma_start3A_207] : memref<10112x128xf32, #tpu.memory_space<vmem_shared>> -> memref<632x128xf32, #tpu.memory_space<vmem_shared>>
      tpu.enqueue_dma source(%dma_start3A_208 : memref<632x128xf32, #tpu.memory_space<vmem_shared>>) target(%dma_start3A_206 : memref<632x128xf32, #tpu.memory_space<hbm>>) target_semaphore(%run_scoped3A : memref<!tpu.dma_semaphore, #tpu.memory_space<semaphore_mem>>)
      %dma_wait3A_209 = arith.constant 0 : i32
      %dma_wait3A_210 = tpu.memref_slice %arg9[%arg0, %mul3A_0, %dma_wait3A_209] : memref<2x10112x128xf32, #tpu.memory_space<hbm>> -> memref<1x632x128xf32, #tpu.memory_space<hbm>>
      %dma_wait3A_211 = tpu.memref_squeeze %dma_wait3A_210 : memref<1x632x128xf32, #tpu.memory_space<hbm>> -> memref<632x128xf32, #tpu.memory_space<hbm>>
      %dma_wait3A_212 = arith.constant 0 : i32
      %dma_wait3A_213 = tpu.memref_slice %arg26[%mul3A_0, %dma_wait3A_212] : memref<10112x128xf32, #tpu.memory_space<vmem_shared>> -> memref<632x128xf32, #tpu.memory_space<vmem_shared>>
      tpu.wait_dma2 semaphore(%run_scoped3A : memref<!tpu.dma_semaphore, #tpu.memory_space<semaphore_mem>>) src(%dma_wait3A_213 : memref<632x128xf32, #tpu.memory_space<vmem_shared>>) dst(%dma_wait3A_211 : memref<632x128xf32, #tpu.memory_space<hbm>>)
      tpu.yield
    }) : () -> ()
    return
  }
}

module attributes {stable_mosaic.version = 14 : i64} {
  func.func @_tc_body(%arg0: i32, %arg1: memref<2048x3xf32, #tpu.memory_space<vmem>>, %arg2: memref<1x10000xi32, #tpu.memory_space<vmem>>, %arg3: memref<100x4xf32, #tpu.memory_space<vmem>>, %arg4: memref<2048x128xf32, #tpu.memory_space<vmem>>, %arg5: memref<2048x16xf32, #tpu.memory_space<vmem>>, %arg6: memref<4x10000xf32, #tpu.memory_space<vmem>>) attributes {dimension_semantics = [#tpu.dimension_semantics<arbitrary>], iteration_bounds = array<i64: 80>, scalar_prefetch = 0 : i64, scratch_operands = 0 : i64, tpu.core_type = #tpu.core_type<tc>, window_params = [{transform_indices = @transform_0, window_bounds = array<i64: 2048, 3>}, {pipeline_mode = #tpu.pipeline_mode<synchronous>, transform_indices = @transform_1, window_bounds = array<i64: 1, 10000>}, {pipeline_mode = #tpu.pipeline_mode<synchronous>, transform_indices = @transform_2, window_bounds = array<i64: 100, 4>}, {transform_indices = @transform_3, window_bounds = array<i64: 2048, 128>}, {transform_indices = @transform_4, window_bounds = array<i64: 2048, 16>}, {pipeline_mode = #tpu.pipeline_mode<synchronous>, transform_indices = @transform_5, window_bounds = array<i64: 4, 10000>}]} {
    %eq3A = arith.constant 0 : i32
    %eq3A_0 = arith.cmpi eq, %arg0, %eq3A : i32
    %convert_element_type3A = arith.extui %eq3A_0 : i1 to i32
    %cond3A = arith.constant 0 : i32
    %cond3A_1 = arith.cmpi ne, %convert_element_type3A, %cond3A : i32
    scf.if %cond3A_1 {
      %iota3A_221 = tpu.iota {dimensions = array<i32: 0>} : vector<100x10000xi32>
      %get3A_222 = arith.constant 0 : index
      %get3A_223 = arith.constant 0 : index
      %get3A_224 = vector.load %arg2[%get3A_222, %get3A_223] : memref<1x10000xi32, #tpu.memory_space<vmem>>, vector<1x10000xi32>
      %eq3A_225 = vector.broadcast %get3A_224 : vector<1x10000xi32> to vector<100x10000xi32>
      %eq3A_226 = arith.cmpi eq, %iota3A_221, %eq3A_225 : vector<100x10000xi32>
      %convert_element_type3A_227 = arith.extui %eq3A_226 : vector<100x10000xi1> to vector<100x10000xi32>
      %convert_element_type3A_228 = arith.sitofp %convert_element_type3A_227 : vector<100x10000xi32> to vector<100x10000xf32>
      %get3A_229 = arith.constant 0 : index
      %get3A_230 = arith.constant 0 : index
      %get3A_231 = vector.load %arg3[%get3A_229, %get3A_230] : memref<100x4xf32, #tpu.memory_space<vmem>>, vector<100x4xf32>
      %dot_general3A = arith.constant dense<0.000000e+00> : vector<4x10000xf32>
      %dot_general3A_232 = tpu.matmul %get3A_231, %convert_element_type3A_228, %dot_general3A {dimension_numbers = #tpu.dot_dimension_numbers<[0], [0], [1], [1], [0, 1, 1, 1], [], []>, transpose_lhs_hint = false} : vector<100x4xf32>, vector<100x10000xf32>, vector<4x10000xf32> -> vector<4x10000xf32>
      %swap3A_233 = arith.constant 0 : index
      %swap3A_234 = arith.constant 0 : index
      %swap3A_235 = vector.load %arg6[%swap3A_233, %swap3A_234] : memref<4x10000xf32, #tpu.memory_space<vmem>>, vector<4x10000xf32>
      tpu.vector_store %arg6[%swap3A_233, %swap3A_234], %dot_general3A_232 {strides = array<i32>} : memref<4x10000xf32, #tpu.memory_space<vmem>>, vector<4x10000xf32>,
    } else {
    }
    %get3A = arith.constant 0 : index
    %get3A_2 = arith.constant 0 : index
    %get3A_3 = vector.load %arg1[%get3A, %get3A_2] : memref<2048x3xf32, #tpu.memory_space<vmem>>, vector<2048x3xf32>
    %slice3A = vector.extract_strided_slice %get3A_3 {offsets = [0, 0], sizes = [2048, 1], strides = [1, 1]} : vector<2048x3xf32> to vector<2048x1xf32>
    %slice3A_4 = vector.extract_strided_slice %get3A_3 {offsets = [0, 1], sizes = [2048, 1], strides = [1, 1]} : vector<2048x3xf32> to vector<2048x1xf32>
    %slice3A_5 = vector.extract_strided_slice %get3A_3 {offsets = [0, 2], sizes = [2048, 1], strides = [1, 1]} : vector<2048x3xf32> to vector<2048x1xf32>
    %mul3A = arith.mulf %slice3A, %slice3A : vector<2048x1xf32>
    %mul3A_6 = arith.mulf %slice3A_4, %slice3A_4 : vector<2048x1xf32>
    %add3A = arith.addf %mul3A, %mul3A_6 : vector<2048x1xf32>
    %mul3A_7 = arith.mulf %slice3A_5, %slice3A_5 : vector<2048x1xf32>
    %add3A_8 = arith.addf %add3A, %mul3A_7 : vector<2048x1xf32>
    %add3A_9 = arith.constant 9.99999968E-21 : f32
    %add3A_10 = vector.broadcast %add3A_9 : f32 to vector<2048x1xf32>
    %add3A_11 = arith.addf %add3A_8, %add3A_10 : vector<2048x1xf32>
    %sqrt3A = math.sqrt %add3A_11 : vector<2048x1xf32>
    %add3A_12 = arith.constant 1.000000e-10 : f32
    %add3A_13 = vector.broadcast %add3A_12 : f32 to vector<2048x1xf32>
    %add3A_14 = arith.addf %sqrt3A, %add3A_13 : vector<2048x1xf32>
    %div3A = arith.constant 1.000000e+00 : f32
    %div3A_15 = vector.broadcast %div3A : f32 to vector<2048x1xf32>
    %div3A_16 = arith.divf %div3A_15, %add3A_14 : vector<2048x1xf32>
    %mul3A_17 = arith.mulf %slice3A, %div3A_16 : vector<2048x1xf32>
    %mul3A_18 = arith.mulf %slice3A_4, %div3A_16 : vector<2048x1xf32>
    %mul3A_19 = arith.mulf %slice3A_5, %div3A_16 : vector<2048x1xf32>
    %sub3A = arith.constant 4.500000e+00 : f32
    %sub3A_20 = vector.broadcast %sub3A : f32 to vector<2048x1xf32>
    %sub3A_21 = arith.subf %sqrt3A, %sub3A_20 : vector<2048x1xf32>
    %div3A_22 = arith.constant 5.000000e-01 : f32
    %div3A_23 = vector.broadcast %div3A_22 : f32 to vector<2048x1xf32>
    %div3A_24 = arith.divf %sub3A_21, %div3A_23 : vector<2048x1xf32>
    %jit3A = arith.constant 0.000000e+00 : f32
    %jit3A_25 = arith.constant 1.000000e+00 : f32
    %max3A = vector.broadcast %jit3A : f32 to vector<2048x1xf32>
    %max3A_26 = arith.maximumf %max3A, %div3A_24 : vector<2048x1xf32>
    %min3A = vector.broadcast %jit3A_25 : f32 to vector<2048x1xf32>
    %min3A_27 = arith.minimumf %min3A, %max3A_26 : vector<2048x1xf32>
    %mul3A_28 = arith.constant 3.14159274 : f32
    %mul3A_29 = vector.broadcast %mul3A_28 : f32 to vector<2048x1xf32>
    %mul3A_30 = arith.mulf %mul3A_29, %min3A_27 : vector<2048x1xf32>
    %cos3A = math.cos %mul3A_30 : vector<2048x1xf32>
    %add3A_31 = arith.constant 1.000000e+00 : f32
    %add3A_32 = vector.broadcast %add3A_31 : f32 to vector<2048x1xf32>
    %add3A_33 = arith.addf %add3A_32, %cos3A : vector<2048x1xf32>
    %mul3A_34 = arith.constant 5.000000e-01 : f32
    %mul3A_35 = vector.broadcast %mul3A_34 : f32 to vector<2048x1xf32>
    %mul3A_36 = arith.mulf %mul3A_35, %add3A_33 : vector<2048x1xf32>
    %lt3A = arith.constant 4.500000e+00 : f32
    %lt3A_37 = vector.broadcast %lt3A : f32 to vector<2048x1xf32>
    %lt3A_38 = arith.cmpf olt, %sqrt3A, %lt3A_37 : vector<2048x1xf32>
    %lt3A_39 = arith.constant 5.000000e+00 : f32
    %lt3A_40 = vector.broadcast %lt3A_39 : f32 to vector<2048x1xf32>
    %lt3A_41 = arith.cmpf olt, %sqrt3A, %lt3A_40 : vector<2048x1xf32>
    %jit3A_42 = arith.constant 0.000000e+00 : f32
    %broadcast_in_dim3A = vector.broadcast %jit3A_42 : f32 to vector<2048x1xf32>
    %select_n3A = arith.select %lt3A_41, %mul3A_36, %broadcast_in_dim3A : vector<2048x1xi1>, vector<2048x1xf32>
    %jit3A_43 = arith.constant 1.000000e+00 : f32
    %broadcast_in_dim3A_44 = vector.broadcast %jit3A_43 : f32 to vector<2048x1xf32>
    %select_n3A_45 = arith.select %lt3A_38, %broadcast_in_dim3A_44, %select_n3A : vector<2048x1xi1>, vector<2048x1xf32>
    %iota3A = tpu.iota {dimensions = array<i32: 1>} : vector<1x9xi32>
    %add3A_46 = arith.constant 1 : i32
    %add3A_47 = vector.broadcast %add3A_46 : i32 to vector<1x9xi32>
    %add3A_48 = arith.addi %iota3A, %add3A_47 : vector<1x9xi32>
    %convert_element_type3A_49 = arith.sitofp %add3A_48 : vector<1x9xi32> to vector<1x9xf32>
    %mul3A_50 = arith.constant 0.628318548 : f32
    %mul3A_51 = vector.broadcast %mul3A_50 : f32 to vector<1x9xf32>
    %mul3A_52 = arith.mulf %convert_element_type3A_49, %mul3A_51 : vector<1x9xf32>
    %sqrt3A_53 = arith.constant 4.000000e-01 : f32
    %sqrt3A_54 = math.sqrt %sqrt3A_53 : f32
    %mul3A_55 = vector.broadcast %sqrt3A : vector<2048x1xf32> to vector<2048x9xf32>
    %mul3A_56 = vector.broadcast %mul3A_52 : vector<1x9xf32> to vector<2048x9xf32>
    %mul3A_57 = arith.mulf %mul3A_55, %mul3A_56 : vector<2048x9xf32>
    %sin3A = math.sin %mul3A_57 : vector<2048x9xf32>
    %mul3A_58 = vector.broadcast %sqrt3A_54 : f32 to vector<2048x9xf32>
    %mul3A_59 = arith.mulf %mul3A_58, %sin3A : vector<2048x9xf32>
    %mul3A_60 = vector.broadcast %div3A_16 : vector<2048x1xf32> to vector<2048x9xf32>
    %mul3A_61 = arith.mulf %mul3A_59, %mul3A_60 : vector<2048x9xf32>
    %mul3A_62 = vector.broadcast %select_n3A_45 : vector<2048x1xf32> to vector<2048x9xf32>
    %mul3A_63 = arith.mulf %mul3A_61, %mul3A_62 : vector<2048x9xf32>
    %mul3A_64 = arith.mulf %mul3A_19, %mul3A_19 : vector<2048x1xf32>
    %broadcast_in_dim3A_65 = arith.constant 1.000000e+00 : f32
    %broadcast_in_dim3A_66 = vector.broadcast %broadcast_in_dim3A_65 : f32 to vector<2048x1xf32>
    %mul3A_67 = arith.constant 0.282094806 : f32
    %mul3A_68 = vector.broadcast %mul3A_67 : f32 to vector<2048x1xf32>
    %mul3A_69 = arith.mulf %mul3A_68, %broadcast_in_dim3A_66 : vector<2048x1xf32>
    %mul3A_70 = arith.constant 0.488602519 : f32
    %mul3A_71 = vector.broadcast %mul3A_70 : f32 to vector<2048x1xf32>
    %mul3A_72 = arith.mulf %mul3A_71, %mul3A_18 : vector<2048x1xf32>
    %mul3A_73 = arith.constant 0.488602519 : f32
    %mul3A_74 = vector.broadcast %mul3A_73 : f32 to vector<2048x1xf32>
    %mul3A_75 = arith.mulf %mul3A_74, %mul3A_19 : vector<2048x1xf32>
    %mul3A_76 = arith.constant 0.488602519 : f32
    %mul3A_77 = vector.broadcast %mul3A_76 : f32 to vector<2048x1xf32>
    %mul3A_78 = arith.mulf %mul3A_77, %mul3A_17 : vector<2048x1xf32>
    %mul3A_79 = arith.constant 1.09254849 : f32
    %mul3A_80 = vector.broadcast %mul3A_79 : f32 to vector<2048x1xf32>
    %mul3A_81 = arith.mulf %mul3A_80, %mul3A_17 : vector<2048x1xf32>
    %mul3A_82 = arith.mulf %mul3A_81, %mul3A_18 : vector<2048x1xf32>
    %mul3A_83 = arith.constant 1.09254849 : f32
    %mul3A_84 = vector.broadcast %mul3A_83 : f32 to vector<2048x1xf32>
    %mul3A_85 = arith.mulf %mul3A_84, %mul3A_18 : vector<2048x1xf32>
    %mul3A_86 = arith.mulf %mul3A_85, %mul3A_19 : vector<2048x1xf32>
    %mul3A_87 = arith.constant 3.000000e+00 : f32
    %mul3A_88 = vector.broadcast %mul3A_87 : f32 to vector<2048x1xf32>
    %mul3A_89 = arith.mulf %mul3A_88, %mul3A_64 : vector<2048x1xf32>
    %sub3A_90 = arith.constant 1.000000e+00 : f32
    %sub3A_91 = vector.broadcast %sub3A_90 : f32 to vector<2048x1xf32>
    %sub3A_92 = arith.subf %mul3A_89, %sub3A_91 : vector<2048x1xf32>
    %mul3A_93 = arith.constant 0.31539157 : f32
    %mul3A_94 = vector.broadcast %mul3A_93 : f32 to vector<2048x1xf32>
    %mul3A_95 = arith.mulf %mul3A_94, %sub3A_92 : vector<2048x1xf32>
    %mul3A_96 = arith.constant 1.09254849 : f32
    %mul3A_97 = vector.broadcast %mul3A_96 : f32 to vector<2048x1xf32>
    %mul3A_98 = arith.mulf %mul3A_97, %mul3A_17 : vector<2048x1xf32>
    %mul3A_99 = arith.mulf %mul3A_98, %mul3A_19 : vector<2048x1xf32>
    %mul3A_100 = arith.mulf %mul3A_17, %mul3A_17 : vector<2048x1xf32>
    %mul3A_101 = arith.mulf %mul3A_18, %mul3A_18 : vector<2048x1xf32>
    %sub3A_102 = arith.subf %mul3A_100, %mul3A_101 : vector<2048x1xf32>
    %mul3A_103 = arith.constant 0.546274245 : f32
    %mul3A_104 = vector.broadcast %mul3A_103 : f32 to vector<2048x1xf32>
    %mul3A_105 = arith.mulf %mul3A_104, %sub3A_102 : vector<2048x1xf32>
    %mul3A_106 = arith.constant 0.590043604 : f32
    %mul3A_107 = vector.broadcast %mul3A_106 : f32 to vector<2048x1xf32>
    %mul3A_108 = arith.mulf %mul3A_107, %mul3A_18 : vector<2048x1xf32>
    %mul3A_109 = arith.constant 3.000000e+00 : f32
    %mul3A_110 = vector.broadcast %mul3A_109 : f32 to vector<2048x1xf32>
    %mul3A_111 = arith.mulf %mul3A_110, %mul3A_17 : vector<2048x1xf32>
    %mul3A_112 = arith.mulf %mul3A_111, %mul3A_17 : vector<2048x1xf32>
    %mul3A_113 = arith.mulf %mul3A_18, %mul3A_18 : vector<2048x1xf32>
    %sub3A_114 = arith.subf %mul3A_112, %mul3A_113 : vector<2048x1xf32>
    %mul3A_115 = arith.mulf %mul3A_108, %sub3A_114 : vector<2048x1xf32>
    %mul3A_116 = arith.constant 2.89061141 : f32
    %mul3A_117 = vector.broadcast %mul3A_116 : f32 to vector<2048x1xf32>
    %mul3A_118 = arith.mulf %mul3A_117, %mul3A_17 : vector<2048x1xf32>
    %mul3A_119 = arith.mulf %mul3A_118, %mul3A_18 : vector<2048x1xf32>
    %mul3A_120 = arith.mulf %mul3A_119, %mul3A_19 : vector<2048x1xf32>
    %mul3A_121 = arith.constant 0.457045794 : f32
    %mul3A_122 = vector.broadcast %mul3A_121 : f32 to vector<2048x1xf32>
    %mul3A_123 = arith.mulf %mul3A_122, %mul3A_18 : vector<2048x1xf32>
    %mul3A_124 = arith.constant 5.000000e+00 : f32
    %mul3A_125 = vector.broadcast %mul3A_124 : f32 to vector<2048x1xf32>
    %mul3A_126 = arith.mulf %mul3A_125, %mul3A_64 : vector<2048x1xf32>
    %sub3A_127 = arith.constant 1.000000e+00 : f32
    %sub3A_128 = vector.broadcast %sub3A_127 : f32 to vector<2048x1xf32>
    %sub3A_129 = arith.subf %mul3A_126, %sub3A_128 : vector<2048x1xf32>
    %mul3A_130 = arith.mulf %mul3A_123, %sub3A_129 : vector<2048x1xf32>
    %mul3A_131 = arith.constant 0.373176336 : f32
    %mul3A_132 = vector.broadcast %mul3A_131 : f32 to vector<2048x1xf32>
    %mul3A_133 = arith.mulf %mul3A_132, %mul3A_19 : vector<2048x1xf32>
    %mul3A_134 = arith.constant 5.000000e+00 : f32
    %mul3A_135 = vector.broadcast %mul3A_134 : f32 to vector<2048x1xf32>
    %mul3A_136 = arith.mulf %mul3A_135, %mul3A_64 : vector<2048x1xf32>
    %sub3A_137 = arith.constant 3.000000e+00 : f32
    %sub3A_138 = vector.broadcast %sub3A_137 : f32 to vector<2048x1xf32>
    %sub3A_139 = arith.subf %mul3A_136, %sub3A_138 : vector<2048x1xf32>
    %mul3A_140 = arith.mulf %mul3A_133, %sub3A_139 : vector<2048x1xf32>
    %mul3A_141 = arith.constant 0.457045794 : f32
    %mul3A_142 = vector.broadcast %mul3A_141 : f32 to vector<2048x1xf32>
    %mul3A_143 = arith.mulf %mul3A_142, %mul3A_17 : vector<2048x1xf32>
    %mul3A_144 = arith.constant 5.000000e+00 : f32
    %mul3A_145 = vector.broadcast %mul3A_144 : f32 to vector<2048x1xf32>
    %mul3A_146 = arith.mulf %mul3A_145, %mul3A_64 : vector<2048x1xf32>
    %sub3A_147 = arith.constant 1.000000e+00 : f32
    %sub3A_148 = vector.broadcast %sub3A_147 : f32 to vector<2048x1xf32>
    %sub3A_149 = arith.subf %mul3A_146, %sub3A_148 : vector<2048x1xf32>
    %mul3A_150 = arith.mulf %mul3A_143, %sub3A_149 : vector<2048x1xf32>
    %mul3A_151 = arith.constant 1.44530571 : f32
    %mul3A_152 = vector.broadcast %mul3A_151 : f32 to vector<2048x1xf32>
    %mul3A_153 = arith.mulf %mul3A_152, %mul3A_19 : vector<2048x1xf32>
    %mul3A_154 = arith.mulf %mul3A_17, %mul3A_17 : vector<2048x1xf32>
    %mul3A_155 = arith.mulf %mul3A_18, %mul3A_18 : vector<2048x1xf32>
    %sub3A_156 = arith.subf %mul3A_154, %mul3A_155 : vector<2048x1xf32>
    %mul3A_157 = arith.mulf %mul3A_153, %sub3A_156 : vector<2048x1xf32>
    %mul3A_158 = arith.constant 0.590043604 : f32
    %mul3A_159 = vector.broadcast %mul3A_158 : f32 to vector<2048x1xf32>
    %mul3A_160 = arith.mulf %mul3A_159, %mul3A_17 : vector<2048x1xf32>
    %mul3A_161 = arith.mulf %mul3A_17, %mul3A_17 : vector<2048x1xf32>
    %mul3A_162 = arith.constant 3.000000e+00 : f32
    %mul3A_163 = vector.broadcast %mul3A_162 : f32 to vector<2048x1xf32>
    %mul3A_164 = arith.mulf %mul3A_163, %mul3A_18 : vector<2048x1xf32>
    %mul3A_165 = arith.mulf %mul3A_164, %mul3A_18 : vector<2048x1xf32>
    %sub3A_166 = arith.subf %mul3A_161, %mul3A_165 : vector<2048x1xf32>
    %mul3A_167 = arith.mulf %mul3A_160, %sub3A_166 : vector<2048x1xf32>
    %concatenate3A = tpu.concatenate %mul3A_69, %mul3A_72, %mul3A_75, %mul3A_78, %mul3A_82, %mul3A_86, %mul3A_95, %mul3A_99, %mul3A_105, %mul3A_115, %mul3A_120, %mul3A_130, %mul3A_140, %mul3A_150, %mul3A_157, %mul3A_167 in 1 : vector<2048x1xf32>, vector<2048x1xf32>, vector<2048x1xf32>, vector<2048x1xf32>, vector<2048x1xf32>, vector<2048x1xf32>, vector<2048x1xf32>, vector<2048x1xf32>, vector<2048x1xf32>, vector<2048x1xf32>, vector<2048x1xf32>, vector<2048x1xf32>, vector<2048x1xf32>, vector<2048x1xf32>, vector<2048x1xf32>, vector<2048x1xf32> -> vector<2048x16xf32>
    %slice3A_168 = vector.extract_strided_slice %mul3A_63 {offsets = [0, 0], sizes = [2048, 1], strides = [1, 1]} : vector<2048x9xf32> to vector<2048x1xf32>
    %mul3A_169 = vector.broadcast %slice3A_168 : vector<2048x1xf32> to vector<2048x16xf32>
    %mul3A_170 = arith.mulf %mul3A_169, %concatenate3A : vector<2048x16xf32>
    %swap3A = arith.constant 0 : index
    %swap3A_171 = arith.constant 0 : index
    %swap3A_172 = vector.load %arg4[%swap3A, %swap3A_171] : memref<2048x128xf32, #tpu.memory_space<vmem>>, vector<2048x16xf32>
    tpu.vector_store %arg4[%swap3A, %swap3A_171], %mul3A_170 {strides = array<i32>} : memref<2048x128xf32, #tpu.memory_space<vmem>>, vector<2048x16xf32>,
    %slice3A_173 = vector.extract_strided_slice %mul3A_63 {offsets = [0, 1], sizes = [2048, 1], strides = [1, 1]} : vector<2048x9xf32> to vector<2048x1xf32>
    %mul3A_174 = vector.broadcast %slice3A_173 : vector<2048x1xf32> to vector<2048x16xf32>
    %mul3A_175 = arith.mulf %mul3A_174, %concatenate3A : vector<2048x16xf32>
    %swap3A_176 = arith.constant 0 : index
    %swap3A_177 = arith.constant 16 : index
    %swap3A_178 = vector.load %arg4[%swap3A_176, %swap3A_177] : memref<2048x128xf32, #tpu.memory_space<vmem>>, vector<2048x16xf32>
    tpu.vector_store %arg4[%swap3A_176, %swap3A_177], %mul3A_175 {strides = array<i32>} : memref<2048x128xf32, #tpu.memory_space<vmem>>, vector<2048x16xf32>,
    %slice3A_179 = vector.extract_strided_slice %mul3A_63 {offsets = [0, 2], sizes = [2048, 1], strides = [1, 1]} : vector<2048x9xf32> to vector<2048x1xf32>
    %mul3A_180 = vector.broadcast %slice3A_179 : vector<2048x1xf32> to vector<2048x16xf32>
    %mul3A_181 = arith.mulf %mul3A_180, %concatenate3A : vector<2048x16xf32>
    %swap3A_182 = arith.constant 0 : index
    %swap3A_183 = arith.constant 32 : index
    %swap3A_184 = vector.load %arg4[%swap3A_182, %swap3A_183] : memref<2048x128xf32, #tpu.memory_space<vmem>>, vector<2048x16xf32>
    tpu.vector_store %arg4[%swap3A_182, %swap3A_183], %mul3A_181 {strides = array<i32>} : memref<2048x128xf32, #tpu.memory_space<vmem>>, vector<2048x16xf32>,
    %slice3A_185 = vector.extract_strided_slice %mul3A_63 {offsets = [0, 3], sizes = [2048, 1], strides = [1, 1]} : vector<2048x9xf32> to vector<2048x1xf32>
    %mul3A_186 = vector.broadcast %slice3A_185 : vector<2048x1xf32> to vector<2048x16xf32>
    %mul3A_187 = arith.mulf %mul3A_186, %concatenate3A : vector<2048x16xf32>
    %swap3A_188 = arith.constant 0 : index
    %swap3A_189 = arith.constant 48 : index
    %swap3A_190 = vector.load %arg4[%swap3A_188, %swap3A_189] : memref<2048x128xf32, #tpu.memory_space<vmem>>, vector<2048x16xf32>
    tpu.vector_store %arg4[%swap3A_188, %swap3A_189], %mul3A_187 {strides = array<i32>} : memref<2048x128xf32, #tpu.memory_space<vmem>>, vector<2048x16xf32>,
    %slice3A_191 = vector.extract_strided_slice %mul3A_63 {offsets = [0, 4], sizes = [2048, 1], strides = [1, 1]} : vector<2048x9xf32> to vector<2048x1xf32>
    %mul3A_192 = vector.broadcast %slice3A_191 : vector<2048x1xf32> to vector<2048x16xf32>
    %mul3A_193 = arith.mulf %mul3A_192, %concatenate3A : vector<2048x16xf32>
    %swap3A_194 = arith.constant 0 : index
    %swap3A_195 = arith.constant 64 : index
    %swap3A_196 = vector.load %arg4[%swap3A_194, %swap3A_195] : memref<2048x128xf32, #tpu.memory_space<vmem>>, vector<2048x16xf32>
    tpu.vector_store %arg4[%swap3A_194, %swap3A_195], %mul3A_193 {strides = array<i32>} : memref<2048x128xf32, #tpu.memory_space<vmem>>, vector<2048x16xf32>,
    %slice3A_197 = vector.extract_strided_slice %mul3A_63 {offsets = [0, 5], sizes = [2048, 1], strides = [1, 1]} : vector<2048x9xf32> to vector<2048x1xf32>
    %mul3A_198 = vector.broadcast %slice3A_197 : vector<2048x1xf32> to vector<2048x16xf32>
    %mul3A_199 = arith.mulf %mul3A_198, %concatenate3A : vector<2048x16xf32>
    %swap3A_200 = arith.constant 0 : index
    %swap3A_201 = arith.constant 80 : index
    %swap3A_202 = vector.load %arg4[%swap3A_200, %swap3A_201] : memref<2048x128xf32, #tpu.memory_space<vmem>>, vector<2048x16xf32>
    tpu.vector_store %arg4[%swap3A_200, %swap3A_201], %mul3A_199 {strides = array<i32>} : memref<2048x128xf32, #tpu.memory_space<vmem>>, vector<2048x16xf32>,
    %slice3A_203 = vector.extract_strided_slice %mul3A_63 {offsets = [0, 6], sizes = [2048, 1], strides = [1, 1]} : vector<2048x9xf32> to vector<2048x1xf32>
    %mul3A_204 = vector.broadcast %slice3A_203 : vector<2048x1xf32> to vector<2048x16xf32>
    %mul3A_205 = arith.mulf %mul3A_204, %concatenate3A : vector<2048x16xf32>
    %swap3A_206 = arith.constant 0 : index
    %swap3A_207 = arith.constant 96 : index
    %swap3A_208 = vector.load %arg4[%swap3A_206, %swap3A_207] : memref<2048x128xf32, #tpu.memory_space<vmem>>, vector<2048x16xf32>
    tpu.vector_store %arg4[%swap3A_206, %swap3A_207], %mul3A_205 {strides = array<i32>} : memref<2048x128xf32, #tpu.memory_space<vmem>>, vector<2048x16xf32>,
    %slice3A_209 = vector.extract_strided_slice %mul3A_63 {offsets = [0, 7], sizes = [2048, 1], strides = [1, 1]} : vector<2048x9xf32> to vector<2048x1xf32>
    %mul3A_210 = vector.broadcast %slice3A_209 : vector<2048x1xf32> to vector<2048x16xf32>
    %mul3A_211 = arith.mulf %mul3A_210, %concatenate3A : vector<2048x16xf32>
    %swap3A_212 = arith.constant 0 : index
    %swap3A_213 = arith.constant 112 : index
    %swap3A_214 = vector.load %arg4[%swap3A_212, %swap3A_213] : memref<2048x128xf32, #tpu.memory_space<vmem>>, vector<2048x16xf32>
    tpu.vector_store %arg4[%swap3A_212, %swap3A_213], %mul3A_211 {strides = array<i32>} : memref<2048x128xf32, #tpu.memory_space<vmem>>, vector<2048x16xf32>,
    %slice3A_215 = vector.extract_strided_slice %mul3A_63 {offsets = [0, 8], sizes = [2048, 1], strides = [1, 1]} : vector<2048x9xf32> to vector<2048x1xf32>
    %mul3A_216 = vector.broadcast %slice3A_215 : vector<2048x1xf32> to vector<2048x16xf32>
    %mul3A_217 = arith.mulf %mul3A_216, %concatenate3A : vector<2048x16xf32>
    %swap3A_218 = arith.constant 0 : index
    %swap3A_219 = arith.constant 0 : index
    %swap3A_220 = vector.load %arg5[%swap3A_218, %swap3A_219] : memref<2048x16xf32, #tpu.memory_space<vmem>>, vector<2048x16xf32>
    tpu.vector_store %arg5[%swap3A_218, %swap3A_219], %mul3A_217 {strides = array<i32>} : memref<2048x16xf32, #tpu.memory_space<vmem>>, vector<2048x16xf32>,
    return
  }
  func.func @transform_0(%arg0: i32) -> (i32, i32) {
    %c0_i32 = arith.constant 0 : i32
    %c0_i32_0 = arith.constant 0 : i32
    return %arg0, %c0_i32 : i32, i32
  }
  func.func @transform_1(%arg0: i32) -> (i32, i32) {
    %c0_i32 = arith.constant 0 : i32
    %c0_i32_0 = arith.constant 0 : i32
    %c0_i32_1 = arith.constant 0 : i32
    return %c0_i32, %c0_i32_0 : i32, i32
  }
  func.func @transform_2(%arg0: i32) -> (i32, i32) {
    %c0_i32 = arith.constant 0 : i32
    %c0_i32_0 = arith.constant 0 : i32
    %c0_i32_1 = arith.constant 0 : i32
    return %c0_i32, %c0_i32_0 : i32, i32
  }
  func.func @transform_3(%arg0: i32) -> (i32, i32) {
    %c0_i32 = arith.constant 0 : i32
    %c0_i32_0 = arith.constant 0 : i32
    return %arg0, %c0_i32 : i32, i32
  }
  func.func @transform_4(%arg0: i32) -> (i32, i32) {
    %c0_i32 = arith.constant 0 : i32
    %c0_i32_0 = arith.constant 0 : i32
    return %arg0, %c0_i32 : i32, i32
  }
  func.func @transform_5(%arg0: i32) -> (i32, i32) {
    %c0_i32 = arith.constant 0 : i32
    %c0_i32_0 = arith.constant 0 : i32
    %c0_i32_1 = arith.constant 0 : i32
    return %c0_i32, %c0_i32_0 : i32, i32
  }
}

</mosaic_0001>

<sc_bundles>
// kernel: kernel.4.cloned.1.call-start
scs
__scs_entry_jumppad:
0x0: {  	(pc) =	sbr.rel $0x88, $3  }
0x1: {  	(tag) =	ssettag $0x0;
	lr =	simm.s32 $0x1  }
0x2: {  	[smem:$0x3F9C] =	sst lr;
	_ =	strace $0xD0000000  }
0x3: {  	_ = 	snop  }
0x4: {  	_ = 	snop  }
0x5: {  	_ = 	snop  }
0x6: {  	_ = 	snop  }
0x7: {  	_ = 	snop  }
__scs_overlays_trampoline_lowered:
0x8: {  	[smem:$0x3FAB] =	sst s0  }
0x9: {  	[smem:$0x3FAC] =	sst s1  }
0xa: {  	[smem:$0x3FAD] =	sst s2  }
0xb: {  	[smem:$0x3FAE] =	sst s3  }
0xc: {  	[smem:$0x3FAF] =	sst s4  }
0xd: {  	[smem:$0x3FB0] =	sst s5  }
0xe: {  	[smem:$0x3FB1] =	sst s6  }
0xf: {  	[smem:$0x3FB2] =	sst s7  }
0x10: {  	[smem:$0x3FB3] =	sst s8  }
0x11: {  	[smem:$0x3FB4] =	sst s9;
	s0 =	simm.s32 @!p0 $0x0  }
0x12: {  	s1 =	sld [smem:$0x3F9A];
	s0 =	simm.s32 @p0 $0x1  }
0x13: {  	[smem:$0x3FB5] =	sst s0;
	s0 =	simm.s32 @!p1 $0x0  }
0x14: {  	s2 =	sld [smem:$0x3F99];
	s0 =	simm.s32 @p1 $0x1  }
0x15: {  	[smem:$0x3FB6] =	sst s0;
	s0 =	simm.s32 @!p2 $0x0  }
0x16: {  	s3 =	sld [smem:$0x3FDB];
	s0 =	simm.s32 @p2 $0x1  }
0x17: {  	s4 =	simm.s32 $0x1BF5;
	[smem:$0x3FB8] =	sst s0  }
0x18: {  	s0 =	sld [smem:$0x3F9B];
	_ =	swait.ge [sflag:s4], $0x0  }
0x19: {  	s7 =	sld [smem:$0x3F9C]  }
0x1a: {  	s8 =	sadd.s32 $0xFFFFE003, lr  }
0x1b: {  	s9 =	sadd.s32 $0xFFFFFEF7, lr;
	s5 =	simm.s32 $0xFFFFFFFF;
	p2 =	slt.u32 s8, $0xFFFFF086  }
0x1c: {  	p1 =	slt.u32 s9, $0xF7A;
	s5 =	simm.s32 @!p2 $0x0  }
0x1d: {  	s5 =	simm.s32 @p1 $0x1;
	p0 =	seq.s32 s7, s2  }
0x1e: {  	s7 =	smul.u32 @!p0 $0xF7A, s2;
	p2 =	seq.s32 @!p0 s5, $0x0  }
0x1f: {  	s9 =	smul.u32 $0xF7A, s1;
	s8 =	simm.s32 @!p0 $0x1BF5;
	p2 =	por !p2, p0  }
0x20: {  	[sflag:s8] =	ssyncset.s32 @!p0 $0xFFFFF086;
	s6 =	sadd.s32 @!p0 s3, s7;
	s7 =	simm.s32 @!p0 $0x108  }
0x21: {  	s3 =	sadd.s32 s3, s9;
	s6 =	sadd.s32 @!p0 $0x88, s6;
	s7 =	simm.s32 @p2 $0x1082  }
0x22: {  	[simem:s7], [sflag:s8] =	dma.local @!p0 [hbm:s6], $0xF7A  }
0x23: {  	s9 =	sor.u32 $0xD0000000, s2;
	s6 =	simm.s32 $0x108;
	_ =	swait.ge @!p0 [sflag:s8], $0x0  }
0x24: {  	s3 =	sadd.s32 $0x88, s3;
	s6 =	simm.s32 @!p1 $0x1082;
	[sflag:s4] =	ssyncset.s32 $0xFFFFF086  }
0x25: {  	[simem:s6], [sflag:s4] =	dma.local [hbm:s3], $0xF7A  }
0x26: {  	[smem:$0x3F9C] =	sst s1;
	(tag) =	ssettag s2;
	_ =	strace s9  }
0x27: {  	s1 =	sld [smem:$0x3FAC]  }
0x28: {  	s2 =	sld [smem:$0x3FAD]  }
0x29: {  	s4 =	sld [smem:$0x3FAF]  }
0x2a: {  	p0 =	seq.s32 s5, $0x0;
	s5 =	sld [smem:$0x3FB0]  }
0x2b: {  	s6 =	sld [smem:$0x3FB1]  }
0x2c: {  	s7 =	sld [smem:$0x3FB2]  }
0x2d: {  	s3 =	simm.s32 $0x108;
	s8 =	sld [smem:$0x3FB3]  }
0x2e: {  	s3 =	simm.s32 @!p0 $0x1082;
	s9 =	sld [smem:$0x3FB4]  }
0x2f: {  	lr =	sadd.s32 s0, s3;
	s0 =	sld [smem:$0x3FAB]  }
0x30: {  	s3 =	sld [smem:$0x3FAE]  }
0x31: {  	[smem:$0x3FB7] =	sst s10  }
0x32: {  	s10 =	sld [smem:$0x3FB5];
	_ =	sdelay $0x3  }
0x33: {  	p0 =	seq.s32 s10, $0x1;
	s10 =	sld [smem:$0x3FB7];
	_ =	sdelay $0x3  }
0x34: {  	[smem:$0x3FB7] =	sst s10  }
0x35: {  	s10 =	sld [smem:$0x3FB6];
	_ =	sdelay $0x3  }
0x36: {  	p1 =	seq.s32 s10, $0x1;
	s10 =	sld [smem:$0x3FB7];
	_ =	sdelay $0x3  }
0x37: {  	[smem:$0x3FB7] =	sst s10  }
0x38: {  	s10 =	sld [smem:$0x3FB8]  }
0x39: {  	_ = 	snop;
	(pc) =	sbr.ind lr, $3  }
0x3a: {  	_ = 	snop  }
0x3b: {  	_ = 	snop  }
0x3c: {  	p2 =	seq.s32 s10, $0x1;
	s10 =	sld [smem:$0x3FB7]  }
0x3d: {  	_ =	shalt  }
0x3e: {  	_ =	shalt  }
0x3f: {  	_ =	shalt  }
0x40: {  	_ =	shalt  }
0x41: {  	_ =	shalt  }
0x42: {  	_ =	shalt  }
0x43: {  	_ =	shalt  }
0x44: {  	_ =	shalt  }
0x45: {  	_ =	shalt  }
0x46: {  	_ =	shalt  }
0x47: {  	_ =	shalt  }
0x48: {  	_ =	shalt  }
0x49: {  	_ =	shalt  }
0x4a: {  	_ =	shalt  }
0x4b: {  	_ =	shalt  }
0x4c: {  	_ =	shalt  }
0x4d: {  	_ =	shalt  }
0x4e: {  	_ =	shalt  }
0x4f: {  	_ =	shalt  }
0x50: {  	_ =	shalt  }
0x51: {  	_ =	shalt  }
0x52: {  	_ =	shalt  }
0x53: {  	_ =	shalt  }
0x54: {  	_ =	shalt  }
0x55: {  	_ =	shalt  }
0x56: {  	_ =	shalt  }
0x57: {  	_ =	shalt  }
0x58: {  	_ =	shalt  }
0x59: {  	_ =	shalt  }
0x5a: {  	_ =	shalt  }
0x5b: {  	_ =	shalt  }
0x5c: {  	_ =	shalt  }
0x5d: {  	_ =	shalt  }
0x5e: {  	_ =	shalt  }
0x5f: {  	_ =	shalt  }
0x60: {  	_ =	shalt  }
0x61: {  	_ =	shalt  }
0x62: {  	_ =	shalt  }
0x63: {  	_ =	shalt  }
0x64: {  	_ =	shalt  }
0x65: {  	_ =	shalt  }
0x66: {  	_ =	shalt  }
0x67: {  	_ =	shalt  }
0x68: {  	_ =	shalt  }
0x69: {  	_ =	shalt  }
0x6a: {  	_ =	shalt  }
0x6b: {  	_ =	shalt  }
0x6c: {  	_ =	shalt  }
0x6d: {  	_ =	shalt  }
0x6e: {  	_ =	shalt  }
0x6f: {  	_ =	shalt  }
0x70: {  	_ =	shalt  }
0x71: {  	_ =	shalt  }
0x72: {  	_ =	shalt  }
0x73: {  	_ =	shalt  }
0x74: {  	_ =	shalt  }
0x75: {  	_ =	shalt  }
0x76: {  	_ =	shalt  }
0x77: {  	_ =	shalt  }
0x78: {  	_ =	shalt  }
0x79: {  	_ =	shalt  }
0x7a: {  	_ =	shalt  }
0x7b: {  	_ =	shalt  }
0x7c: {  	_ =	shalt  }
0x7d: {  	_ =	shalt  }
0x7e: {  	_ =	shalt  }
0x7f: {  	_ =	shalt  }
0x80: {  	_ =	shalt  }
0x81: {  	_ =	shalt  }
0x82: {  	_ =	shalt  }
0x83: {  	_ =	shalt  }
0x84: {  	_ =	shalt  }
0x85: {  	_ =	shalt  }
0x86: {  	_ =	shalt  }
0x87: {  	_ =	shalt  }
.Lfunc_end0:
.L_simem_size_0:
called_computation_lowered:
.L_overlay_start_0:
0x88: {  	s2 =	sld [smem:$0x3FD9]  }
0x89: {  	s3 =	sld [smem:$0x3FFE];
	_ =	sdelay $0x1  }
0x8a: {  	s1 =	srdreg.scid  }
0x8b: {  	s0 =	sand.u32 $0x1, s1  }
0x8c: {  	s14 =	sshll.u32 s0, $0xA;
	s2 =	sadd.s32 s3, s2  }
0x8d: {  	s2 =	sadd.s32 s2, s14  }
0x8e: {  	[smem:$0x3FC3] =	sst s2  }
0x8f: {  	_ = 	snop  }
0x90: {  	s2 =	sld [smem:$0x3FD0];
	_ =	sdelay $0x2  }
0x91: {  	s15 =	simm.s32 $0xA;
	s4 =	simm.s32 $0x10  }
0x92: {  	[smem:s4], [sflag:s15] =	dma.local [hbm:s2], $0x1  }
0x93: {  	_ =	swait.eq [sflag:s15], $0x1  }
0x94: {  	s16 =	sld [smem:$0x10];
	[sflag:s15] =	ssyncset.done $0x0  }
0x95: {  	s17 =	sld [smem:$0x11];
	[sflag:s15] =	ssyncadd.s32 $0xFFFFFFFF  }
0x96: {  	s18 =	sld [smem:$0x12];
	(tm) =	ssettm $0x1  }
0x97: {  	s5 =	sld [smem:$0x3FFB];
	_ =	sdelay $0x3  }
0x98: {  	_ =	strace s5  }
0x99: {  	s5 =	sld [smem:$0x3FFC];
	_ =	sdelay $0x3  }
0x9a: {  	_ =	strace s5  }
0x9b: {  	s5 =	sld [smem:$0x3FFD];
	_ =	sdelay $0x3  }
0x9c: {  	_ =	strace s5  }
0x9d: {  	_ =	strace $0x8FFFFFFF  }
0x9e: {  	s19 =	sld [smem:$0x3FDB];
	_ =	sdelay $0x1  }
0x9f: {  	s6 =	simm.s32 $_scs_section_size  }
0xa0: {  	s7 =	simm.s32 $_size__tile_overlayer_lowered;
	s8 =	simm.s32 $_tile_overlayer_lowered  }
0xa1: {  	s22 =	simm.s32 $0x1BFF;
	s21 =	sshll.u32 s8, $0x1;
	s5 =	sadd.s32 s6, s19  }
0xa2: {  	s9 =	simm.s32 $0x0;
	s20 =	sshll.u32 s7, $0x1;
	s7 =	sadd.s32 s21, s5  }
0xa3: {  	[timem:s9], [sflag:s22] =	dma.local [hbm:s7], s20  }
0xa4: {  	_ =	swait.ge [sflag:s22], s20  }
0xa5: {  	s6 =	ssub.s32 $0x0, s20;
	[sflag:s22] =	ssyncset.done $0x0  }
0xa6: {  	[sflag:s22] =	ssyncadd.s32 s6;
	_ =	sdelay $0x1  }
0xa7: {  	s23 =	simm.s32 $0x1B8B  }
0xa8: {  	_ =	swait.ge [sflag:s23], $0x1  }
0xa9: {  	[sflag:s23] =	ssyncset.done $0x0  }
0xaa: {  	s25 =	simm.s32 $0x1B8E;
	s24 =	sld [smem:$0x3FFE];
	[sflag:s23] =	ssyncadd.s32 $0xFFFFFFFF  }
0xab: {  	s26 =	simm.s32 $execute0_lowered;
	[smem:$0x3FD2] =	sst s25  }
0xac: {  	s7 =	sshll.u32 s26, $0x1;
	_ =	strace $0x80000046;
	[dreg:$0x1] =	wrdreg $0xFFFFFFFF  }
0xad: {  	s28 =	simm.s32 $_size_execute0_lowered;
	s5 =	sadd.s32 s5, s7;
	[dreg:$0x0] =	wrdreg $0x0  }
0xae: {  	s7 =	sshll.u32 s28, $0x1;
	[dreg:$0x2] =	wrdreg s5  }
0xaf: {  	[dreg:$0x3] =	wrdreg s7  }
0xb0: {  	[dreg:$0x4] =	wrdreg $0xC0  }
0xb1: {  	_ =	task [dreg:s9], $0x5FFFF  }
0xb2: {  	[dreg:$0x1] =	wrdreg $0xFFFFFFFF  }
0xb3: {  	[dreg:$0x0] =	wrdreg $0x60  }
0xb4: {  	[dreg:$0x2] =	wrdreg s24  }
0xb5: {  	[dreg:$0x3] =	wrdreg s16  }
0xb6: {  	[dreg:$0x4] =	wrdreg s17  }
0xb7: {  	[dreg:$0x5] =	wrdreg s18  }
0xb8: {  	[dreg:$0x6] =	wrdreg $0xC2000  }
0xb9: {  	[dreg:$0x7] =	wrdreg $0x9  }
0xba: {  	_ =	task.clear_ibuf [dreg:s9], $0x8FFFF;
	_ =	strace $0x90000046  }
0xbb: {  	s29 =	simm.s32 $0x9;
	_ =	strace $0x80000048  }
0xbc: {  	_ =	swait.ge [sflag:s29], $0x1  }
0xbd: {  	[sflag:s29] =	ssyncadd.s32 $0xFFFFFFFF  }
0xbe: {  	_ =	strace $0x90000048  }
0xbf: {  	_ =	sfence  }
0xc0: {  	s30 =	sld [smem:$0x0];
	_ =	sdelay $0x2  }
0xc1: {  	s31 =	sshll.u32 s1, $0xD;
	s1 =	sshrl.u32 s1, $0x2  }
0xc2: {  	s3 =	sand.u32 $0x4000, s31;
	s1 =	sadd.s32 s1, s30  }
0xc3: {  	s0 =	sor.u32 s3, s0;
	s1 =	sshll.u32 s1, $0x11  }
0xc4: {  	s0 =	sor.u32 s1, s0  }
0xc5: {  	s0 =	sadd.s32 $0x8F2B, s0  }
0xc6: {  	[sflag:s0] =	ssyncadd.remote.s32 $0x1  }
0xc7: {  	_ =	sfence.sel $0xFFFF  }
0xc8: {  	[dreg:$0x0] =	wrdreg $0xFFFFFFFF;
	(pc) =	sbr.abs _section_cstart, $3  }
0xc9: {  	[dreg:$0x1] =	wrdreg $0xFFFFFFFF  }
0xca: {  	_ =	task.clear_ibuf [dreg:s9], $0x2FFFF;
	_ =	strace $0x9FFFFFFF  }
0xcb: {  	(tm) =	ssettm $0x7FFFFFFF  }
tec
execute0_lowered:
.L_overlay_start_1:
0x0: {  	(tag) =	ssettag $0x1  }
0x1: {  	s0 =	rddreg [dreg:$0x0]  }
0x2: {  	s1 =	rddreg [dreg:$0x1];
	s20 =	stileid.u32  }
0x3: {  	s2 =	rddreg [dreg:$0x2];
	s9 =	smul.u32 $0x13C00, s20  }
0x4: {  	s3 =	rddreg [dreg:$0x3];
	s13 =	smul.u32 $0x4F000, s20  }
0x5: {  	s5 =	rddreg [dreg:$0x4];
	s15 =	smul.u32 $0x28000, s20  }
0x6: {  	s6 =	simm.s32 $0x0;
	s4 =	srdreg.scid;
	s16 =	smul.u32 $0xA00, s20  }
0x7: {  	s4 =	sand.u32 $0x1, s4;
	s7 =	sadd.s32 $0x281E00, s0;
	s31 =	smul.u32 $0x50, s20  }
0x8: {  	[smem:$0x7FF] =	sst s6;
	s8 =	sadd.s32 $0x501E00, s0;
	s10 =	smul.u32 $0x13C000, s4  }
0x9: {  	s11 =	sadd.s32 $0x1E00, s0;
	s12 =	sadd.s32 $0x9E200, s0;
	s24 =	smul.u32 $0x4E200, s4  }
0xa: {  	_ =	strace $0x80000047;
	s14 =	ssub.s32 $0x2, s4;
	s25 =	smul.u32 $0x278000, s4  }
0xb: {  	s17 =	sshllo.u32 s4, $0x1;
	s4 =	smul.u32 $0x500, s4;
	s23 =	sshrl.u32 s14, $0x1  }
0xc: {  	s13 =	sshrl.u32 s13, $0x2;
	s28 =	smul.u32 $0x27100, s17;
	s15 =	sadd.s32 s7, s15  }
0xd: {  	s29 =	smul.u32 $0x13C000, s17;
	s30 =	sadd.s32 s1, s16;
	[dreg:$0xa] =	wrdreg s15  }
0xe: {  	s16 =	sadd.s32 s2, s16;
	s10 =	sadd.s32 s9, s10;
	[dreg:$0xb] =	wrdreg s30  }
0xf: {  	s21 =	sadd.s32 s13, s5;
	s13 =	sadd.s32 s9, s25;
	[dreg:$0xc] =	wrdreg s16  }
0x10: {  	s16 =	sadd.s32 s11, s24;
	s10 =	sshrl.u32 s10, $0x3;
	s18 =	sadd.s32 $0x2000, s21  }
0x11: {  	s26 =	sadd.s32 $0x4000, s21;
	s19 =	sadd.s32 $0x6000, s21;
	s13 =	sshrl.u32 s13, $0x3  }
0x12: {  	s9 =	sadd.s32 s9, s29;
	s25 =	sadd.s32 $0x8000, s21;
	[dreg:$0x6] =	wrdreg s21  }
0x13: {  	s29 =	sadd.s32 $0xE000, s21;
	s30 =	sadd.s32 $0x10000, s21;
	[dreg:$0x7] =	wrdreg s18  }
0x14: {  	s0 =	sadd.s32 s10, s0;
	s10 =	ssub.s32 s14, s23;
	[dreg:$0x8] =	wrdreg s26  }
0x15: {  	[dreg:$0x9] =	wrdreg s19;
	s13 =	sadd.s32 s12, s13;
	s18 =	sadd.s32 s11, s28  }
0x16: {  	s9 =	sshrl.u32 s9, $0x3;
	s19 =	sadd.s32 s31, s4;
	[dreg:$0x14] =	wrdreg s25  }
0x17: {  	s26 =	sadd.s32 $0xA000, s21;
	s28 =	sadd.s32 $0xC000, s21;
	[dreg:$0x17] =	wrdreg s29  }
0x18: {  	[dreg:$0x18] =	wrdreg s30;
	s31 =	sadd.s32 $0x12000, s21;
	s21 =	simm.s32 $0x8100  }
0x19: {  	s25 =	simm.s32 $0x2000;
	s11 =	simm.s32 $0x6000;
	[dreg:$0xd] =	wrdreg s13  }
0x1a: {  	s14 =	sadd.s32 s12, s9;
	s15 =	sshll.u32 s19, $0xA;
	[dreg:$0x15] =	wrdreg s26  }
0x1b: {  	s17 =	sshll.u32 s19, $0x4;
	s0 =	sadd.s32 $0x13C200, s0;
	[dreg:$0x16] =	wrdreg s28  }
0x1c: {  	s24 =	smax.u32 s10, $0x1;
	[dreg:$0x19] =	wrdreg s31;
	s13 =	simm.s32 $0x8080  }
0x1d: {  	s10 =	simm.s32 $0x2;
	s12 =	simm.s32 $0x5;
	[dreg:$0xe] =	wrdreg s14  }
0x1e: {  	s26 =	simm.s32 $0x4;
	s9 =	simm.s32 $0x0;
	[dreg:$0x12] =	wrdreg s0  }
0x1f: {  	s4 =	sadd.s32 s8, s15;
	s22 =	sadd.s32 s1, s17;
	[dreg:$0x13] =	wrdreg s24  }
0x20: {  	s23 =	sadd.s32 s2, s17;
	s17 =	simm.s32 $0x7;
	[dreg:$0xf] =	wrdreg s4  }
0x21: {  	s24 =	simm.s32 $0x4000;
	s14 =	simm.s32 $0x8180;
	[dreg:$0x10] =	wrdreg s22  }
0x22: {  	s15 =	simm.s32 $0x3;
	[dreg:$0x11] =	wrdreg s23;
	s4 =	smul.u32 $0xA0, s20  }
0x23: {  	v0 =	vimm.f32 $0.0e+00;
	s20 =	simm.s32 $0x8000;
	s22 =	simm.s32 $0x1;
	s23 =	simm.s32 $0x40  }
.LBB2_1:
0x24: {  	[dreg:$0x1a] =	wrdreg s9;
	s0 =	simm.s32 $0x0;
	s9 =	simm.s32 $0x200  }
.LBB2_2:
0x25: {  	p0 =	sne.s32 s9, $0x7E00;
	[tilespmem:s0+$0x70] =	vst v0  }
0x26: {  	[tilespmem:s0+$0x0] =	vst v0  }
0x27: {  	[tilespmem:s0+$0x10] =	vst v0  }
.Ltmp0:
0x28: {  	[tilespmem:s0+$0x20] =	vst v0;
	(pc) =	sbr.rel @p0 .LBB2_2-.Ltmp0, $4  }
0x29: {  	[tilespmem:s0+$0x30] =	vst v0  }
0x2a: {  	[tilespmem:s0+$0x40] =	vst v0  }
0x2b: {  	[tilespmem:s0+$0x50] =	vst v0  }
0x2c: {  	[tilespmem:s0+$0x60] =	vst v0;
	s0 =	sshra.s32 s9, $0x2;
	s9 =	sadd.s32 $0x200, s9  }
0x2d: {  	[tilespmem:s0+$0x70] =	vst v0  }
0x2e: {  	[tilespmem:s0+$0x0] =	vst v0  }
0x2f: {  	[tilespmem:s0+$0x10] =	vst v0  }
0x30: {  	[tilespmem:s0+$0x20] =	vst v0  }
0x31: {  	[tilespmem:s0+$0x30] =	vst v0  }
0x32: {  	[tilespmem:s0+$0x40] =	vst v0  }
0x33: {  	[tilespmem:s0+$0x50] =	vst v0  }
0x34: {  	[tilespmem:s0+$0x60] =	vst v0;
	s0 =	simm.s32 $0x0;
	s9 =	rddreg [dreg:$0x6]  }
0x35: {  	[spmem:s9] =	stream.linear.scatter [tilespmem:s0], [sflag:$0x7], $0x2000, $0x38;
	[tilespmem:$0x1FE00] =	vst v63  }
0x36: {  	_ =	swait.ge [sflag:s17], $0x2000  }
0x37: {  	[sflag:s17] =	ssyncset.done $0x0  }
0x38: {  	s28 =	rddreg [dreg:$0x7];
	[sflag:s17] =	ssyncadd.s32 $0xFFFFE000  }
0x39: {  	[spmem:s28] =	stream.linear.scatter [tilespmem:s0], [sflag:$0x7], $0x2000, $0x38;
	[tilespmem:$0x1FE00] =	vst v63  }
0x3a: {  	_ =	swait.ge [sflag:s17], $0x2000  }
0x3b: {  	[sflag:s17] =	ssyncset.done $0x0  }
0x3c: {  	s29 =	rddreg [dreg:$0x8];
	[sflag:s17] =	ssyncadd.s32 $0xFFFFE000  }
0x3d: {  	[spmem:s29] =	stream.linear.scatter [tilespmem:s0], [sflag:$0x7], $0x2000, $0x38;
	[tilespmem:$0x1FE00] =	vst v63  }
0x3e: {  	_ =	swait.ge [sflag:s17], $0x2000  }
0x3f: {  	[sflag:s17] =	ssyncset.done $0x0  }
0x40: {  	s30 =	rddreg [dreg:$0x9];
	[sflag:s17] =	ssyncadd.s32 $0xFFFFE000  }
0x41: {  	[spmem:s30] =	stream.linear.scatter [tilespmem:s0], [sflag:$0x7], $0x2000, $0x38;
	[tilespmem:$0x1FE00] =	vst v63  }
0x42: {  	_ =	swait.ge [sflag:s17], $0x2000  }
0x43: {  	[sflag:s17] =	ssyncset.done $0x0  }
0x44: {  	s31 =	rddreg [dreg:$0x14];
	[sflag:s17] =	ssyncadd.s32 $0xFFFFE000  }
0x45: {  	[spmem:s31] =	stream.linear.scatter [tilespmem:s0], [sflag:$0x7], $0x2000, $0x38;
	[tilespmem:$0x1FE00] =	vst v63  }
0x46: {  	_ =	swait.ge [sflag:s17], $0x2000  }
0x47: {  	[sflag:s17] =	ssyncset.done $0x0  }
0x48: {  	s28 =	rddreg [dreg:$0x15];
	[sflag:s17] =	ssyncadd.s32 $0xFFFFE000  }
0x49: {  	[spmem:s28] =	stream.linear.scatter [tilespmem:s0], [sflag:$0x7], $0x2000, $0x38;
	[tilespmem:$0x1FE00] =	vst v63  }
0x4a: {  	_ =	swait.ge [sflag:s17], $0x2000  }
0x4b: {  	[sflag:s17] =	ssyncset.done $0x0  }
0x4c: {  	s29 =	rddreg [dreg:$0x16];
	[sflag:s17] =	ssyncadd.s32 $0xFFFFE000  }
0x4d: {  	[spmem:s29] =	stream.linear.scatter [tilespmem:s0], [sflag:$0x7], $0x2000, $0x38;
	[tilespmem:$0x1FE00] =	vst v63  }
0x4e: {  	_ =	swait.ge [sflag:s17], $0x2000  }
0x4f: {  	[sflag:s17] =	ssyncset.done $0x0  }
0x50: {  	s30 =	rddreg [dreg:$0x17];
	[sflag:s17] =	ssyncadd.s32 $0xFFFFE000  }
0x51: {  	[spmem:s30] =	stream.linear.scatter [tilespmem:s0], [sflag:$0x7], $0x2000, $0x38;
	[tilespmem:$0x1FE00] =	vst v63  }
0x52: {  	_ =	swait.ge [sflag:s17], $0x2000  }
0x53: {  	[sflag:s17] =	ssyncset.done $0x0  }
0x54: {  	s31 =	rddreg [dreg:$0x18];
	[sflag:s17] =	ssyncadd.s32 $0xFFFFE000  }
0x55: {  	[spmem:s31] =	stream.linear.scatter [tilespmem:s0], [sflag:$0x7], $0x2000, $0x38;
	[tilespmem:$0x1FE00] =	vst v63  }
0x56: {  	_ =	swait.ge [sflag:s17], $0x2000  }
0x57: {  	[sflag:s17] =	ssyncset.done $0x0  }
0x58: {  	s28 =	rddreg [dreg:$0x19];
	[sflag:s17] =	ssyncadd.s32 $0xFFFFE000  }
0x59: {  	[spmem:s28] =	stream.linear.scatter [tilespmem:s0], [sflag:$0x7], $0x1C00, $0x38;
	[tilespmem:$0x1FE00] =	vst v63  }
0x5a: {  	_ =	swait.ge [sflag:s17], $0x1C00  }
0x5b: {  	[sflag:s17] =	ssyncset.done $0x0  }
0x5c: {  	[sflag:s17] =	ssyncadd.s32 $0xFFFFE400  }
0x5d: {  	[bflag:$0x0] =	sbarrier.arrive $0xFFFF  }
0x5e: {  	s29 =	rddreg [dreg:$0xa]  }
0x5f: {  	[tilespmem:s0], [sflag:$0x1] =	stream.linear.gather [hbm4b:s29+s0], $0x2000, $0x38;
	[tilespmem:$0x1FE00] =	vst v63  }
0x60: {  	s30 =	rddreg [dreg:$0xb]  }
0x61: {  	[tilespmem:s20], [sflag:$0x1] =	stream.linear.gather [hbm4b:s30+s0], $0x80, $0x38;
	[tilespmem:$0x1FE00] =	vst v63  }
0x62: {  	s9 =	simm.s32 $0x0;
	s31 =	rddreg [dreg:$0xc]  }
0x63: {  	[tilespmem:s21], [sflag:$0x1] =	stream.linear.gather [hbm4b:s31+s0], $0x80, $0x38;
	[tilespmem:$0x1FE00] =	vst v63  }
.LBB2_4:
0x64: {  	_ =	swait.ge [sflag:s22], $0x2000  }
0x65: {  	[sflag:s22] =	ssyncset.done $0x0  }
0x66: {  	[sflag:s22] =	ssyncadd.s32 $0xFFFFE000  }
0x67: {  	_ =	swait.ge [sflag:s22], $0x80  }
0x68: {  	[sflag:s22] =	ssyncset.done $0x0  }
0x69: {  	[sflag:s22] =	ssyncadd.s32 $0xFFFFFF80  }
0x6a: {  	_ =	swait.ge [sflag:s22], $0x80  }
0x6b: {  	s28 =	sshll.u32 s9, $0x1;
	p0 =	seq.s32 s9, $0x0;
	[sflag:s22] =	ssyncset.done $0x0  }
0x6c: {  	s28 =	sadd.s32 s4, s28;
	s29 =	simm.s32 @!p0 $0x6;
	[sflag:s22] =	ssyncadd.s32 $0xFFFFFF80  }
0x6d: {  	[tilespmem:s24], [sflag:$0x3] =	stream.indirect.gather [hbm4b:s16+s23], $0x80, s21, s23, $0xb8;
	[tilespmem:$0x1FE00] =	vst v63  }
0x6e: {  	s30 =	sor.u32 $0x1, s28;
	_ =	swait.ge @!p0 [sflag:s29], $0x2000  }
0x6f: {  	s31 =	sshll.u32 s30, $0xA;
	[sflag:s29] =	ssyncset.done @!p0 $0x0  }
0x70: {  	[sflag:s29] =	ssyncadd.s32 @!p0 $0xFFFFE000;
	s29 =	sadd.s32 s7, s31  }
0x71: {  	[tilespmem:s25], [sflag:$0x2] =	stream.linear.gather [hbm4b:s29+s0], $0x2000, $0x38;
	[tilespmem:$0x1FE00] =	vst v63  }
0x72: {  	s29 =	sshll.u32 s30, $0x4  }
0x73: {  	s30 =	sadd.s32 s1, s29  }
0x74: {  	[tilespmem:s13], [sflag:$0x2] =	stream.linear.gather [hbm4b:s30+s0], $0x80, $0x38;
	[tilespmem:$0x1FE00] =	vst v63  }
0x75: {  	s30 =	sshll.u32 s28, $0x4  }
0x76: {  	s30 =	sand.u32 $0x1FF80, s30  }
0x77: {  	s29 =	sand.u32 $0x70, s29;
	s30 =	sadd.s32 s2, s30  }
0x78: {  	s29 =	sadd.s32 s29, s30  }
0x79: {  	[tilespmem:s14], [sflag:$0x2] =	stream.linear.gather [hbm4b:s29+s0], $0x80, $0x38;
	[tilespmem:$0x1FE00] =	vst v63  }
0x7a: {  	_ =	swait.ge [sflag:s15], $0x2000  }
0x7b: {  	[sflag:s15] =	ssyncset.done $0x0  }
0x7c: {  	s31 =	simm.s32 $0x0;
	[sflag:s15] =	ssyncadd.s32 $0xFFFFE000  }
0x7d: {  	v1 =	vld [tilespmem:s31+$0x4000]  }
0x7e: {  	v4 =	vld [tilespmem:s31+$0x0]  }
0x7f: {  	v8 =	vld [tilespmem:s31+$0x10]  }
0x80: {  	v6 =	vld [tilespmem:s31+$0x20]  }
0x81: {  	v5 =	vld [tilespmem:s31+$0x30]  }
0x82: {  	v3 =	vld [tilespmem:s31+$0x40]  }
0x83: {  	v2 =	vld [tilespmem:s31+$0x50];
	v7 =	vmul.f32 v4, v1  }
0x84: {  	s30 =	simm.s32 $0x200;
	v4 =	vld [tilespmem:s31+$0x60];
	v8 =	vmul.f32 v8, v1  }
.LBB2_5:
0x85: {  	s29 =	sshra.s32 s30, $0x2;
	p0 =	sne.s32 s30, $0x7E00;
	v9 =	vld [tilespmem:s31+$0x70];
	v6 =	vmul.f32 v6, v1;
	[tilespmem:s31+$0x0] =	vst v7  }
0x86: {  	v7 =	vld [tilespmem:s29+$0x4000];
	v5 =	vmul.f32 v5, v1;
	[tilespmem:s31+$0x10] =	vst v8  }
0x87: {  	v8 =	vld [tilespmem:s29+$0x0];
	v3 =	vmul.f32 v3, v1;
	[tilespmem:s31+$0x20] =	vst v6  }
0x88: {  	v10 =	vld [tilespmem:s29+$0x10];
	v2 =	vmul.f32 v2, v1;
	[tilespmem:s31+$0x30] =	vst v5  }
.Ltmp1:
0x89: {  	v6 =	vld [tilespmem:s29+$0x20];
	v4 =	vmul.f32 v4, v1;
	[tilespmem:s31+$0x40] =	vst v3;
	(pc) =	sbr.rel @p0 .LBB2_5-.Ltmp1, $4  }
0x8a: {  	v5 =	vld [tilespmem:s29+$0x30];
	v9 =	vmul.f32 v9, v1;
	[tilespmem:s31+$0x50] =	vst v2  }
0x8b: {  	v3 =	vld [tilespmem:s29+$0x40];
	[tilespmem:s31+$0x60] =	vst v4;
	v1 =	vmov v7  }
0x8c: {  	v2 =	vld [tilespmem:s29+$0x50];
	v7 =	vmul.f32 v8, v1;
	[tilespmem:s31+$0x70] =	vst v9;
	s31 =	smov.u32 s29  }
0x8d: {  	s30 =	sadd.s32 $0x200, s30;
	v4 =	vld [tilespmem:s31+$0x60];
	v8 =	vmul.f32 v10, v1  }
0x8e: {  	v9 =	vld [tilespmem:s31+$0x70];
	v6 =	vmul.f32 v6, v1;
	[tilespmem:s31+$0x0] =	vst v7  }
0x8f: {  	v5 =	vmul.f32 v5, v1;
	[tilespmem:s31+$0x10] =	vst v8  }
0x90: {  	v3 =	vmul.f32 v3, v1;
	[tilespmem:s31+$0x20] =	vst v6  }
0x91: {  	v2 =	vmul.f32 v2, v1;
	[tilespmem:s31+$0x30] =	vst v5  }
0x92: {  	v4 =	vmul.f32 v4, v1;
	[tilespmem:s31+$0x40] =	vst v3  }
0x93: {  	v1 =	vmul.f32 v9, v1;
	[tilespmem:s31+$0x50] =	vst v2  }
0x94: {  	[tilespmem:s31+$0x60] =	vst v4  }
0x95: {  	[tilespmem:s31+$0x70] =	vst v1  }
0x96: {  	[spmem:s5] =	stream.indirect.scatter.add.f32 [tilespmem:s6], [sflag:$0x5], $0x80, s20, s23, $0xb8;
	[tilespmem:$0x1FE00] =	vst v63  }
0x97: {  	_ =	swait.ge [sflag:s10], $0x2000  }
0x98: {  	[sflag:s10] =	ssyncset.done $0x0  }
0x99: {  	[sflag:s10] =	ssyncadd.s32 $0xFFFFE000  }
0x9a: {  	_ =	swait.ge [sflag:s10], $0x80  }
0x9b: {  	[sflag:s10] =	ssyncset.done $0x0  }
0x9c: {  	[sflag:s10] =	ssyncadd.s32 $0xFFFFFF80  }
0x9d: {  	_ =	swait.ge [sflag:s10], $0x80  }
0x9e: {  	[sflag:s10] =	ssyncset.done $0x0  }
0x9f: {  	p0 =	seq.s32 s9, $0x4F;
	[sflag:s10] =	ssyncadd.s32 $0xFFFFFF80  }
0xa0: {  	[tilespmem:s11], [sflag:$0x4] =	stream.indirect.gather [hbm4b:s16+s23], $0x80, s14, s23, $0xb8;
	[tilespmem:$0x1FE00] =	vst v63  }
0xa1: {  	s28 =	sadd.s32 @!p0 $0x2, s28;
	_ =	swait.ge [sflag:s12], $0x2000  }
0xa2: {  	s30 =	simm.s32 @!p0 $0x0;
	s29 =	sshll.u32 @!p0 s28, $0xA;
	[sflag:s12] =	ssyncset.done $0x0  }
0xa3: {  	s28 =	sshll.u32 @!p0 s28, $0x4;
	s29 =	sadd.s32 @!p0 s7, s29;
	[sflag:s12] =	ssyncadd.s32 $0xFFFFE000  }
0xa4: {  	[tilespmem:s30], [sflag:$0x1] =	stream.linear.gather @!p0 [hbm4b:s29+s30], $0x2000, $0x38;
	[tilespmem:$0x1FE00] =	vst v63  }
0xa5: {  	s31 =	simm.s32 @!p0 $0x8000;
	s29 =	sadd.s32 @!p0 s1, s28  }
0xa6: {  	[tilespmem:s31], [sflag:$0x1] =	stream.linear.gather @!p0 [hbm4b:s29+s30], $0x80, $0x38;
	[tilespmem:$0x1FE00] =	vst v63  }
0xa7: {  	s28 =	sadd.s32 @!p0 s2, s28;
	s29 =	simm.s32 @!p0 $0x8100  }
0xa8: {  	[tilespmem:s29], [sflag:$0x1] =	stream.linear.gather @!p0 [hbm4b:s28+s30], $0x80, $0x38;
	[tilespmem:$0x1FE00] =	vst v63  }
0xa9: {  	_ =	swait.ge [sflag:s26], $0x2000  }
0xaa: {  	[sflag:s26] =	ssyncset.done $0x0  }
0xab: {  	s28 =	simm.s32 $0x0;
	[sflag:s26] =	ssyncadd.s32 $0xFFFFE000  }
0xac: {  	v1 =	vld [tilespmem:s28+$0x6000]  }
0xad: {  	v5 =	vld [tilespmem:s28+$0x2000]  }
0xae: {  	v8 =	vld [tilespmem:s28+$0x2010]  }
0xaf: {  	v6 =	vld [tilespmem:s28+$0x2020]  }
0xb0: {  	v4 =	vld [tilespmem:s28+$0x2030]  }
0xb1: {  	v3 =	vld [tilespmem:s28+$0x2040]  }
0xb2: {  	v2 =	vld [tilespmem:s28+$0x2050];
	v7 =	vmul.f32 v5, v1  }
0xb3: {  	s9 =	sadd.s32 $0x1, s9;
	s30 =	simm.s32 $0x200;
	v5 =	vld [tilespmem:s28+$0x2060];
	v8 =	vmul.f32 v8, v1  }
.LBB2_7:
0xb4: {  	s29 =	sshra.s32 s30, $0x2;
	p0 =	sne.s32 s30, $0x7E00;
	v9 =	vld [tilespmem:s28+$0x2070];
	v6 =	vmul.f32 v6, v1;
	[tilespmem:s28+$0x2000] =	vst v7  }
0xb5: {  	v7 =	vld [tilespmem:s29+$0x6000];
	v4 =	vmul.f32 v4, v1;
	[tilespmem:s28+$0x2010] =	vst v8  }
0xb6: {  	v8 =	vld [tilespmem:s29+$0x2000];
	v3 =	vmul.f32 v3, v1;
	[tilespmem:s28+$0x2020] =	vst v6  }
0xb7: {  	v10 =	vld [tilespmem:s29+$0x2010];
	v2 =	vmul.f32 v2, v1;
	[tilespmem:s28+$0x2030] =	vst v4  }
.Ltmp2:
0xb8: {  	v6 =	vld [tilespmem:s29+$0x2020];
	v5 =	vmul.f32 v5, v1;
	[tilespmem:s28+$0x2040] =	vst v3;
	(pc) =	sbr.rel @p0 .LBB2_7-.Ltmp2, $4  }
0xb9: {  	v4 =	vld [tilespmem:s29+$0x2030];
	v9 =	vmul.f32 v9, v1;
	[tilespmem:s28+$0x2050] =	vst v2  }
0xba: {  	v3 =	vld [tilespmem:s29+$0x2040];
	[tilespmem:s28+$0x2060] =	vst v5;
	v1 =	vmov v7  }
0xbb: {  	v2 =	vld [tilespmem:s29+$0x2050];
	v7 =	vmul.f32 v8, v1;
	[tilespmem:s28+$0x2070] =	vst v9;
	s28 =	smov.u32 s29  }
0xbc: {  	s30 =	sadd.s32 $0x200, s30;
	v5 =	vld [tilespmem:s28+$0x2060];
	v8 =	vmul.f32 v10, v1  }
0xbd: {  	v9 =	vld [tilespmem:s28+$0x2070];
	v6 =	vmul.f32 v6, v1;
	[tilespmem:s28+$0x2000] =	vst v7  }
0xbe: {  	v4 =	vmul.f32 v4, v1;
	[tilespmem:s28+$0x2010] =	vst v8  }
0xbf: {  	v3 =	vmul.f32 v3, v1;
	[tilespmem:s28+$0x2020] =	vst v6  }
0xc0: {  	p0 =	sne.s32 s9, $0x50;
	v2 =	vmul.f32 v2, v1;
	[tilespmem:s28+$0x2030] =	vst v4  }
.Ltmp3:
0xc1: {  	v63 =	vmul.f32 v5, v1;
	[tilespmem:s28+$0x2040] =	vst v3;
	(pc) =	sbr.rel @p0 .LBB2_4-.Ltmp3, $4  }
0xc2: {  	v1 =	vmul.f32 v9, v1;
	[tilespmem:s28+$0x2050] =	vst v2  }
0xc3: {  	[tilespmem:s28+$0x2060] =	vst v63  }
0xc4: {  	[tilespmem:s28+$0x2070] =	vst v1  }
0xc5: {  	[spmem:s5] =	stream.indirect.scatter.add.f32 [tilespmem:s25], [sflag:$0x6], $0x80, s13, s23, $0xb8;
	[tilespmem:$0x1FE00] =	vst v63  }
0xc6: {  	s0 =	simm.s32 $0x6  }
0xc7: {  	_ =	swait.ge [sflag:s0], $0x2000  }
0xc8: {  	[sflag:s0] =	ssyncset.done $0x0  }
0xc9: {  	[sflag:s0] =	ssyncadd.s32 $0xFFFFE000  }
0xca: {  	s29 =	stileid.u32;
	[bflag:$0x0] =	sbarrier.arrive $0xFFFF  }
0xcb: {  	s0 =	sshll.u32 s29, $0x6;
	s30 =	rddreg [dreg:$0x6]  }
0xcc: {  	s9 =	sor.u32 $0x1C07, s0;
	s31 =	rddreg [dreg:$0xd]  }
0xcd: {  	[dreg:$0x1b] =	wrdreg s9;
	s28 =	sshrl.u32 s30, $0x3  }
0xce: {  	[dreg:$0x1c] =	wrdreg s28  }
0xcf: {  	[hbm:s31], [sflag:s9] =	dma.local [spmem:s28], $0x2780  }
0xd0: {  	_ =	swait.ge [sflag:s17], $0x2780  }
0xd1: {  	[sflag:s17] =	ssyncset.done $0x0  }
0xd2: {  	[sflag:s17] =	ssyncadd.s32 $0xFFFFD880  }
0xd3: {  	s0 =	simm.s32 $0x0;
	s9 =	simm.s32 $0x200;
	[bflag:$0x0] =	sbarrier.arrive $0xFFFF  }
.LBB2_10:
0xd4: {  	p0 =	sne.s32 s9, $0x7E00;
	[tilespmem:s0+$0x70] =	vst v0  }
0xd5: {  	[tilespmem:s0+$0x0] =	vst v0  }
0xd6: {  	[tilespmem:s0+$0x10] =	vst v0  }
.Ltmp4:
0xd7: {  	[tilespmem:s0+$0x20] =	vst v0;
	(pc) =	sbr.rel @p0 .LBB2_10-.Ltmp4, $4  }
0xd8: {  	[tilespmem:s0+$0x30] =	vst v0  }
0xd9: {  	[tilespmem:s0+$0x40] =	vst v0  }
0xda: {  	[tilespmem:s0+$0x50] =	vst v0  }
0xdb: {  	[tilespmem:s0+$0x60] =	vst v0;
	s0 =	sshra.s32 s9, $0x2;
	s9 =	sadd.s32 $0x200, s9  }
0xdc: {  	[tilespmem:s0+$0x70] =	vst v0  }
0xdd: {  	[tilespmem:s0+$0x0] =	vst v0  }
0xde: {  	[tilespmem:s0+$0x10] =	vst v0  }
0xdf: {  	[tilespmem:s0+$0x20] =	vst v0  }
0xe0: {  	[tilespmem:s0+$0x30] =	vst v0  }
0xe1: {  	[tilespmem:s0+$0x40] =	vst v0  }
0xe2: {  	[tilespmem:s0+$0x50] =	vst v0  }
0xe3: {  	[tilespmem:s0+$0x60] =	vst v0;
	s9 =	simm.s32 $0x0;
	s31 =	rddreg [dreg:$0x6]  }
0xe4: {  	[spmem:s31] =	stream.linear.scatter [tilespmem:s9], [sflag:$0x7], $0x2000, $0x38;
	[tilespmem:$0x1FE00] =	vst v63  }
0xe5: {  	_ =	swait.ge [sflag:s17], $0x2000  }
0xe6: {  	[sflag:s17] =	ssyncset.done $0x0  }
0xe7: {  	s29 =	rddreg [dreg:$0x7];
	[sflag:s17] =	ssyncadd.s32 $0xFFFFE000  }
0xe8: {  	[spmem:s29] =	stream.linear.scatter [tilespmem:s9], [sflag:$0x7], $0x2000, $0x38;
	[tilespmem:$0x1FE00] =	vst v63  }
0xe9: {  	_ =	swait.ge [sflag:s17], $0x2000  }
0xea: {  	[sflag:s17] =	ssyncset.done $0x0  }
0xeb: {  	s30 =	rddreg [dreg:$0x8];
	[sflag:s17] =	ssyncadd.s32 $0xFFFFE000  }
0xec: {  	[spmem:s30] =	stream.linear.scatter [tilespmem:s9], [sflag:$0x7], $0x2000, $0x38;
	[tilespmem:$0x1FE00] =	vst v63  }
0xed: {  	_ =	swait.ge [sflag:s17], $0x2000  }
0xee: {  	[sflag:s17] =	ssyncset.done $0x0  }
0xef: {  	s31 =	rddreg [dreg:$0x9];
	[sflag:s17] =	ssyncadd.s32 $0xFFFFE000  }
0xf0: {  	[spmem:s31] =	stream.linear.scatter [tilespmem:s9], [sflag:$0x7], $0x2000, $0x38;
	[tilespmem:$0x1FE00] =	vst v63  }
0xf1: {  	_ =	swait.ge [sflag:s17], $0x2000  }
0xf2: {  	[sflag:s17] =	ssyncset.done $0x0  }
0xf3: {  	s29 =	rddreg [dreg:$0x14];
	[sflag:s17] =	ssyncadd.s32 $0xFFFFE000  }
0xf4: {  	[spmem:s29] =	stream.linear.scatter [tilespmem:s9], [sflag:$0x7], $0x2000, $0x38;
	[tilespmem:$0x1FE00] =	vst v63  }
0xf5: {  	_ =	swait.ge [sflag:s17], $0x2000  }
0xf6: {  	[sflag:s17] =	ssyncset.done $0x0  }
0xf7: {  	s30 =	rddreg [dreg:$0x15];
	[sflag:s17] =	ssyncadd.s32 $0xFFFFE000  }
0xf8: {  	[spmem:s30] =	stream.linear.scatter [tilespmem:s9], [sflag:$0x7], $0x2000, $0x38;
	[tilespmem:$0x1FE00] =	vst v63  }
0xf9: {  	_ =	swait.ge [sflag:s17], $0x2000  }
0xfa: {  	[sflag:s17] =	ssyncset.done $0x0  }
0xfb: {  	s31 =	rddreg [dreg:$0x16];
	[sflag:s17] =	ssyncadd.s32 $0xFFFFE000  }
0xfc: {  	[spmem:s31] =	stream.linear.scatter [tilespmem:s9], [sflag:$0x7], $0x2000, $0x38;
	[tilespmem:$0x1FE00] =	vst v63  }
0xfd: {  	_ =	swait.ge [sflag:s17], $0x2000  }
0xfe: {  	[sflag:s17] =	ssyncset.done $0x0  }
0xff: {  	s29 =	rddreg [dreg:$0x17];
	[sflag:s17] =	ssyncadd.s32 $0xFFFFE000  }
0x100: {  	[spmem:s29] =	stream.linear.scatter [tilespmem:s9], [sflag:$0x7], $0x2000, $0x38;
	[tilespmem:$0x1FE00] =	vst v63  }
0x101: {  	_ =	swait.ge [sflag:s17], $0x2000  }
0x102: {  	[sflag:s17] =	ssyncset.done $0x0  }
0x103: {  	s30 =	rddreg [dreg:$0x18];
	[sflag:s17] =	ssyncadd.s32 $0xFFFFE000  }
0x104: {  	[spmem:s30] =	stream.linear.scatter [tilespmem:s9], [sflag:$0x7], $0x2000, $0x38;
	[tilespmem:$0x1FE00] =	vst v63  }
0x105: {  	_ =	swait.ge [sflag:s17], $0x2000  }
0x106: {  	[sflag:s17] =	ssyncset.done $0x0  }
0x107: {  	s31 =	rddreg [dreg:$0x19];
	[sflag:s17] =	ssyncadd.s32 $0xFFFFE000  }
0x108: {  	[spmem:s31] =	stream.linear.scatter [tilespmem:s9], [sflag:$0x7], $0x1C00, $0x38;
	[tilespmem:$0x1FE00] =	vst v63  }
0x109: {  	_ =	swait.ge [sflag:s17], $0x1C00  }
0x10a: {  	[sflag:s17] =	ssyncset.done $0x0  }
0x10b: {  	[sflag:s17] =	ssyncadd.s32 $0xFFFFE400  }
0x10c: {  	[bflag:$0x0] =	sbarrier.arrive $0xFFFF  }
0x10d: {  	s29 =	rddreg [dreg:$0xa]  }
0x10e: {  	[tilespmem:s9], [sflag:$0x1] =	stream.linear.gather [hbm4b:s29+s9], $0x2000, $0x38;
	[tilespmem:$0x1FE00] =	vst v63  }
0x10f: {  	s30 =	rddreg [dreg:$0xb]  }
0x110: {  	[tilespmem:s20], [sflag:$0x1] =	stream.linear.gather [hbm4b:s30+s9], $0x80, $0x38;
	[tilespmem:$0x1FE00] =	vst v63  }
0x111: {  	s28 =	simm.s32 $0x0;
	s31 =	rddreg [dreg:$0xc]  }
0x112: {  	[tilespmem:s21], [sflag:$0x1] =	stream.linear.gather [hbm4b:s31+s9], $0x80, $0x38;
	[tilespmem:$0x1FE00] =	vst v63  }
.LBB2_12:
0x113: {  	_ =	swait.ge [sflag:s22], $0x2000  }
0x114: {  	[sflag:s22] =	ssyncset.done $0x0  }
0x115: {  	[sflag:s22] =	ssyncadd.s32 $0xFFFFE000  }
0x116: {  	_ =	swait.ge [sflag:s22], $0x80  }
0x117: {  	[sflag:s22] =	ssyncset.done $0x0  }
0x118: {  	[sflag:s22] =	ssyncadd.s32 $0xFFFFFF80  }
0x119: {  	_ =	swait.ge [sflag:s22], $0x80  }
0x11a: {  	s0 =	sshll.u32 s28, $0x1;
	p0 =	seq.s32 s28, $0x0;
	[sflag:s22] =	ssyncset.done $0x0  }
0x11b: {  	s31 =	sadd.s32 s4, s0;
	s0 =	simm.s32 @!p0 $0x6;
	[sflag:s22] =	ssyncadd.s32 $0xFFFFFF80  }
0x11c: {  	[tilespmem:s24], [sflag:$0x3] =	stream.indirect.gather [hbm4b:s18+s23], $0x80, s21, s23, $0xb8;
	[tilespmem:$0x1FE00] =	vst v63  }
0x11d: {  	s29 =	sor.u32 $0x1, s31;
	_ =	swait.ge @!p0 [sflag:s0], $0x2000  }
0x11e: {  	s30 =	sshll.u32 s29, $0xA;
	[sflag:s0] =	ssyncset.done @!p0 $0x0  }
0x11f: {  	[sflag:s0] =	ssyncadd.s32 @!p0 $0xFFFFE000;
	s0 =	sadd.s32 s7, s30  }
0x120: {  	[tilespmem:s25], [sflag:$0x2] =	stream.linear.gather [hbm4b:s0+s9], $0x2000, $0x38;
	[tilespmem:$0x1FE00] =	vst v63  }
0x121: {  	s0 =	sshll.u32 s29, $0x4  }
0x122: {  	s29 =	sadd.s32 s1, s0  }
0x123: {  	[tilespmem:s13], [sflag:$0x2] =	stream.linear.gather [hbm4b:s29+s9], $0x80, $0x38;
	[tilespmem:$0x1FE00] =	vst v63  }
0x124: {  	s29 =	sshll.u32 s31, $0x4  }
0x125: {  	s29 =	sand.u32 $0x1FF80, s29  }
0x126: {  	s0 =	sand.u32 $0x70, s0;
	s29 =	sadd.s32 s2, s29  }
0x127: {  	s0 =	sadd.s32 s0, s29  }
0x128: {  	[tilespmem:s14], [sflag:$0x2] =	stream.linear.gather [hbm4b:s0+s9], $0x80, $0x38;
	[tilespmem:$0x1FE00] =	vst v63  }
0x129: {  	_ =	swait.ge [sflag:s15], $0x2000  }
0x12a: {  	[sflag:s15] =	ssyncset.done $0x0  }
0x12b: {  	s0 =	simm.s32 $0x0;
	[sflag:s15] =	ssyncadd.s32 $0xFFFFE000  }
0x12c: {  	v1 =	vld [tilespmem:s0+$0x4000]  }
0x12d: {  	v4 =	vld [tilespmem:s0+$0x0]  }
0x12e: {  	v8 =	vld [tilespmem:s0+$0x10]  }
0x12f: {  	v6 =	vld [tilespmem:s0+$0x20]  }
0x130: {  	v5 =	vld [tilespmem:s0+$0x30]  }
0x131: {  	v3 =	vld [tilespmem:s0+$0x40]  }
0x132: {  	v2 =	vld [tilespmem:s0+$0x50];
	v7 =	vmul.f32 v4, v1  }
0x133: {  	s30 =	simm.s32 $0x200;
	v4 =	vld [tilespmem:s0+$0x60];
	v8 =	vmul.f32 v8, v1  }
.LBB2_13:
0x134: {  	s29 =	sshra.s32 s30, $0x2;
	p0 =	sne.s32 s30, $0x7E00;
	v9 =	vld [tilespmem:s0+$0x70];
	v6 =	vmul.f32 v6, v1;
	[tilespmem:s0+$0x0] =	vst v7  }
0x135: {  	v7 =	vld [tilespmem:s29+$0x4000];
	v5 =	vmul.f32 v5, v1;
	[tilespmem:s0+$0x10] =	vst v8  }
0x136: {  	v8 =	vld [tilespmem:s29+$0x0];
	v3 =	vmul.f32 v3, v1;
	[tilespmem:s0+$0x20] =	vst v6  }
0x137: {  	v10 =	vld [tilespmem:s29+$0x10];
	v2 =	vmul.f32 v2, v1;
	[tilespmem:s0+$0x30] =	vst v5  }
.Ltmp5:
0x138: {  	v6 =	vld [tilespmem:s29+$0x20];
	v4 =	vmul.f32 v4, v1;
	[tilespmem:s0+$0x40] =	vst v3;
	(pc) =	sbr.rel @p0 .LBB2_13-.Ltmp5, $4  }
0x139: {  	v5 =	vld [tilespmem:s29+$0x30];
	v9 =	vmul.f32 v9, v1;
	[tilespmem:s0+$0x50] =	vst v2  }
0x13a: {  	v3 =	vld [tilespmem:s29+$0x40];
	[tilespmem:s0+$0x60] =	vst v4;
	v1 =	vmov v7  }
0x13b: {  	v2 =	vld [tilespmem:s29+$0x50];
	v7 =	vmul.f32 v8, v1;
	[tilespmem:s0+$0x70] =	vst v9;
	s0 =	smov.u32 s29  }
0x13c: {  	s30 =	sadd.s32 $0x200, s30;
	v4 =	vld [tilespmem:s0+$0x60];
	v8 =	vmul.f32 v10, v1  }
0x13d: {  	v9 =	vld [tilespmem:s0+$0x70];
	v6 =	vmul.f32 v6, v1;
	[tilespmem:s0+$0x0] =	vst v7  }
0x13e: {  	v5 =	vmul.f32 v5, v1;
	[tilespmem:s0+$0x10] =	vst v8  }
0x13f: {  	v3 =	vmul.f32 v3, v1;
	[tilespmem:s0+$0x20] =	vst v6  }
0x140: {  	v2 =	vmul.f32 v2, v1;
	[tilespmem:s0+$0x30] =	vst v5  }
0x141: {  	v4 =	vmul.f32 v4, v1;
	[tilespmem:s0+$0x40] =	vst v3  }
0x142: {  	v1 =	vmul.f32 v9, v1;
	[tilespmem:s0+$0x50] =	vst v2  }
0x143: {  	[tilespmem:s0+$0x60] =	vst v4  }
0x144: {  	[tilespmem:s0+$0x70] =	vst v1  }
0x145: {  	[spmem:s5] =	stream.indirect.scatter.add.f32 [tilespmem:s6], [sflag:$0x5], $0x80, s20, s23, $0xb8;
	[tilespmem:$0x1FE00] =	vst v63  }
0x146: {  	_ =	swait.ge [sflag:s10], $0x2000  }
0x147: {  	[sflag:s10] =	ssyncset.done $0x0  }
0x148: {  	[sflag:s10] =	ssyncadd.s32 $0xFFFFE000  }
0x149: {  	_ =	swait.ge [sflag:s10], $0x80  }
0x14a: {  	[sflag:s10] =	ssyncset.done $0x0  }
0x14b: {  	[sflag:s10] =	ssyncadd.s32 $0xFFFFFF80  }
0x14c: {  	_ =	swait.ge [sflag:s10], $0x80  }
0x14d: {  	[sflag:s10] =	ssyncset.done $0x0  }
0x14e: {  	p0 =	seq.s32 s28, $0x4F;
	[sflag:s10] =	ssyncadd.s32 $0xFFFFFF80  }
0x14f: {  	[tilespmem:s11], [sflag:$0x4] =	stream.indirect.gather [hbm4b:s18+s23], $0x80, s14, s23, $0xb8;
	[tilespmem:$0x1FE00] =	vst v63  }
0x150: {  	s0 =	sadd.s32 @!p0 $0x2, s31;
	_ =	swait.ge [sflag:s12], $0x2000  }
0x151: {  	s30 =	simm.s32 @!p0 $0x0;
	s29 =	sshll.u32 @!p0 s0, $0xA;
	[sflag:s12] =	ssyncset.done $0x0  }
0x152: {  	s0 =	sshll.u32 @!p0 s0, $0x4;
	s29 =	sadd.s32 @!p0 s7, s29;
	[sflag:s12] =	ssyncadd.s32 $0xFFFFE000  }
0x153: {  	[tilespmem:s30], [sflag:$0x1] =	stream.linear.gather @!p0 [hbm4b:s29+s30], $0x2000, $0x38;
	[tilespmem:$0x1FE00] =	vst v63  }
0x154: {  	s31 =	simm.s32 @!p0 $0x8000;
	s29 =	sadd.s32 @!p0 s1, s0  }
0x155: {  	[tilespmem:s31], [sflag:$0x1] =	stream.linear.gather @!p0 [hbm4b:s29+s30], $0x80, $0x38;
	[tilespmem:$0x1FE00] =	vst v63  }
0x156: {  	s0 =	sadd.s32 @!p0 s2, s0;
	s29 =	simm.s32 @!p0 $0x8100  }
0x157: {  	[tilespmem:s29], [sflag:$0x1] =	stream.linear.gather @!p0 [hbm4b:s0+s30], $0x80, $0x38;
	[tilespmem:$0x1FE00] =	vst v63  }
0x158: {  	_ =	swait.ge [sflag:s26], $0x2000  }
0x159: {  	[sflag:s26] =	ssyncset.done $0x0  }
0x15a: {  	s31 =	simm.s32 $0x0;
	[sflag:s26] =	ssyncadd.s32 $0xFFFFE000  }
0x15b: {  	v1 =	vld [tilespmem:s31+$0x6000]  }
0x15c: {  	v5 =	vld [tilespmem:s31+$0x2000]  }
0x15d: {  	v8 =	vld [tilespmem:s31+$0x2010]  }
0x15e: {  	v6 =	vld [tilespmem:s31+$0x2020]  }
0x15f: {  	v4 =	vld [tilespmem:s31+$0x2030]  }
0x160: {  	v3 =	vld [tilespmem:s31+$0x2040]  }
0x161: {  	v2 =	vld [tilespmem:s31+$0x2050];
	v7 =	vmul.f32 v5, v1  }
0x162: {  	s28 =	sadd.s32 $0x1, s28;
	s0 =	simm.s32 $0x200;
	v5 =	vld [tilespmem:s31+$0x2060];
	v8 =	vmul.f32 v8, v1  }
.LBB2_15:
0x163: {  	s29 =	sshra.s32 s0, $0x2;
	p0 =	sne.s32 s0, $0x7E00;
	v9 =	vld [tilespmem:s31+$0x2070];
	v6 =	vmul.f32 v6, v1;
	[tilespmem:s31+$0x2000] =	vst v7  }
0x164: {  	v7 =	vld [tilespmem:s29+$0x6000];
	v4 =	vmul.f32 v4, v1;
	[tilespmem:s31+$0x2010] =	vst v8  }
0x165: {  	v8 =	vld [tilespmem:s29+$0x2000];
	v3 =	vmul.f32 v3, v1;
	[tilespmem:s31+$0x2020] =	vst v6  }
0x166: {  	v10 =	vld [tilespmem:s29+$0x2010];
	v2 =	vmul.f32 v2, v1;
	[tilespmem:s31+$0x2030] =	vst v4  }
.Ltmp6:
0x167: {  	v6 =	vld [tilespmem:s29+$0x2020];
	v5 =	vmul.f32 v5, v1;
	[tilespmem:s31+$0x2040] =	vst v3;
	(pc) =	sbr.rel @p0 .LBB2_15-.Ltmp6, $4  }
0x168: {  	v4 =	vld [tilespmem:s29+$0x2030];
	v9 =	vmul.f32 v9, v1;
	[tilespmem:s31+$0x2050] =	vst v2  }
0x169: {  	v3 =	vld [tilespmem:s29+$0x2040];
	[tilespmem:s31+$0x2060] =	vst v5;
	v1 =	vmov v7  }
0x16a: {  	v2 =	vld [tilespmem:s29+$0x2050];
	v7 =	vmul.f32 v8, v1;
	[tilespmem:s31+$0x2070] =	vst v9;
	s31 =	smov.u32 s29  }
0x16b: {  	s0 =	sadd.s32 $0x200, s0;
	v5 =	vld [tilespmem:s31+$0x2060];
	v8 =	vmul.f32 v10, v1  }
0x16c: {  	v9 =	vld [tilespmem:s31+$0x2070];
	v6 =	vmul.f32 v6, v1;
	[tilespmem:s31+$0x2000] =	vst v7  }
0x16d: {  	v4 =	vmul.f32 v4, v1;
	[tilespmem:s31+$0x2010] =	vst v8  }
0x16e: {  	v3 =	vmul.f32 v3, v1;
	[tilespmem:s31+$0x2020] =	vst v6  }
0x16f: {  	p0 =	sne.s32 s28, $0x50;
	v2 =	vmul.f32 v2, v1;
	[tilespmem:s31+$0x2030] =	vst v4  }
.Ltmp7:
0x170: {  	v63 =	vmul.f32 v5, v1;
	[tilespmem:s31+$0x2040] =	vst v3;
	(pc) =	sbr.rel @p0 .LBB2_12-.Ltmp7, $4  }
0x171: {  	v1 =	vmul.f32 v9, v1;
	[tilespmem:s31+$0x2050] =	vst v2  }
0x172: {  	[tilespmem:s31+$0x2060] =	vst v63  }
0x173: {  	[tilespmem:s31+$0x2070] =	vst v1  }
0x174: {  	[spmem:s5] =	stream.indirect.scatter.add.f32 [tilespmem:s25], [sflag:$0x6], $0x80, s13, s23, $0xb8;
	[tilespmem:$0x1FE00] =	vst v63  }
0x175: {  	s0 =	simm.s32 $0x6  }
0x176: {  	_ =	swait.ge [sflag:s0], $0x2000  }
0x177: {  	[sflag:s0] =	ssyncset.done $0x0  }
0x178: {  	[sflag:s0] =	ssyncadd.s32 $0xFFFFE000  }
0x179: {  	[bflag:$0x0] =	sbarrier.arrive $0xFFFF  }
0x17a: {  	s31 =	rddreg [dreg:$0xe]  }
0x17b: {  	s9 =	rddreg [dreg:$0x1b]  }
0x17c: {  	s28 =	rddreg [dreg:$0x1c]  }
0x17d: {  	[hbm:s31], [sflag:s9] =	dma.local [spmem:s28], $0x2780  }
0x17e: {  	_ =	swait.ge [sflag:s17], $0x2780  }
0x17f: {  	[sflag:s17] =	ssyncset.done $0x0  }
0x180: {  	[sflag:s17] =	ssyncadd.s32 $0xFFFFD880  }
0x181: {  	s0 =	simm.s32 $0x0;
	s9 =	simm.s32 $0x200;
	[bflag:$0x0] =	sbarrier.arrive $0xFFFF  }
.LBB2_18:
0x182: {  	p0 =	sne.s32 s9, $0x7E00;
	[tilespmem:s0+$0x70] =	vst v0  }
0x183: {  	[tilespmem:s0+$0x0] =	vst v0  }
0x184: {  	[tilespmem:s0+$0x10] =	vst v0  }
.Ltmp8:
0x185: {  	[tilespmem:s0+$0x20] =	vst v0;
	(pc) =	sbr.rel @p0 .LBB2_18-.Ltmp8, $4  }
0x186: {  	[tilespmem:s0+$0x30] =	vst v0  }
0x187: {  	[tilespmem:s0+$0x40] =	vst v0  }
0x188: {  	[tilespmem:s0+$0x50] =	vst v0  }
0x189: {  	[tilespmem:s0+$0x60] =	vst v0;
	s0 =	sshra.s32 s9, $0x2;
	s9 =	sadd.s32 $0x200, s9  }
0x18a: {  	[tilespmem:s0+$0x70] =	vst v0  }
0x18b: {  	[tilespmem:s0+$0x0] =	vst v0  }
0x18c: {  	[tilespmem:s0+$0x10] =	vst v0  }
0x18d: {  	[tilespmem:s0+$0x20] =	vst v0  }
0x18e: {  	[tilespmem:s0+$0x30] =	vst v0  }
0x18f: {  	[tilespmem:s0+$0x40] =	vst v0  }
0x190: {  	[tilespmem:s0+$0x50] =	vst v0  }
0x191: {  	[tilespmem:s0+$0x60] =	vst v0;
	s9 =	simm.s32 $0x0;
	s31 =	rddreg [dreg:$0x6]  }
0x192: {  	[spmem:s31] =	stream.linear.scatter [tilespmem:s9], [sflag:$0x7], $0x2000, $0x38;
	[tilespmem:$0x1FE00] =	vst v63  }
0x193: {  	_ =	swait.ge [sflag:s17], $0x2000  }
0x194: {  	[sflag:s17] =	ssyncset.done $0x0  }
0x195: {  	s29 =	rddreg [dreg:$0x7];
	[sflag:s17] =	ssyncadd.s32 $0xFFFFE000  }
0x196: {  	[spmem:s29] =	stream.linear.scatter [tilespmem:s9], [sflag:$0x7], $0x2000, $0x38;
	[tilespmem:$0x1FE00] =	vst v63  }
0x197: {  	_ =	swait.ge [sflag:s17], $0x2000  }
0x198: {  	[sflag:s17] =	ssyncset.done $0x0  }
0x199: {  	s30 =	rddreg [dreg:$0x8];
	[sflag:s17] =	ssyncadd.s32 $0xFFFFE000  }
0x19a: {  	[spmem:s30] =	stream.linear.scatter [tilespmem:s9], [sflag:$0x7], $0x2000, $0x38;
	[tilespmem:$0x1FE00] =	vst v63  }
0x19b: {  	_ =	swait.ge [sflag:s17], $0x2000  }
0x19c: {  	[sflag:s17] =	ssyncset.done $0x0  }
0x19d: {  	s31 =	rddreg [dreg:$0x9];
	[sflag:s17] =	ssyncadd.s32 $0xFFFFE000  }
0x19e: {  	[spmem:s31] =	stream.linear.scatter [tilespmem:s9], [sflag:$0x7], $0x2000, $0x38;
	[tilespmem:$0x1FE00] =	vst v63  }
0x19f: {  	_ =	swait.ge [sflag:s17], $0x2000  }
0x1a0: {  	[sflag:s17] =	ssyncset.done $0x0  }
0x1a1: {  	s29 =	rddreg [dreg:$0x14];
	[sflag:s17] =	ssyncadd.s32 $0xFFFFE000  }
0x1a2: {  	[spmem:s29] =	stream.linear.scatter [tilespmem:s9], [sflag:$0x7], $0x2000, $0x38;
	[tilespmem:$0x1FE00] =	vst v63  }
0x1a3: {  	_ =	swait.ge [sflag:s17], $0x2000  }
0x1a4: {  	[sflag:s17] =	ssyncset.done $0x0  }
0x1a5: {  	s30 =	rddreg [dreg:$0x15];
	[sflag:s17] =	ssyncadd.s32 $0xFFFFE000  }
0x1a6: {  	[spmem:s30] =	stream.linear.scatter [tilespmem:s9], [sflag:$0x7], $0x2000, $0x38;
	[tilespmem:$0x1FE00] =	vst v63  }
0x1a7: {  	_ =	swait.ge [sflag:s17], $0x2000  }
0x1a8: {  	[sflag:s17] =	ssyncset.done $0x0  }
0x1a9: {  	s31 =	rddreg [dreg:$0x16];
	[sflag:s17] =	ssyncadd.s32 $0xFFFFE000  }
0x1aa: {  	[spmem:s31] =	stream.linear.scatter [tilespmem:s9], [sflag:$0x7], $0x2000, $0x38;
	[tilespmem:$0x1FE00] =	vst v63  }
0x1ab: {  	_ =	swait.ge [sflag:s17], $0x2000  }
0x1ac: {  	[sflag:s17] =	ssyncset.done $0x0  }
0x1ad: {  	s29 =	rddreg [dreg:$0x17];
	[sflag:s17] =	ssyncadd.s32 $0xFFFFE000  }
0x1ae: {  	[spmem:s29] =	stream.linear.scatter [tilespmem:s9], [sflag:$0x7], $0x2000, $0x38;
	[tilespmem:$0x1FE00] =	vst v63  }
0x1af: {  	_ =	swait.ge [sflag:s17], $0x2000  }
0x1b0: {  	[sflag:s17] =	ssyncset.done $0x0  }
0x1b1: {  	s30 =	rddreg [dreg:$0x18];
	[sflag:s17] =	ssyncadd.s32 $0xFFFFE000  }
0x1b2: {  	[spmem:s30] =	stream.linear.scatter [tilespmem:s9], [sflag:$0x7], $0x2000, $0x38;
	[tilespmem:$0x1FE00] =	vst v63  }
0x1b3: {  	_ =	swait.ge [sflag:s17], $0x2000  }
0x1b4: {  	[sflag:s17] =	ssyncset.done $0x0  }
0x1b5: {  	s31 =	rddreg [dreg:$0x19];
	[sflag:s17] =	ssyncadd.s32 $0xFFFFE000  }
0x1b6: {  	[spmem:s31] =	stream.linear.scatter [tilespmem:s9], [sflag:$0x7], $0x1C00, $0x38;
	[tilespmem:$0x1FE00] =	vst v63  }
0x1b7: {  	_ =	swait.ge [sflag:s17], $0x1C00  }
0x1b8: {  	[sflag:s17] =	ssyncset.done $0x0  }
0x1b9: {  	[sflag:s17] =	ssyncadd.s32 $0xFFFFE400  }
0x1ba: {  	[bflag:$0x0] =	sbarrier.arrive $0xFFFF  }
0x1bb: {  	s28 =	simm.s32 $0x8200;
	s29 =	rddreg [dreg:$0xf]  }
0x1bc: {  	[tilespmem:s28], [sflag:$0x1] =	stream.linear.gather [hbm4b:s29+s9], $0x2000, $0x38;
	[tilespmem:$0x1FE00] =	vst v63  }
0x1bd: {  	s30 =	rddreg [dreg:$0x10]  }
0x1be: {  	[tilespmem:s20], [sflag:$0x1] =	stream.linear.gather [hbm4b:s30+s9], $0x80, $0x38;
	[tilespmem:$0x1FE00] =	vst v63  }
0x1bf: {  	s31 =	rddreg [dreg:$0x11];
	s28 =	simm.s32 $0x0  }
0x1c0: {  	[tilespmem:s21], [sflag:$0x1] =	stream.linear.gather [hbm4b:s31+s9], $0x80, $0x38;
	[tilespmem:$0x1FE00] =	vst v63  }
.LBB2_20:
0x1c1: {  	_ =	swait.ge [sflag:s22], $0x2000  }
0x1c2: {  	[sflag:s22] =	ssyncset.done $0x0  }
0x1c3: {  	[sflag:s22] =	ssyncadd.s32 $0xFFFFE000  }
0x1c4: {  	_ =	swait.ge [sflag:s22], $0x80  }
0x1c5: {  	[sflag:s22] =	ssyncset.done $0x0  }
0x1c6: {  	[sflag:s22] =	ssyncadd.s32 $0xFFFFFF80  }
0x1c7: {  	s0 =	sshll.u32 s28, $0x1;
	_ =	swait.ge [sflag:s22], $0x80  }
0x1c8: {  	p0 =	seq.s32 s28, $0x0;
	s31 =	sadd.s32 s19, s0;
	[sflag:s22] =	ssyncset.done $0x0  }
0x1c9: {  	s29 =	simm.s32 @!p0 $0x6;
	s0 =	sor.u32 $0x1, s31;
	[sflag:s22] =	ssyncadd.s32 $0xFFFFFF80  }
0x1ca: {  	[tilespmem:s24], [sflag:$0x3] =	stream.indirect.gather [hbm4b:s3+s23], $0x80, s21, s23, $0xb8;
	[tilespmem:$0x1FE00] =	vst v63  }
0x1cb: {  	s30 =	sshll.u32 s0, $0xA;
	_ =	swait.ge @!p0 [sflag:s29], $0x2000  }
0x1cc: {  	s0 =	sshll.u32 s0, $0x4;
	s30 =	sand.u32 $0x1FFFFC00, s30;
	[sflag:s29] =	ssyncset.done @!p0 $0x0  }
0x1cd: {  	[sflag:s29] =	ssyncadd.s32 @!p0 $0xFFFFE000;
	s29 =	sadd.s32 s8, s30;
	s30 =	simm.s32 $0xA200  }
0x1ce: {  	[tilespmem:s30], [sflag:$0x2] =	stream.linear.gather [hbm4b:s29+s9], $0x2000, $0x38;
	[tilespmem:$0x1FE00] =	vst v63  }
0x1cf: {  	s29 =	sand.u32 $0x1FFFFFF0, s0  }
0x1d0: {  	s29 =	sadd.s32 s1, s29  }
0x1d1: {  	[tilespmem:s13], [sflag:$0x2] =	stream.linear.gather [hbm4b:s29+s9], $0x80, $0x38;
	[tilespmem:$0x1FE00] =	vst v63  }
0x1d2: {  	s29 =	sshll.u32 s31, $0x4  }
0x1d3: {  	s29 =	sand.u32 $0x1FF80, s29  }
0x1d4: {  	s0 =	sand.u32 $0x70, s0;
	s29 =	sadd.s32 s2, s29  }
0x1d5: {  	s0 =	sadd.s32 s0, s29  }
0x1d6: {  	[tilespmem:s14], [sflag:$0x2] =	stream.linear.gather [hbm4b:s0+s9], $0x80, $0x38;
	[tilespmem:$0x1FE00] =	vst v63  }
0x1d7: {  	_ =	swait.ge [sflag:s15], $0x2000  }
0x1d8: {  	[sflag:s15] =	ssyncset.done $0x0  }
0x1d9: {  	s30 =	simm.s32 $0x0;
	[sflag:s15] =	ssyncadd.s32 $0xFFFFE000  }
0x1da: {  	v6 =	vld [tilespmem:s30+$0x8200]  }
0x1db: {  	v2 =	vld [tilespmem:s30+$0x4030]  }
0x1dc: {  	v4 =	vld [tilespmem:s30+$0x4000]  }
0x1dd: {  	v5 =	vld [tilespmem:s30+$0x4010]  }
0x1de: {  	v7 =	vld [tilespmem:s30+$0x4020]  }
0x1df: {  	s0 =	simm.s32 $0x80  }
0x1e0: {  	v1 =	vld [tilespmem:s0+$0x8200];
	v8 =	vmul.f32 v2, v6  }
0x1e1: {  	v3 =	vld [tilespmem:s0+$0x4030];
	v9 =	vmul.f32 v4, v6  }
0x1e2: {  	v2 =	vld [tilespmem:s0+$0x4000];
	[tilespmem:s30+$0x30] =	vst v8;
	v8 =	vmul.f32 v5, v6  }
0x1e3: {  	v6 =	vmul.f32 v7, v6;
	v4 =	vld [tilespmem:s0+$0x4010];
	[tilespmem:s30+$0x0] =	vst v9  }
0x1e4: {  	s29 =	simm.s32 $0x400;
	v5 =	vld [tilespmem:s0+$0x4020];
	[tilespmem:s30+$0x10] =	vst v8  }
.LBB2_21:
0x1e5: {  	[tilespmem:s30+$0x20] =	vst v6;
	v6 =	vmov v1;
	s30 =	smov.u32 s0;
	s0 =	sshra.s32 s29, $0x2;
	p0 =	sne.s32 s29, $0x7E00  }
.Ltmp9:
0x1e6: {  	s29 =	sadd.s32 $0x200, s29;
	v1 =	vld [tilespmem:s0+$0x8200];
	v7 =	vmul.f32 v3, v6;
	(pc) =	sbr.rel @p0 .LBB2_21-.Ltmp9, $4  }
0x1e7: {  	v3 =	vld [tilespmem:s0+$0x4030];
	v8 =	vmul.f32 v2, v6  }
0x1e8: {  	v2 =	vld [tilespmem:s0+$0x4000];
	v9 =	vmul.f32 v4, v6;
	[tilespmem:s30+$0x30] =	vst v7  }
0x1e9: {  	v4 =	vld [tilespmem:s0+$0x4010];
	v6 =	vmul.f32 v5, v6;
	[tilespmem:s30+$0x0] =	vst v8  }
0x1ea: {  	v5 =	vld [tilespmem:s0+$0x4020];
	[tilespmem:s30+$0x10] =	vst v9  }
0x1eb: {  	_ = 	snop  }
0x1ec: {  	v3 =	vmul.f32 v3, v1  }
0x1ed: {  	[tilespmem:s30+$0x20] =	vst v6;
	v2 =	vmul.f32 v2, v1  }
0x1ee: {  	v4 =	vmul.f32 v4, v1;
	[tilespmem:s0+$0x30] =	vst v3  }
0x1ef: {  	v1 =	vmul.f32 v5, v1;
	[tilespmem:s0+$0x0] =	vst v2  }
0x1f0: {  	[tilespmem:s0+$0x10] =	vst v4  }
0x1f1: {  	[tilespmem:s0+$0x20] =	vst v1  }
0x1f2: {  	[spmem:s5] =	stream.indirect.scatter.add.f32 [tilespmem:s6], [sflag:$0x5], $0x80, s20, s23, $0xb8;
	[tilespmem:$0x1FE00] =	vst v63  }
0x1f3: {  	_ =	swait.ge [sflag:s10], $0x2000  }
0x1f4: {  	[sflag:s10] =	ssyncset.done $0x0  }
0x1f5: {  	[sflag:s10] =	ssyncadd.s32 $0xFFFFE000  }
0x1f6: {  	_ =	swait.ge [sflag:s10], $0x80  }
0x1f7: {  	[sflag:s10] =	ssyncset.done $0x0  }
0x1f8: {  	[sflag:s10] =	ssyncadd.s32 $0xFFFFFF80  }
0x1f9: {  	_ =	swait.ge [sflag:s10], $0x80  }
0x1fa: {  	p0 =	seq.s32 s28, $0x27;
	[sflag:s10] =	ssyncset.done $0x0  }
0x1fb: {  	s0 =	sadd.s32 @!p0 $0x2, s31;
	[sflag:s10] =	ssyncadd.s32 $0xFFFFFF80  }
0x1fc: {  	[tilespmem:s11], [sflag:$0x4] =	stream.indirect.gather [hbm4b:s3+s23], $0x80, s14, s23, $0xb8;
	[tilespmem:$0x1FE00] =	vst v63  }
0x1fd: {  	s30 =	simm.s32 @!p0 $0x0;
	s29 =	sshll.u32 @!p0 s0, $0xA;
	_ =	swait.ge [sflag:s12], $0x2000  }
0x1fe: {  	s31 =	simm.s32 @!p0 $0x8200;
	s29 =	sand.u32 @!p0 $0x1FFFF800, s29;
	[sflag:s12] =	ssyncset.done $0x0  }
0x1ff: {  	s0 =	sshll.u32 @!p0 s0, $0x4;
	s29 =	sadd.s32 @!p0 s8, s29;
	[sflag:s12] =	ssyncadd.s32 $0xFFFFE000  }
0x200: {  	[tilespmem:s31], [sflag:$0x1] =	stream.linear.gather @!p0 [hbm4b:s29+s30], $0x2000, $0x38;
	[tilespmem:$0x1FE00] =	vst v63  }
0x201: {  	s29 =	sand.u32 @!p0 $0x1FFFFFE0, s0  }
0x202: {  	s31 =	simm.s32 @!p0 $0x8000;
	s0 =	sand.u32 @!p0 $0xFFFFFE0, s0;
	s29 =	sadd.s32 @!p0 s1, s29  }
0x203: {  	[tilespmem:s31], [sflag:$0x1] =	stream.linear.gather @!p0 [hbm4b:s29+s30], $0x80, $0x38;
	[tilespmem:$0x1FE00] =	vst v63  }
0x204: {  	s0 =	sadd.s32 @!p0 s2, s0;
	s29 =	simm.s32 @!p0 $0x8100  }
0x205: {  	[tilespmem:s29], [sflag:$0x1] =	stream.linear.gather @!p0 [hbm4b:s0+s30], $0x80, $0x38;
	[tilespmem:$0x1FE00] =	vst v63  }
0x206: {  	_ =	swait.ge [sflag:s26], $0x2000  }
0x207: {  	[sflag:s26] =	ssyncset.done $0x0  }
0x208: {  	s31 =	simm.s32 $0x0;
	[sflag:s26] =	ssyncadd.s32 $0xFFFFE000  }
0x209: {  	v6 =	vld [tilespmem:s31+$0xA200]  }
0x20a: {  	v2 =	vld [tilespmem:s31+$0x6030]  }
0x20b: {  	v4 =	vld [tilespmem:s31+$0x6000]  }
0x20c: {  	v5 =	vld [tilespmem:s31+$0x6010]  }
0x20d: {  	v7 =	vld [tilespmem:s31+$0x6020]  }
0x20e: {  	s0 =	simm.s32 $0x80  }
0x20f: {  	v1 =	vld [tilespmem:s0+$0xA200];
	v8 =	vmul.f32 v2, v6  }
0x210: {  	v3 =	vld [tilespmem:s0+$0x6030];
	v9 =	vmul.f32 v4, v6  }
0x211: {  	v2 =	vld [tilespmem:s0+$0x6000];
	[tilespmem:s31+$0x2030] =	vst v8;
	v8 =	vmul.f32 v5, v6  }
0x212: {  	v6 =	vmul.f32 v7, v6;
	v4 =	vld [tilespmem:s0+$0x6010];
	[tilespmem:s31+$0x2000] =	vst v9  }
0x213: {  	s28 =	sadd.s32 $0x1, s28;
	s29 =	simm.s32 $0x400;
	v5 =	vld [tilespmem:s0+$0x6020];
	[tilespmem:s31+$0x2010] =	vst v8  }
.LBB2_23:
0x214: {  	[tilespmem:s31+$0x2020] =	vst v6;
	v6 =	vmov v1;
	s31 =	smov.u32 s0;
	s0 =	sshra.s32 s29, $0x2;
	p0 =	sne.s32 s29, $0x7E00  }
.Ltmp10:
0x215: {  	s29 =	sadd.s32 $0x200, s29;
	v1 =	vld [tilespmem:s0+$0xA200];
	v7 =	vmul.f32 v3, v6;
	(pc) =	sbr.rel @p0 .LBB2_23-.Ltmp10, $4  }
0x216: {  	v3 =	vld [tilespmem:s0+$0x6030];
	v8 =	vmul.f32 v2, v6  }
0x217: {  	v2 =	vld [tilespmem:s0+$0x6000];
	v9 =	vmul.f32 v4, v6;
	[tilespmem:s31+$0x2030] =	vst v7  }
0x218: {  	v4 =	vld [tilespmem:s0+$0x6010];
	v6 =	vmul.f32 v5, v6;
	[tilespmem:s31+$0x2000] =	vst v8  }
0x219: {  	v5 =	vld [tilespmem:s0+$0x6020];
	[tilespmem:s31+$0x2010] =	vst v9  }
0x21a: {  	_ = 	snop  }
0x21b: {  	v3 =	vmul.f32 v3, v1  }
0x21c: {  	[tilespmem:s31+$0x2020] =	vst v6;
	p0 =	sne.s32 s28, $0x28;
	v2 =	vmul.f32 v2, v1  }
.Ltmp11:
0x21d: {  	v4 =	vmul.f32 v4, v1;
	[tilespmem:s0+$0x2030] =	vst v3;
	(pc) =	sbr.rel @p0 .LBB2_20-.Ltmp11, $4  }
0x21e: {  	v1 =	vmul.f32 v5, v1;
	[tilespmem:s0+$0x2000] =	vst v2  }
0x21f: {  	[tilespmem:s0+$0x2010] =	vst v4  }
0x220: {  	[tilespmem:s0+$0x2020] =	vst v1  }
0x221: {  	[spmem:s5] =	stream.indirect.scatter.add.f32 [tilespmem:s25], [sflag:$0x6], $0x80, s13, s23, $0xb8;
	[tilespmem:$0x1FE00] =	vst v63  }
0x222: {  	s0 =	simm.s32 $0x6  }
0x223: {  	_ =	swait.ge [sflag:s0], $0x2000  }
0x224: {  	[sflag:s0] =	ssyncset.done $0x0  }
0x225: {  	[sflag:s0] =	ssyncadd.s32 $0xFFFFE000  }
0x226: {  	[bflag:$0x0] =	sbarrier.arrive $0xFFFF  }
0x227: {  	s29 =	rddreg [dreg:$0x12]  }
0x228: {  	s9 =	rddreg [dreg:$0x1b]  }
0x229: {  	s28 =	rddreg [dreg:$0x1c]  }
0x22a: {  	[hbm:s29], [sflag:s9] =	dma.local [spmem:s28], $0x2780  }
0x22b: {  	_ =	swait.ge [sflag:s17], $0x2780  }
0x22c: {  	s30 =	rddreg [dreg:$0x1a]  }
0x22d: {  	s31 =	rddreg [dreg:$0x13];
	s9 =	sadd.s32 $0x1, s30  }
0x22e: {  	p0 =	sne.s32 s9, s31  }
.Ltmp12:
0x22f: {  	_ = 	snop;
	(pc) =	sbr.rel @p0 .LBB2_1-.Ltmp12, $3  }
0x230: {  	_ =	sdelay $0x1  }
0x231: {  	[sflag:s17] =	ssyncset.done $0x0  }
0x232: {  	[sflag:s17] =	ssyncadd.s32 $0xFFFFD880  }
0x233: {  	_ =	sfence.sel $0x180000  }
0x234: {  	[bflag:$0x0] =	sbarrier.arrive $0xFFFF  }
0x235: {  	_ =	strace $0x90000047  }
0x236: {  	s0 =	stileid.u32;
	[bflag:$0x2] =	sbarrier.arrive $0xFFFF  }
0x237: {  	p0 =	sne.s32 s0, $0x0;
	s0 =	rddreg [dreg:$0x5]  }
0x238: {  	s0 =	sadd.s32 @!p0 $0x100000, s0  }
0x239: {  	[sflag:s0] =	ssyncadd.tile.s32 @!p0 $0x1;
	_ =	shalt  }
.Lfunc_end2:
_tile_overlayer_lowered:
.L_overlay_start_2:
0x23a: {  	(tag) =	ssettag $0x2  }
0x23b: {  	s0 =	rddreg [dreg:$0x0];
	s2 =	stileid.u32  }
0x23c: {  	s1 =	rddreg [dreg:$0x1];
	p0 =	sne.s32 s2, $0x0  }
0x23d: {  	s3 =	rddreg [dreg:$0x2];
	[bflag:$0x3] =	sbarrier.arrive $0xFFFF;
	s2 =	simm.s32 @!p0 $0x1C07  }
0x23e: {  	[timem:s3], [sflag:s2] =	dma.local @!p0 [hbm:s0], s1  }
0x23f: {  	s0 =	simm.s32 @!p0 $0x7  }
0x240: {  	_ =	swait.ge @!p0 [sflag:s0], s1  }
0x241: {  	s1 =	ssub.s32 @!p0 $0x0, s1;
	[sflag:s0] =	ssyncset.done @!p0 $0x0  }
0x242: {  	[sflag:s0] =	ssyncadd.s32 @!p0 s1  }
0x243: {  	[bflag:$0x3] =	sbarrier.arrive $0xFFFF  }
0x244: {  	_ =	shalt  }

</sc_bundles>
